<compile_context>
chip_gen: v7x
topology: tpu7x:2x2x1
jax: 0.10.2.dev20260603
libtpu: 0.0.44.dev20260713+nightly
codegen_flags: <defaults>
</compile_context>

<pallas_src>
import functools

import jax
import jax.numpy as jnp
from jax import lax
from jax.experimental import pallas as pl
from jax.experimental.pallas import tpu as pltpu
from jax.experimental.pallas import tpu_sc as plsc

DIM = 256
TOK = 8192
NC = 2
NS = 16
NW = NC * NS
BPW = TOK // NW


_DIMS = (((1,), (1,)), ((), ()))


def _argmin_body(K, KT, TT, bf16_carry, fused, *refs):
    if fused:
        r_ref, q_ref, cn_ref, cb_ref, idx_ref, rout_ref, mse_ref, acc_ref = refs
        d = r_ref[...] - q_ref[...]
        rout_ref[...] = d
    else:
        r_ref, cn_ref, cb_ref, idx_ref = refs
        d = r_ref[...]
    rn = jnp.sum(d * d, axis=1, keepdims=True)
    if fused:
        t = pl.program_id(0)
        s = jnp.sum(rn, axis=0, keepdims=True)

        @pl.when(t == 0)
        def _():
            acc_ref[...] = s

        @pl.when(t != 0)
        def _():
            acc_ref[...] = acc_ref[...] + s

        mse_ref[...] = acc_ref[...] * (1.0 / (TOK * DIM))
    lhs = (2.0 * d).astype(jnp.bfloat16)
    iota = lax.broadcasted_iota(jnp.int32, (TT, KT), 1)
    best_val = jnp.full((TT, 1), jnp.inf, jnp.float32)
    best_idx = jnp.zeros((TT, 1), jnp.int32)
    for kt in range(K // KT):
        c = cb_ref[pl.ds(kt * KT, KT), :]
        cn = cn_ref[:, pl.ds(kt * KT, KT)]
        mm = lax.dot_general(lhs, c, _DIMS,
                             preferred_element_type=jnp.float32)
        scores = (rn - mm) + cn
        minv = jnp.min(scores, axis=1, keepdims=True)
        lidx = jnp.min(jnp.where(scores == minv, iota, jnp.int32(2**30)),
                       axis=1, keepdims=True) + (kt * KT)
        better = (minv < best_val) | ((minv == best_val) & (lidx < best_idx))
        best_idx = jnp.where(better, lidx, best_idx)
        best_val = jnp.where(better, minv, best_val)
        if bf16_carry:
            best_val = best_val.astype(jnp.bfloat16).astype(jnp.float32)
    idx_ref[...] = best_idx


def _vq_argmin(r, q, cb, cn):
    K = cb.shape[0]
    TT = 2048
    KT = min(K, 2048)
    fused = q is not None
    big = pl.BlockSpec((TT, DIM), lambda t: (t, 0))
    col = pl.BlockSpec((TT, 1), lambda t: (t, 0))
    one = pl.BlockSpec((1, 1), lambda t: (0, 0))
    in_specs = ([big] + ([big] if fused else [])
                + [pl.BlockSpec((1, K), lambda t: (0, 0)),
                   pl.BlockSpec((K, DIM), lambda t: (0, 0))])
    out_specs = [col]
    out_shape = [jax.ShapeDtypeStruct((TOK, 1), jnp.int32)]
    if fused:
        out_specs += [big, one]
        out_shape += [jax.ShapeDtypeStruct((TOK, DIM), jnp.float32),
                      jax.ShapeDtypeStruct((1, 1), jnp.float32)]
    args = (r,) + ((q,) if fused else ()) + (cn, cb)
    out = pl.pallas_call(
        functools.partial(_argmin_body, K, KT, TT, K > 2048, fused),
        grid=(TOK // TT,),
        in_specs=in_specs,
        out_specs=out_specs,
        out_shape=out_shape,
        scratch_shapes=[pltpu.VMEM((1, 1), jnp.float32)] if fused else [],
    )(*args)
    return out if fused else out[0]


def _make_sc_gather(K):
    mesh = plsc.VectorSubcoreMesh(core_axis_name="c", subcore_axis_name="s")

    @functools.partial(
        pl.kernel, mesh=mesh,
        out_type=jax.ShapeDtypeStruct((TOK, DIM), jnp.float32),
        scratch_types=[pltpu.VMEM((BPW,), jnp.int32),
                       pltpu.VMEM((BPW, DIM), jnp.float32),
                       pltpu.SemaphoreType.DMA],
    )
    def k(cb_hbm, idx_hbm, q_hbm, idx_v, rows_v, sem):
        cid = lax.axis_index("c")
        sid = lax.axis_index("s")
        wid = sid * NC + cid
        base = wid * BPW
        pltpu.sync_copy(idx_hbm.at[pl.ds(base, BPW)], idx_v)
        pltpu.async_copy(cb_hbm.at[idx_v], rows_v, sem).wait()
        pltpu.sync_copy(rows_v, q_hbm.at[pl.ds(base, BPW)])

    return k


def _make_sc_bincount(K):
    mesh = plsc.VectorSubcoreMesh(core_axis_name="c", subcore_axis_name="s")

    @functools.partial(
        pl.kernel, mesh=mesh,
        out_type=jax.ShapeDtypeStruct((NC, K), jnp.float32),
        scratch_types=[pltpu.VMEM((BPW,), jnp.int32),
                       pltpu.VMEM((K,), jnp.float32),
                       pltpu.VMEM((BPW,), jnp.float32),
                       pltpu.VMEM_SHARED((K,), jnp.float32)],
    )
    def k(idx_hbm, counts_hbm, idx_v, z_v, ones_v, cnt_sh):
        cid = lax.axis_index("c")
        sid = lax.axis_index("s")
        wid = sid * NC + cid
        base = wid * BPW
        pltpu.sync_copy(idx_hbm.at[pl.ds(base, BPW)], idx_v)
        z16 = jnp.zeros((16,), jnp.float32)
        def zb(i, c):
            z_v[pl.ds(i * 16, 16)] = z16
            return c
        lax.fori_loop(0, K // 16, zb, 0)
        o16 = jnp.ones((16,), jnp.float32)
        def ob(i, c):
            ones_v[pl.ds(i * 16, 16)] = o16
            return c
        lax.fori_loop(0, BPW // 16, ob, 0)

        @pl.when(sid == 0)
        def _():
            pltpu.sync_copy(z_v, cnt_sh)
        plsc.subcore_barrier()
        pltpu.sync_copy(ones_v, cnt_sh.at[idx_v], add=True)
        plsc.subcore_barrier()

        @pl.when(sid == 0)
        def _():
            pltpu.sync_copy(cnt_sh, counts_hbm.at[cid])

    return k


def _final_body(r_ref, q_ref, x_ref, mse_ref, qout_ref, acc_ref):
    t = pl.program_id(0)
    d = r_ref[...] - q_ref[...]
    qout_ref[...] = x_ref[...] - d
    s = jnp.sum(d * d, axis=1, keepdims=True)
    s = jnp.sum(s, axis=0, keepdims=True)

    @pl.when(t == 0)
    def _():
        acc_ref[...] = s

    @pl.when(t != 0)
    def _():
        acc_ref[...] = acc_ref[...] + s

    mse_ref[...] = acc_ref[...] * (1.0 / (TOK * DIM))


def _final_resid(r, q, x):
    TT = 2048
    big = pl.BlockSpec((TT, DIM), lambda t: (t, 0))
    one = pl.BlockSpec((1, 1), lambda t: (0, 0))
    return pl.pallas_call(
        _final_body,
        grid=(TOK // TT,),
        in_specs=[big, big, big],
        out_specs=[one, big],
        out_shape=[jax.ShapeDtypeStruct((1, 1), jnp.float32),
                   jax.ShapeDtypeStruct((TOK, DIM), jnp.float32)],
        scratch_shapes=[pltpu.VMEM((1, 1), jnp.float32)],
    )(r, q, x)


def _perp_body(c0_ref, c1_ref, c2_ref, p0_ref, p1_ref, p2_ref):
    for cref, pref in ((c0_ref, p0_ref), (c1_ref, p1_ref), (c2_ref, p2_ref)):
        cnt = jnp.sum(cref[...], axis=0, keepdims=True)
        p = cnt / float(TOK)
        e = jnp.sum(p * jnp.log(p + 1e-10), axis=1, keepdims=True)
        pref[...] = jnp.exp(-e)


def _perplexity(c0, c1, c2):
    full = lambda arr: pl.BlockSpec(arr.shape, lambda: (0,) * arr.ndim)
    one = pl.BlockSpec((1, 1), lambda: (0, 0))
    return pl.pallas_call(
        _perp_body,
        in_specs=[full(c0), full(c1), full(c2)],
        out_specs=[one, one, one],
        out_shape=[jax.ShapeDtypeStruct((1, 1), jnp.float32)] * 3,
    )(c0, c1, c2)


def kernel(x, codebook_0, codebook_1, codebook_2):
    B, N, _ = x.shape
    r0 = x.reshape(TOK, DIM)
    cns = [jnp.sum(cb * cb, axis=1)[None, :]
           for cb in (codebook_0, codebook_1, codebook_2)]

    idx0 = _vq_argmin(r0, None, codebook_0, cns[0])
    q0 = _make_sc_gather(codebook_0.shape[0])(codebook_0, idx0.reshape(TOK))
    cnt0 = _make_sc_bincount(codebook_0.shape[0])(idx0.reshape(TOK))
    idx1, r1, m0 = _vq_argmin(r0, q0, codebook_1, cns[1])
    q1 = _make_sc_gather(codebook_1.shape[0])(codebook_1, idx1.reshape(TOK))
    cnt1 = _make_sc_bincount(codebook_1.shape[0])(idx1.reshape(TOK))
    idx2, r2, m1 = _vq_argmin(r1, q1, codebook_2, cns[2])
    q2 = _make_sc_gather(codebook_2.shape[0])(codebook_2, idx2.reshape(TOK))
    cnt2 = _make_sc_bincount(codebook_2.shape[0])(idx2.reshape(TOK))
    m2, qout = _final_resid(r2, q2, r0)

    p0, p1, p2 = _perplexity(cnt0, cnt1, cnt2)

    quantized_out = qout.reshape(B, N, DIM)
    indices_cat = jnp.concatenate(
        [idx0.reshape(B, 1, N), idx1.reshape(B, 1, N), idx2.reshape(B, 1, N)],
        axis=1)
    mses = jnp.concatenate([m0.reshape(1), m1.reshape(1), m2.reshape(1)])
    loss_cat = mses + 0.25 * mses
    perplexity_cat = jnp.concatenate(
        [p0.reshape(1), p1.reshape(1), p2.reshape(1)])
    return (quantized_out, indices_cat, loss_cat, perplexity_cat, mses)

# --- scband reference (transcript-rebuilt; emitter-appended) ---
"""Pipeline reference for scband-variable-rvq-18468359373176 (READ-ONLY COPY).

The authoritative reference and input builder live on the scoring server;
editing this copy changes nothing except your own understanding.
"""

import jax, jax.numpy as jnp
import numpy as np

DIM = 256
CB_SIZES = [8192, 1024, 512]


def setup_inputs(seed: int = 0) -> dict:
    key = jax.random.key(seed)
    ks = jax.random.split(key, 1 + len(CB_SIZES))
    x = jax.random.normal(ks[0], (8, 1024, DIM), dtype=jnp.float32)
    inp = {"x": x}
    for i, K in enumerate(CB_SIZES):
        inp[f"codebook_{i}"] = jax.random.normal(ks[i + 1], (K, DIM), dtype=jnp.float32) * 0.02
    return inp


def _vq_layer(residual, codebook):
    # standard VectorQuantize: nearest-neighbor lookup + straight-through
    B, N, D = residual.shape
    flat = residual.reshape(-1, D)
    dist = (
        jnp.sum(flat ** 2, axis=1, keepdims=True)
        - 2.0 * flat @ codebook.T
        + jnp.sum(codebook ** 2, axis=1)[None, :]
    )
    idx = jnp.argmin(dist, axis=1)
    q = jnp.take(codebook, idx, axis=0).reshape(B, N, D)
    commit_loss = jnp.mean((jax.lax.stop_gradient(q) - residual) ** 2)
    codebook_loss = jnp.mean((q - jax.lax.stop_gradient(residual)) ** 2)
    loss = (codebook_loss + 0.25 * commit_loss)[None]  # shape (1,) for cat
    q_st = residual + jax.lax.stop_gradient(q - residual)
    K = codebook.shape[0]
    counts = jnp.bincount(idx, length=K).astype(jnp.float32)
    probs = counts / flat.shape[0]
    perplexity = jnp.exp(-jnp.sum(probs * jnp.log(probs + 1e-10)))
    return q_st, idx.reshape(B, N), loss, perplexity


def reference(x, codebook_0, codebook_1, codebook_2):
    codebooks = [codebook_0, codebook_1, codebook_2]
    quantized_out = jnp.zeros_like(x)
    residual = x
    mse_list = []
    indices_cat = None
    loss_cat = None
    perplexity_cat = None
    for i, cb in enumerate(codebooks):
        quantized, indices, loss, usage = _vq_layer(residual, cb)
        residual = residual - quantized
        quantized_out = quantized_out + quantized
        idx_e = indices[:, None, :]
        indices_cat = idx_e if i == 0 else jnp.concatenate([indices_cat, idx_e], axis=1)
        loss_cat = loss if i == 0 else jnp.concatenate([loss_cat, loss], axis=0)
        u = usage[None]
        perplexity_cat = u if i == 0 else jnp.concatenate([perplexity_cat, u], axis=0)
        mse_list.append(jnp.mean((x - quantized_out) ** 2))
    return (quantized_out, indices_cat, loss_cat, perplexity_cat, jnp.stack(mse_list))

if __name__ == "__main__":
    import jax
    _d = setup_inputs()
    print(jax.jit(kernel)(*tuple(_d.values())))

</pallas_src>

<mosaic_0001>
#map = affine_map<(d0, d1) -> (0)>
#map1 = affine_map<(d0, d1) -> (0, 0)>
module attributes {stable_mosaic.version = 14 : i64} {
  func.func @k(%arg0: i32, %arg1: i32, %arg2: memref<8192xi32, #tpu.memory_space<hbm>>, %arg3: memref<2x8192xf32, #tpu.memory_space<hbm>>, %arg4: memref<256xi32, #tpu.memory_space<vmem>>, %arg5: memref<8192xf32, #tpu.memory_space<vmem>>, %arg6: memref<256xf32, #tpu.memory_space<vmem>>, %arg7: memref<8192xf32, #tpu.memory_space<vmem_shared>>) attributes {dimension_semantics = [#tpu.dimension_semantics<core_parallel>, #tpu.dimension_semantics<subcore_parallel>], iteration_bounds = array<i64: 2, 16>, scalar_prefetch = 0 : i64, scratch_operands = 4 : i64, tpu.core_type = #tpu.core_type<sc_vector_subcore>, window_params = [{transform_indices = #map}, {transform_indices = #map1}]} {
    %mul3A = arith.constant 2 : i32
    %mul3A_0 = arith.muli %arg1, %mul3A : i32
    %add3A = arith.addi %mul3A_0, %arg0 : i32
    %mul3A_1 = arith.constant 256 : i32
    %mul3A_2 = arith.muli %add3A, %mul3A_1 : i32
    "tpu.region"() ({
      %run_scoped3A = tpu.sem_alloc : memref<!tpu.dma_semaphore, #tpu.memory_space<semaphore_mem>>
      %dma_start3A = tpu.memref_slice %arg2[%mul3A_2] : memref<8192xi32, #tpu.memory_space<hbm>> -> memref<256xi32, #tpu.memory_space<hbm>>
      %dma_start3A_25 = tpu.memref_slice %arg2[%mul3A_2] : memref<8192xi32, #tpu.memory_space<hbm>> -> memref<256xi32, #tpu.memory_space<hbm>>
      tpu.enqueue_dma source(%dma_start3A_25 : memref<256xi32, #tpu.memory_space<hbm>>) target(%arg4 : memref<256xi32, #tpu.memory_space<vmem>>) target_semaphore(%run_scoped3A : memref<!tpu.dma_semaphore, #tpu.memory_space<semaphore_mem>>)
      %dma_wait3A = tpu.memref_slice %arg2[%mul3A_2] : memref<8192xi32, #tpu.memory_space<hbm>> -> memref<256xi32, #tpu.memory_space<hbm>>
      %dma_wait3A_26 = tpu.memref_slice %arg2[%mul3A_2] : memref<8192xi32, #tpu.memory_space<hbm>> -> memref<256xi32, #tpu.memory_space<hbm>>
      tpu.wait_dma2 semaphore(%run_scoped3A : memref<!tpu.dma_semaphore, #tpu.memory_space<semaphore_mem>>) src(%dma_wait3A_26 : memref<256xi32, #tpu.memory_space<hbm>>) dst(%arg4 : memref<256xi32, #tpu.memory_space<vmem>>)
      tpu.yield
    }) : () -> ()
    %broadcast_in_dim3A = arith.constant 0.000000e+00 : f32
    %broadcast_in_dim3A_3 = vector.broadcast %broadcast_in_dim3A : f32 to vector<16xf32>
    %scan3A = arith.constant 0 : i32
    %scan3A_4 = arith.constant 0 : i32
    %scan3A_5 = arith.constant 512 : i32
    %scan3A_6 = arith.addi %scan3A_4, %scan3A_5 : i32
    %scan3A_7 = arith.constant 1 : i32
    scf.for %scan3A_25 = %scan3A_4 to %scan3A_6 step %scan3A_7  : i32 {
      %mul3A_26 = arith.constant 16 : i32
      %mul3A_27 = arith.muli %scan3A_25, %mul3A_26 : i32
      %swap3A = arith.index_cast %mul3A_27 : i32 to index
      %swap3A_28 = tpu.vector_load %arg5[%swap3A] {strides = array<i32>} : memref<8192xf32, #tpu.memory_space<vmem>>, vector<16xf32>,
      %swap3A_29 = vector.shape_cast %swap3A_28 : vector<16xf32> to vector<16xf32>
      %swap3A_30 = vector.shape_cast %broadcast_in_dim3A_3 : vector<16xf32> to vector<16xf32>
      tpu.vector_store %arg5[%swap3A], %swap3A_30 {strides = array<i32>} : memref<8192xf32, #tpu.memory_space<vmem>>, vector<16xf32>,
    }
    %scan3A_8 = arith.constant 512 : i32
    %broadcast_in_dim3A_9 = arith.constant 1.000000e+00 : f32
    %broadcast_in_dim3A_10 = vector.broadcast %broadcast_in_dim3A_9 : f32 to vector<16xf32>
    %scan3A_11 = arith.constant 0 : i32
    %scan3A_12 = arith.constant 0 : i32
    %scan3A_13 = arith.constant 16 : i32
    %scan3A_14 = arith.addi %scan3A_12, %scan3A_13 : i32
    %scan3A_15 = arith.constant 1 : i32
    scf.for %scan3A_25 = %scan3A_12 to %scan3A_14 step %scan3A_15  : i32 {
      %mul3A_26 = arith.constant 16 : i32
      %mul3A_27 = arith.muli %scan3A_25, %mul3A_26 : i32
      %swap3A = arith.index_cast %mul3A_27 : i32 to index
      %swap3A_28 = tpu.vector_load %arg6[%swap3A] {strides = array<i32>} : memref<256xf32, #tpu.memory_space<vmem>>, vector<16xf32>,
      %swap3A_29 = vector.shape_cast %swap3A_28 : vector<16xf32> to vector<16xf32>
      %swap3A_30 = vector.shape_cast %broadcast_in_dim3A_10 : vector<16xf32> to vector<16xf32>
      tpu.vector_store %arg6[%swap3A], %swap3A_30 {strides = array<i32>} : memref<256xf32, #tpu.memory_space<vmem>>, vector<16xf32>,
    }
    %scan3A_16 = arith.constant 16 : i32
    %eq3A = arith.constant 0 : i32
    %eq3A_17 = arith.cmpi eq, %arg1, %eq3A : i32
    %convert_element_type3A = arith.extui %eq3A_17 : i1 to i32
    %cond3A = arith.constant 0 : i32
    %cond3A_18 = arith.cmpi ne, %convert_element_type3A, %cond3A : i32
    scf.if %cond3A_18 {
      "tpu.region"() ({
        %run_scoped3A = tpu.sem_alloc : memref<!tpu.dma_semaphore, #tpu.memory_space<semaphore_mem>>
        tpu.enqueue_dma source(%arg5 : memref<8192xf32, #tpu.memory_space<vmem>>) target(%arg7 : memref<8192xf32, #tpu.memory_space<vmem_shared>>) target_semaphore(%run_scoped3A : memref<!tpu.dma_semaphore, #tpu.memory_space<semaphore_mem>>)
        tpu.wait_dma2 semaphore(%run_scoped3A : memref<!tpu.dma_semaphore, #tpu.memory_space<semaphore_mem>>) src(%arg5 : memref<8192xf32, #tpu.memory_space<vmem>>) dst(%arg7 : memref<8192xf32, #tpu.memory_space<vmem_shared>>)
        tpu.yield
      }) : () -> ()
    } else {
    }
    %barrier3A = arith.constant 0 : index
    tpu.barrier barrier_id(%barrier3A)
    "tpu.region"() ({
      %run_scoped3A = tpu.sem_alloc : memref<!tpu.dma_semaphore, #tpu.memory_space<semaphore_mem>>
      %dma_start3A = arith.constant 0 : i32
      %dma_start3A_25 = tpu.memref_slice %arg7[%dma_start3A] : memref<8192xf32, #tpu.memory_space<vmem_shared>> -> memref<8192xf32, #tpu.memory_space<vmem_shared>>
      tpu.enqueue_indirect_dma source(%arg6 : memref<256xf32, #tpu.memory_space<vmem>>) target(%dma_start3A_25 : memref<8192xf32, #tpu.memory_space<vmem_shared>>) offsets(%arg4 : memref<256xi32, #tpu.memory_space<vmem>>) semaphore(%run_scoped3A : memref<!tpu.dma_semaphore, #tpu.memory_space<semaphore_mem>>) {add = true}
      %dma_wait3A = arith.constant 0 : i32
      %dma_wait3A_26 = tpu.memref_slice %arg7[%dma_wait3A] : memref<8192xf32, #tpu.memory_space<vmem_shared>> -> memref<8192xf32, #tpu.memory_space<vmem_shared>>
      tpu.wait_indirect_dma semaphore(%run_scoped3A : memref<!tpu.dma_semaphore, #tpu.memory_space<semaphore_mem>>) src(%arg6 : memref<256xf32, #tpu.memory_space<vmem>>) dst(%dma_wait3A_26 : memref<8192xf32, #tpu.memory_space<vmem_shared>>)
      tpu.yield
    }) : () -> ()
    %barrier3A_19 = arith.constant 0 : index
    tpu.barrier barrier_id(%barrier3A_19)
    %eq3A_20 = arith.constant 0 : i32
    %eq3A_21 = arith.cmpi eq, %arg1, %eq3A_20 : i32
    %convert_element_type3A_22 = arith.extui %eq3A_21 : i1 to i32
    %cond3A_23 = arith.constant 0 : i32
    %cond3A_24 = arith.cmpi ne, %convert_element_type3A_22, %cond3A_23 : i32
    scf.if %cond3A_24 {
      "tpu.region"() ({
        %run_scoped3A = tpu.sem_alloc : memref<!tpu.dma_semaphore, #tpu.memory_space<semaphore_mem>>
        %dma_start3A = arith.constant 0 : i32
        %dma_start3A_25 = tpu.memref_slice %arg3[%arg0, %dma_start3A] : memref<2x8192xf32, #tpu.memory_space<hbm>> -> memref<1x8192xf32, #tpu.memory_space<hbm>>
        %dma_start3A_26 = tpu.memref_squeeze %dma_start3A_25 : memref<1x8192xf32, #tpu.memory_space<hbm>> -> memref<8192xf32, #tpu.memory_space<hbm>>
        tpu.enqueue_dma source(%arg7 : memref<8192xf32, #tpu.memory_space<vmem_shared>>) target(%dma_start3A_26 : memref<8192xf32, #tpu.memory_space<hbm>>) target_semaphore(%run_scoped3A : memref<!tpu.dma_semaphore, #tpu.memory_space<semaphore_mem>>)
        %dma_wait3A = arith.constant 0 : i32
        %dma_wait3A_27 = tpu.memref_slice %arg3[%arg0, %dma_wait3A] : memref<2x8192xf32, #tpu.memory_space<hbm>> -> memref<1x8192xf32, #tpu.memory_space<hbm>>
        %dma_wait3A_28 = tpu.memref_squeeze %dma_wait3A_27 : memref<1x8192xf32, #tpu.memory_space<hbm>> -> memref<8192xf32, #tpu.memory_space<hbm>>
        tpu.wait_dma2 semaphore(%run_scoped3A : memref<!tpu.dma_semaphore, #tpu.memory_space<semaphore_mem>>) src(%arg7 : memref<8192xf32, #tpu.memory_space<vmem_shared>>) dst(%dma_wait3A_28 : memref<8192xf32, #tpu.memory_space<hbm>>)
        tpu.yield
      }) : () -> ()
    } else {
    }
    return
  }
}

#map = affine_map<(d0, d1) -> (0, 0)>
#map1 = affine_map<(d0, d1) -> (0)>
module attributes {stable_mosaic.version = 14 : i64} {
  func.func @k(%arg0: i32, %arg1: i32, %arg2: memref<8192x256xf32, #tpu.memory_space<hbm>>, %arg3: memref<8192xi32, #tpu.memory_space<hbm>>, %arg4: memref<8192x256xf32, #tpu.memory_space<hbm>>, %arg5: memref<256xi32, #tpu.memory_space<vmem>>, %arg6: memref<256x256xf32, #tpu.memory_space<vmem>>, %arg7: memref<!tpu.dma_semaphore, #tpu.memory_space<semaphore_mem>>) attributes {dimension_semantics = [#tpu.dimension_semantics<core_parallel>, #tpu.dimension_semantics<subcore_parallel>], iteration_bounds = array<i64: 2, 16>, scalar_prefetch = 0 : i64, scratch_operands = 3 : i64, tpu.core_type = #tpu.core_type<sc_vector_subcore>, window_params = [{transform_indices = #map}, {transform_indices = #map1}, {transform_indices = #map}]} {
    %mul3A = arith.constant 2 : i32
    %mul3A_0 = arith.muli %arg1, %mul3A : i32
    %add3A = arith.addi %mul3A_0, %arg0 : i32
    %mul3A_1 = arith.constant 256 : i32
    %mul3A_2 = arith.muli %add3A, %mul3A_1 : i32
    "tpu.region"() ({
      %run_scoped3A = tpu.sem_alloc : memref<!tpu.dma_semaphore, #tpu.memory_space<semaphore_mem>>
      %dma_start3A_7 = tpu.memref_slice %arg3[%mul3A_2] : memref<8192xi32, #tpu.memory_space<hbm>> -> memref<256xi32, #tpu.memory_space<hbm>>
      %dma_start3A_8 = tpu.memref_slice %arg3[%mul3A_2] : memref<8192xi32, #tpu.memory_space<hbm>> -> memref<256xi32, #tpu.memory_space<hbm>>
      tpu.enqueue_dma source(%dma_start3A_8 : memref<256xi32, #tpu.memory_space<hbm>>) target(%arg5 : memref<256xi32, #tpu.memory_space<vmem>>) target_semaphore(%run_scoped3A : memref<!tpu.dma_semaphore, #tpu.memory_space<semaphore_mem>>)
      %dma_wait3A_9 = tpu.memref_slice %arg3[%mul3A_2] : memref<8192xi32, #tpu.memory_space<hbm>> -> memref<256xi32, #tpu.memory_space<hbm>>
      %dma_wait3A_10 = tpu.memref_slice %arg3[%mul3A_2] : memref<8192xi32, #tpu.memory_space<hbm>> -> memref<256xi32, #tpu.memory_space<hbm>>
      tpu.wait_dma2 semaphore(%run_scoped3A : memref<!tpu.dma_semaphore, #tpu.memory_space<semaphore_mem>>) src(%dma_wait3A_10 : memref<256xi32, #tpu.memory_space<hbm>>) dst(%arg5 : memref<256xi32, #tpu.memory_space<vmem>>)
      tpu.yield
    }) : () -> ()
    %dma_start3A = arith.constant 0 : i32
    %dma_start3A_3 = arith.constant 0 : i32
    %dma_start3A_4 = tpu.memref_slice %arg2[%dma_start3A, %dma_start3A_3] : memref<8192x256xf32, #tpu.memory_space<hbm>> -> memref<8192x256xf32, #tpu.memory_space<hbm>>
    tpu.enqueue_indirect_dma source(%dma_start3A_4 : memref<8192x256xf32, #tpu.memory_space<hbm>>) target(%arg6 : memref<256x256xf32, #tpu.memory_space<vmem>>) offsets(%arg5 : memref<256xi32, #tpu.memory_space<vmem>>) semaphore(%arg7 : memref<!tpu.dma_semaphore, #tpu.memory_space<semaphore_mem>>)
    %dma_wait3A = arith.constant 0 : i32
    %dma_wait3A_5 = arith.constant 0 : i32
    %dma_wait3A_6 = tpu.memref_slice %arg2[%dma_wait3A, %dma_wait3A_5] : memref<8192x256xf32, #tpu.memory_space<hbm>> -> memref<8192x256xf32, #tpu.memory_space<hbm>>
    tpu.wait_indirect_dma semaphore(%arg7 : memref<!tpu.dma_semaphore, #tpu.memory_space<semaphore_mem>>) src(%dma_wait3A_6 : memref<8192x256xf32, #tpu.memory_space<hbm>>) dst(%arg6 : memref<256x256xf32, #tpu.memory_space<vmem>>)
    "tpu.region"() ({
      %run_scoped3A = tpu.sem_alloc : memref<!tpu.dma_semaphore, #tpu.memory_space<semaphore_mem>>
      %dma_start3A_7 = arith.constant 0 : i32
      %dma_start3A_8 = tpu.memref_slice %arg4[%mul3A_2, %dma_start3A_7] : memref<8192x256xf32, #tpu.memory_space<hbm>> -> memref<256x256xf32, #tpu.memory_space<hbm>>
      %dma_start3A_9 = arith.constant 0 : i32
      %dma_start3A_10 = tpu.memref_slice %arg4[%mul3A_2, %dma_start3A_9] : memref<8192x256xf32, #tpu.memory_space<hbm>> -> memref<256x256xf32, #tpu.memory_space<hbm>>
      tpu.enqueue_dma source(%arg6 : memref<256x256xf32, #tpu.memory_space<vmem>>) target(%dma_start3A_10 : memref<256x256xf32, #tpu.memory_space<hbm>>) target_semaphore(%run_scoped3A : memref<!tpu.dma_semaphore, #tpu.memory_space<semaphore_mem>>)
      %dma_wait3A_11 = arith.constant 0 : i32
      %dma_wait3A_12 = tpu.memref_slice %arg4[%mul3A_2, %dma_wait3A_11] : memref<8192x256xf32, #tpu.memory_space<hbm>> -> memref<256x256xf32, #tpu.memory_space<hbm>>
      %dma_wait3A_13 = arith.constant 0 : i32
      %dma_wait3A_14 = tpu.memref_slice %arg4[%mul3A_2, %dma_wait3A_13] : memref<8192x256xf32, #tpu.memory_space<hbm>> -> memref<256x256xf32, #tpu.memory_space<hbm>>
      tpu.wait_dma2 semaphore(%run_scoped3A : memref<!tpu.dma_semaphore, #tpu.memory_space<semaphore_mem>>) src(%arg6 : memref<256x256xf32, #tpu.memory_space<vmem>>) dst(%dma_wait3A_14 : memref<256x256xf32, #tpu.memory_space<hbm>>)
      tpu.yield
    }) : () -> ()
    return
  }
}

#map = affine_map<(d0, d1) -> (0, 0)>
#map1 = affine_map<(d0, d1) -> (0)>
module attributes {stable_mosaic.version = 14 : i64} {
  func.func @k(%arg0: i32, %arg1: i32, %arg2: memref<512x256xf32, #tpu.memory_space<hbm>>, %arg3: memref<8192xi32, #tpu.memory_space<hbm>>, %arg4: memref<8192x256xf32, #tpu.memory_space<hbm>>, %arg5: memref<256xi32, #tpu.memory_space<vmem>>, %arg6: memref<256x256xf32, #tpu.memory_space<vmem>>, %arg7: memref<!tpu.dma_semaphore, #tpu.memory_space<semaphore_mem>>) attributes {dimension_semantics = [#tpu.dimension_semantics<core_parallel>, #tpu.dimension_semantics<subcore_parallel>], iteration_bounds = array<i64: 2, 16>, scalar_prefetch = 0 : i64, scratch_operands = 3 : i64, tpu.core_type = #tpu.core_type<sc_vector_subcore>, window_params = [{transform_indices = #map}, {transform_indices = #map1}, {transform_indices = #map}]} {
    %mul3A = arith.constant 2 : i32
    %mul3A_0 = arith.muli %arg1, %mul3A : i32
    %add3A = arith.addi %mul3A_0, %arg0 : i32
    %mul3A_1 = arith.constant 256 : i32
    %mul3A_2 = arith.muli %add3A, %mul3A_1 : i32
    "tpu.region"() ({
      %run_scoped3A = tpu.sem_alloc : memref<!tpu.dma_semaphore, #tpu.memory_space<semaphore_mem>>
      %dma_start3A_7 = tpu.memref_slice %arg3[%mul3A_2] : memref<8192xi32, #tpu.memory_space<hbm>> -> memref<256xi32, #tpu.memory_space<hbm>>
      %dma_start3A_8 = tpu.memref_slice %arg3[%mul3A_2] : memref<8192xi32, #tpu.memory_space<hbm>> -> memref<256xi32, #tpu.memory_space<hbm>>
      tpu.enqueue_dma source(%dma_start3A_8 : memref<256xi32, #tpu.memory_space<hbm>>) target(%arg5 : memref<256xi32, #tpu.memory_space<vmem>>) target_semaphore(%run_scoped3A : memref<!tpu.dma_semaphore, #tpu.memory_space<semaphore_mem>>)
      %dma_wait3A_9 = tpu.memref_slice %arg3[%mul3A_2] : memref<8192xi32, #tpu.memory_space<hbm>> -> memref<256xi32, #tpu.memory_space<hbm>>
      %dma_wait3A_10 = tpu.memref_slice %arg3[%mul3A_2] : memref<8192xi32, #tpu.memory_space<hbm>> -> memref<256xi32, #tpu.memory_space<hbm>>
      tpu.wait_dma2 semaphore(%run_scoped3A : memref<!tpu.dma_semaphore, #tpu.memory_space<semaphore_mem>>) src(%dma_wait3A_10 : memref<256xi32, #tpu.memory_space<hbm>>) dst(%arg5 : memref<256xi32, #tpu.memory_space<vmem>>)
      tpu.yield
    }) : () -> ()
    %dma_start3A = arith.constant 0 : i32
    %dma_start3A_3 = arith.constant 0 : i32
    %dma_start3A_4 = tpu.memref_slice %arg2[%dma_start3A, %dma_start3A_3] : memref<512x256xf32, #tpu.memory_space<hbm>> -> memref<512x256xf32, #tpu.memory_space<hbm>>
    tpu.enqueue_indirect_dma source(%dma_start3A_4 : memref<512x256xf32, #tpu.memory_space<hbm>>) target(%arg6 : memref<256x256xf32, #tpu.memory_space<vmem>>) offsets(%arg5 : memref<256xi32, #tpu.memory_space<vmem>>) semaphore(%arg7 : memref<!tpu.dma_semaphore, #tpu.memory_space<semaphore_mem>>)
    %dma_wait3A = arith.constant 0 : i32
    %dma_wait3A_5 = arith.constant 0 : i32
    %dma_wait3A_6 = tpu.memref_slice %arg2[%dma_wait3A, %dma_wait3A_5] : memref<512x256xf32, #tpu.memory_space<hbm>> -> memref<512x256xf32, #tpu.memory_space<hbm>>
    tpu.wait_indirect_dma semaphore(%arg7 : memref<!tpu.dma_semaphore, #tpu.memory_space<semaphore_mem>>) src(%dma_wait3A_6 : memref<512x256xf32, #tpu.memory_space<hbm>>) dst(%arg6 : memref<256x256xf32, #tpu.memory_space<vmem>>)
    "tpu.region"() ({
      %run_scoped3A = tpu.sem_alloc : memref<!tpu.dma_semaphore, #tpu.memory_space<semaphore_mem>>
      %dma_start3A_7 = arith.constant 0 : i32
      %dma_start3A_8 = tpu.memref_slice %arg4[%mul3A_2, %dma_start3A_7] : memref<8192x256xf32, #tpu.memory_space<hbm>> -> memref<256x256xf32, #tpu.memory_space<hbm>>
      %dma_start3A_9 = arith.constant 0 : i32
      %dma_start3A_10 = tpu.memref_slice %arg4[%mul3A_2, %dma_start3A_9] : memref<8192x256xf32, #tpu.memory_space<hbm>> -> memref<256x256xf32, #tpu.memory_space<hbm>>
      tpu.enqueue_dma source(%arg6 : memref<256x256xf32, #tpu.memory_space<vmem>>) target(%dma_start3A_10 : memref<256x256xf32, #tpu.memory_space<hbm>>) target_semaphore(%run_scoped3A : memref<!tpu.dma_semaphore, #tpu.memory_space<semaphore_mem>>)
      %dma_wait3A_11 = arith.constant 0 : i32
      %dma_wait3A_12 = tpu.memref_slice %arg4[%mul3A_2, %dma_wait3A_11] : memref<8192x256xf32, #tpu.memory_space<hbm>> -> memref<256x256xf32, #tpu.memory_space<hbm>>
      %dma_wait3A_13 = arith.constant 0 : i32
      %dma_wait3A_14 = tpu.memref_slice %arg4[%mul3A_2, %dma_wait3A_13] : memref<8192x256xf32, #tpu.memory_space<hbm>> -> memref<256x256xf32, #tpu.memory_space<hbm>>
      tpu.wait_dma2 semaphore(%run_scoped3A : memref<!tpu.dma_semaphore, #tpu.memory_space<semaphore_mem>>) src(%arg6 : memref<256x256xf32, #tpu.memory_space<vmem>>) dst(%dma_wait3A_14 : memref<256x256xf32, #tpu.memory_space<hbm>>)
      tpu.yield
    }) : () -> ()
    return
  }
}

#map = affine_map<(d0, d1) -> (0, 0)>
#map1 = affine_map<(d0, d1) -> (0)>
module attributes {stable_mosaic.version = 14 : i64} {
  func.func @k(%arg0: i32, %arg1: i32, %arg2: memref<1024x256xf32, #tpu.memory_space<hbm>>, %arg3: memref<8192xi32, #tpu.memory_space<hbm>>, %arg4: memref<8192x256xf32, #tpu.memory_space<hbm>>, %arg5: memref<256xi32, #tpu.memory_space<vmem>>, %arg6: memref<256x256xf32, #tpu.memory_space<vmem>>, %arg7: memref<!tpu.dma_semaphore, #tpu.memory_space<semaphore_mem>>) attributes {dimension_semantics = [#tpu.dimension_semantics<core_parallel>, #tpu.dimension_semantics<subcore_parallel>], iteration_bounds = array<i64: 2, 16>, scalar_prefetch = 0 : i64, scratch_operands = 3 : i64, tpu.core_type = #tpu.core_type<sc_vector_subcore>, window_params = [{transform_indices = #map}, {transform_indices = #map1}, {transform_indices = #map}]} {
    %mul3A = arith.constant 2 : i32
    %mul3A_0 = arith.muli %arg1, %mul3A : i32
    %add3A = arith.addi %mul3A_0, %arg0 : i32
    %mul3A_1 = arith.constant 256 : i32
    %mul3A_2 = arith.muli %add3A, %mul3A_1 : i32
    "tpu.region"() ({
      %run_scoped3A = tpu.sem_alloc : memref<!tpu.dma_semaphore, #tpu.memory_space<semaphore_mem>>
      %dma_start3A_7 = tpu.memref_slice %arg3[%mul3A_2] : memref<8192xi32, #tpu.memory_space<hbm>> -> memref<256xi32, #tpu.memory_space<hbm>>
      %dma_start3A_8 = tpu.memref_slice %arg3[%mul3A_2] : memref<8192xi32, #tpu.memory_space<hbm>> -> memref<256xi32, #tpu.memory_space<hbm>>
      tpu.enqueue_dma source(%dma_start3A_8 : memref<256xi32, #tpu.memory_space<hbm>>) target(%arg5 : memref<256xi32, #tpu.memory_space<vmem>>) target_semaphore(%run_scoped3A : memref<!tpu.dma_semaphore, #tpu.memory_space<semaphore_mem>>)
      %dma_wait3A_9 = tpu.memref_slice %arg3[%mul3A_2] : memref<8192xi32, #tpu.memory_space<hbm>> -> memref<256xi32, #tpu.memory_space<hbm>>
      %dma_wait3A_10 = tpu.memref_slice %arg3[%mul3A_2] : memref<8192xi32, #tpu.memory_space<hbm>> -> memref<256xi32, #tpu.memory_space<hbm>>
      tpu.wait_dma2 semaphore(%run_scoped3A : memref<!tpu.dma_semaphore, #tpu.memory_space<semaphore_mem>>) src(%dma_wait3A_10 : memref<256xi32, #tpu.memory_space<hbm>>) dst(%arg5 : memref<256xi32, #tpu.memory_space<vmem>>)
      tpu.yield
    }) : () -> ()
    %dma_start3A = arith.constant 0 : i32
    %dma_start3A_3 = arith.constant 0 : i32
    %dma_start3A_4 = tpu.memref_slice %arg2[%dma_start3A, %dma_start3A_3] : memref<1024x256xf32, #tpu.memory_space<hbm>> -> memref<1024x256xf32, #tpu.memory_space<hbm>>
    tpu.enqueue_indirect_dma source(%dma_start3A_4 : memref<1024x256xf32, #tpu.memory_space<hbm>>) target(%arg6 : memref<256x256xf32, #tpu.memory_space<vmem>>) offsets(%arg5 : memref<256xi32, #tpu.memory_space<vmem>>) semaphore(%arg7 : memref<!tpu.dma_semaphore, #tpu.memory_space<semaphore_mem>>)
    %dma_wait3A = arith.constant 0 : i32
    %dma_wait3A_5 = arith.constant 0 : i32
    %dma_wait3A_6 = tpu.memref_slice %arg2[%dma_wait3A, %dma_wait3A_5] : memref<1024x256xf32, #tpu.memory_space<hbm>> -> memref<1024x256xf32, #tpu.memory_space<hbm>>
    tpu.wait_indirect_dma semaphore(%arg7 : memref<!tpu.dma_semaphore, #tpu.memory_space<semaphore_mem>>) src(%dma_wait3A_6 : memref<1024x256xf32, #tpu.memory_space<hbm>>) dst(%arg6 : memref<256x256xf32, #tpu.memory_space<vmem>>)
    "tpu.region"() ({
      %run_scoped3A = tpu.sem_alloc : memref<!tpu.dma_semaphore, #tpu.memory_space<semaphore_mem>>
      %dma_start3A_7 = arith.constant 0 : i32
      %dma_start3A_8 = tpu.memref_slice %arg4[%mul3A_2, %dma_start3A_7] : memref<8192x256xf32, #tpu.memory_space<hbm>> -> memref<256x256xf32, #tpu.memory_space<hbm>>
      %dma_start3A_9 = arith.constant 0 : i32
      %dma_start3A_10 = tpu.memref_slice %arg4[%mul3A_2, %dma_start3A_9] : memref<8192x256xf32, #tpu.memory_space<hbm>> -> memref<256x256xf32, #tpu.memory_space<hbm>>
      tpu.enqueue_dma source(%arg6 : memref<256x256xf32, #tpu.memory_space<vmem>>) target(%dma_start3A_10 : memref<256x256xf32, #tpu.memory_space<hbm>>) target_semaphore(%run_scoped3A : memref<!tpu.dma_semaphore, #tpu.memory_space<semaphore_mem>>)
      %dma_wait3A_11 = arith.constant 0 : i32
      %dma_wait3A_12 = tpu.memref_slice %arg4[%mul3A_2, %dma_wait3A_11] : memref<8192x256xf32, #tpu.memory_space<hbm>> -> memref<256x256xf32, #tpu.memory_space<hbm>>
      %dma_wait3A_13 = arith.constant 0 : i32
      %dma_wait3A_14 = tpu.memref_slice %arg4[%mul3A_2, %dma_wait3A_13] : memref<8192x256xf32, #tpu.memory_space<hbm>> -> memref<256x256xf32, #tpu.memory_space<hbm>>
      tpu.wait_dma2 semaphore(%run_scoped3A : memref<!tpu.dma_semaphore, #tpu.memory_space<semaphore_mem>>) src(%arg6 : memref<256x256xf32, #tpu.memory_space<vmem>>) dst(%dma_wait3A_14 : memref<256x256xf32, #tpu.memory_space<hbm>>)
      tpu.yield
    }) : () -> ()
    return
  }
}

#map = affine_map<(d0, d1) -> (0)>
#map1 = affine_map<(d0, d1) -> (0, 0)>
module attributes {stable_mosaic.version = 14 : i64} {
  func.func @k(%arg0: i32, %arg1: i32, %arg2: memref<8192xi32, #tpu.memory_space<hbm>>, %arg3: memref<2x1024xf32, #tpu.memory_space<hbm>>, %arg4: memref<256xi32, #tpu.memory_space<vmem>>, %arg5: memref<1024xf32, #tpu.memory_space<vmem>>, %arg6: memref<256xf32, #tpu.memory_space<vmem>>, %arg7: memref<1024xf32, #tpu.memory_space<vmem_shared>>) attributes {dimension_semantics = [#tpu.dimension_semantics<core_parallel>, #tpu.dimension_semantics<subcore_parallel>], iteration_bounds = array<i64: 2, 16>, scalar_prefetch = 0 : i64, scratch_operands = 4 : i64, tpu.core_type = #tpu.core_type<sc_vector_subcore>, window_params = [{transform_indices = #map}, {transform_indices = #map1}]} {
    %mul3A = arith.constant 2 : i32
    %mul3A_0 = arith.muli %arg1, %mul3A : i32
    %add3A = arith.addi %mul3A_0, %arg0 : i32
    %mul3A_1 = arith.constant 256 : i32
    %mul3A_2 = arith.muli %add3A, %mul3A_1 : i32
    "tpu.region"() ({
      %run_scoped3A = tpu.sem_alloc : memref<!tpu.dma_semaphore, #tpu.memory_space<semaphore_mem>>
      %dma_start3A = tpu.memref_slice %arg2[%mul3A_2] : memref<8192xi32, #tpu.memory_space<hbm>> -> memref<256xi32, #tpu.memory_space<hbm>>
      %dma_start3A_25 = tpu.memref_slice %arg2[%mul3A_2] : memref<8192xi32, #tpu.memory_space<hbm>> -> memref<256xi32, #tpu.memory_space<hbm>>
      tpu.enqueue_dma source(%dma_start3A_25 : memref<256xi32, #tpu.memory_space<hbm>>) target(%arg4 : memref<256xi32, #tpu.memory_space<vmem>>) target_semaphore(%run_scoped3A : memref<!tpu.dma_semaphore, #tpu.memory_space<semaphore_mem>>)
      %dma_wait3A = tpu.memref_slice %arg2[%mul3A_2] : memref<8192xi32, #tpu.memory_space<hbm>> -> memref<256xi32, #tpu.memory_space<hbm>>
      %dma_wait3A_26 = tpu.memref_slice %arg2[%mul3A_2] : memref<8192xi32, #tpu.memory_space<hbm>> -> memref<256xi32, #tpu.memory_space<hbm>>
      tpu.wait_dma2 semaphore(%run_scoped3A : memref<!tpu.dma_semaphore, #tpu.memory_space<semaphore_mem>>) src(%dma_wait3A_26 : memref<256xi32, #tpu.memory_space<hbm>>) dst(%arg4 : memref<256xi32, #tpu.memory_space<vmem>>)
      tpu.yield
    }) : () -> ()
    %broadcast_in_dim3A = arith.constant 0.000000e+00 : f32
    %broadcast_in_dim3A_3 = vector.broadcast %broadcast_in_dim3A : f32 to vector<16xf32>
    %scan3A = arith.constant 0 : i32
    %scan3A_4 = arith.constant 0 : i32
    %scan3A_5 = arith.constant 64 : i32
    %scan3A_6 = arith.addi %scan3A_4, %scan3A_5 : i32
    %scan3A_7 = arith.constant 1 : i32
    scf.for %scan3A_25 = %scan3A_4 to %scan3A_6 step %scan3A_7  : i32 {
      %mul3A_26 = arith.constant 16 : i32
      %mul3A_27 = arith.muli %scan3A_25, %mul3A_26 : i32
      %swap3A = arith.index_cast %mul3A_27 : i32 to index
      %swap3A_28 = tpu.vector_load %arg5[%swap3A] {strides = array<i32>} : memref<1024xf32, #tpu.memory_space<vmem>>, vector<16xf32>,
      %swap3A_29 = vector.shape_cast %swap3A_28 : vector<16xf32> to vector<16xf32>
      %swap3A_30 = vector.shape_cast %broadcast_in_dim3A_3 : vector<16xf32> to vector<16xf32>
      tpu.vector_store %arg5[%swap3A], %swap3A_30 {strides = array<i32>} : memref<1024xf32, #tpu.memory_space<vmem>>, vector<16xf32>,
    }
    %scan3A_8 = arith.constant 64 : i32
    %broadcast_in_dim3A_9 = arith.constant 1.000000e+00 : f32
    %broadcast_in_dim3A_10 = vector.broadcast %broadcast_in_dim3A_9 : f32 to vector<16xf32>
    %scan3A_11 = arith.constant 0 : i32
    %scan3A_12 = arith.constant 0 : i32
    %scan3A_13 = arith.constant 16 : i32
    %scan3A_14 = arith.addi %scan3A_12, %scan3A_13 : i32
    %scan3A_15 = arith.constant 1 : i32
    scf.for %scan3A_25 = %scan3A_12 to %scan3A_14 step %scan3A_15  : i32 {
      %mul3A_26 = arith.constant 16 : i32
      %mul3A_27 = arith.muli %scan3A_25, %mul3A_26 : i32
      %swap3A = arith.index_cast %mul3A_27 : i32 to index
      %swap3A_28 = tpu.vector_load %arg6[%swap3A] {strides = array<i32>} : memref<256xf32, #tpu.memory_space<vmem>>, vector<16xf32>,
      %swap3A_29 = vector.shape_cast %swap3A_28 : vector<16xf32> to vector<16xf32>
      %swap3A_30 = vector.shape_cast %broadcast_in_dim3A_10 : vector<16xf32> to vector<16xf32>
      tpu.vector_store %arg6[%swap3A], %swap3A_30 {strides = array<i32>} : memref<256xf32, #tpu.memory_space<vmem>>, vector<16xf32>,
    }
    %scan3A_16 = arith.constant 16 : i32
    %eq3A = arith.constant 0 : i32
    %eq3A_17 = arith.cmpi eq, %arg1, %eq3A : i32
    %convert_element_type3A = arith.extui %eq3A_17 : i1 to i32
    %cond3A = arith.constant 0 : i32
    %cond3A_18 = arith.cmpi ne, %convert_element_type3A, %cond3A : i32
    scf.if %cond3A_18 {
      "tpu.region"() ({
        %run_scoped3A = tpu.sem_alloc : memref<!tpu.dma_semaphore, #tpu.memory_space<semaphore_mem>>
        tpu.enqueue_dma source(%arg5 : memref<1024xf32, #tpu.memory_space<vmem>>) target(%arg7 : memref<1024xf32, #tpu.memory_space<vmem_shared>>) target_semaphore(%run_scoped3A : memref<!tpu.dma_semaphore, #tpu.memory_space<semaphore_mem>>)
        tpu.wait_dma2 semaphore(%run_scoped3A : memref<!tpu.dma_semaphore, #tpu.memory_space<semaphore_mem>>) src(%arg5 : memref<1024xf32, #tpu.memory_space<vmem>>) dst(%arg7 : memref<1024xf32, #tpu.memory_space<vmem_shared>>)
        tpu.yield
      }) : () -> ()
    } else {
    }
    %barrier3A = arith.constant 0 : index
    tpu.barrier barrier_id(%barrier3A)
    "tpu.region"() ({
      %run_scoped3A = tpu.sem_alloc : memref<!tpu.dma_semaphore, #tpu.memory_space<semaphore_mem>>
      %dma_start3A = arith.constant 0 : i32
      %dma_start3A_25 = tpu.memref_slice %arg7[%dma_start3A] : memref<1024xf32, #tpu.memory_space<vmem_shared>> -> memref<1024xf32, #tpu.memory_space<vmem_shared>>
      tpu.enqueue_indirect_dma source(%arg6 : memref<256xf32, #tpu.memory_space<vmem>>) target(%dma_start3A_25 : memref<1024xf32, #tpu.memory_space<vmem_shared>>) offsets(%arg4 : memref<256xi32, #tpu.memory_space<vmem>>) semaphore(%run_scoped3A : memref<!tpu.dma_semaphore, #tpu.memory_space<semaphore_mem>>) {add = true}
      %dma_wait3A = arith.constant 0 : i32
      %dma_wait3A_26 = tpu.memref_slice %arg7[%dma_wait3A] : memref<1024xf32, #tpu.memory_space<vmem_shared>> -> memref<1024xf32, #tpu.memory_space<vmem_shared>>
      tpu.wait_indirect_dma semaphore(%run_scoped3A : memref<!tpu.dma_semaphore, #tpu.memory_space<semaphore_mem>>) src(%arg6 : memref<256xf32, #tpu.memory_space<vmem>>) dst(%dma_wait3A_26 : memref<1024xf32, #tpu.memory_space<vmem_shared>>)
      tpu.yield
    }) : () -> ()
    %barrier3A_19 = arith.constant 0 : index
    tpu.barrier barrier_id(%barrier3A_19)
    %eq3A_20 = arith.constant 0 : i32
    %eq3A_21 = arith.cmpi eq, %arg1, %eq3A_20 : i32
    %convert_element_type3A_22 = arith.extui %eq3A_21 : i1 to i32
    %cond3A_23 = arith.constant 0 : i32
    %cond3A_24 = arith.cmpi ne, %convert_element_type3A_22, %cond3A_23 : i32
    scf.if %cond3A_24 {
      "tpu.region"() ({
        %run_scoped3A = tpu.sem_alloc : memref<!tpu.dma_semaphore, #tpu.memory_space<semaphore_mem>>
        %dma_start3A = arith.constant 0 : i32
        %dma_start3A_25 = tpu.memref_slice %arg3[%arg0, %dma_start3A] : memref<2x1024xf32, #tpu.memory_space<hbm>> -> memref<1x1024xf32, #tpu.memory_space<hbm>>
        %dma_start3A_26 = tpu.memref_squeeze %dma_start3A_25 : memref<1x1024xf32, #tpu.memory_space<hbm>> -> memref<1024xf32, #tpu.memory_space<hbm>>
        tpu.enqueue_dma source(%arg7 : memref<1024xf32, #tpu.memory_space<vmem_shared>>) target(%dma_start3A_26 : memref<1024xf32, #tpu.memory_space<hbm>>) target_semaphore(%run_scoped3A : memref<!tpu.dma_semaphore, #tpu.memory_space<semaphore_mem>>)
        %dma_wait3A = arith.constant 0 : i32
        %dma_wait3A_27 = tpu.memref_slice %arg3[%arg0, %dma_wait3A] : memref<2x1024xf32, #tpu.memory_space<hbm>> -> memref<1x1024xf32, #tpu.memory_space<hbm>>
        %dma_wait3A_28 = tpu.memref_squeeze %dma_wait3A_27 : memref<1x1024xf32, #tpu.memory_space<hbm>> -> memref<1024xf32, #tpu.memory_space<hbm>>
        tpu.wait_dma2 semaphore(%run_scoped3A : memref<!tpu.dma_semaphore, #tpu.memory_space<semaphore_mem>>) src(%arg7 : memref<1024xf32, #tpu.memory_space<vmem_shared>>) dst(%dma_wait3A_28 : memref<1024xf32, #tpu.memory_space<hbm>>)
        tpu.yield
      }) : () -> ()
    } else {
    }
    return
  }
}

#map = affine_map<(d0, d1) -> (0)>
#map1 = affine_map<(d0, d1) -> (0, 0)>
module attributes {stable_mosaic.version = 14 : i64} {
  func.func @k(%arg0: i32, %arg1: i32, %arg2: memref<8192xi32, #tpu.memory_space<hbm>>, %arg3: memref<2x512xf32, #tpu.memory_space<hbm>>, %arg4: memref<256xi32, #tpu.memory_space<vmem>>, %arg5: memref<512xf32, #tpu.memory_space<vmem>>, %arg6: memref<256xf32, #tpu.memory_space<vmem>>, %arg7: memref<512xf32, #tpu.memory_space<vmem_shared>>) attributes {dimension_semantics = [#tpu.dimension_semantics<core_parallel>, #tpu.dimension_semantics<subcore_parallel>], iteration_bounds = array<i64: 2, 16>, scalar_prefetch = 0 : i64, scratch_operands = 4 : i64, tpu.core_type = #tpu.core_type<sc_vector_subcore>, window_params = [{transform_indices = #map}, {transform_indices = #map1}]} {
    %mul3A = arith.constant 2 : i32
    %mul3A_0 = arith.muli %arg1, %mul3A : i32
    %add3A = arith.addi %mul3A_0, %arg0 : i32
    %mul3A_1 = arith.constant 256 : i32
    %mul3A_2 = arith.muli %add3A, %mul3A_1 : i32
    "tpu.region"() ({
      %run_scoped3A = tpu.sem_alloc : memref<!tpu.dma_semaphore, #tpu.memory_space<semaphore_mem>>
      %dma_start3A = tpu.memref_slice %arg2[%mul3A_2] : memref<8192xi32, #tpu.memory_space<hbm>> -> memref<256xi32, #tpu.memory_space<hbm>>
      %dma_start3A_25 = tpu.memref_slice %arg2[%mul3A_2] : memref<8192xi32, #tpu.memory_space<hbm>> -> memref<256xi32, #tpu.memory_space<hbm>>
      tpu.enqueue_dma source(%dma_start3A_25 : memref<256xi32, #tpu.memory_space<hbm>>) target(%arg4 : memref<256xi32, #tpu.memory_space<vmem>>) target_semaphore(%run_scoped3A : memref<!tpu.dma_semaphore, #tpu.memory_space<semaphore_mem>>)
      %dma_wait3A = tpu.memref_slice %arg2[%mul3A_2] : memref<8192xi32, #tpu.memory_space<hbm>> -> memref<256xi32, #tpu.memory_space<hbm>>
      %dma_wait3A_26 = tpu.memref_slice %arg2[%mul3A_2] : memref<8192xi32, #tpu.memory_space<hbm>> -> memref<256xi32, #tpu.memory_space<hbm>>
      tpu.wait_dma2 semaphore(%run_scoped3A : memref<!tpu.dma_semaphore, #tpu.memory_space<semaphore_mem>>) src(%dma_wait3A_26 : memref<256xi32, #tpu.memory_space<hbm>>) dst(%arg4 : memref<256xi32, #tpu.memory_space<vmem>>)
      tpu.yield
    }) : () -> ()
    %broadcast_in_dim3A = arith.constant 0.000000e+00 : f32
    %broadcast_in_dim3A_3 = vector.broadcast %broadcast_in_dim3A : f32 to vector<16xf32>
    %scan3A = arith.constant 0 : i32
    %scan3A_4 = arith.constant 0 : i32
    %scan3A_5 = arith.constant 32 : i32
    %scan3A_6 = arith.addi %scan3A_4, %scan3A_5 : i32
    %scan3A_7 = arith.constant 1 : i32
    scf.for %scan3A_25 = %scan3A_4 to %scan3A_6 step %scan3A_7  : i32 {
      %mul3A_26 = arith.constant 16 : i32
      %mul3A_27 = arith.muli %scan3A_25, %mul3A_26 : i32
      %swap3A = arith.index_cast %mul3A_27 : i32 to index
      %swap3A_28 = tpu.vector_load %arg5[%swap3A] {strides = array<i32>} : memref<512xf32, #tpu.memory_space<vmem>>, vector<16xf32>,
      %swap3A_29 = vector.shape_cast %swap3A_28 : vector<16xf32> to vector<16xf32>
      %swap3A_30 = vector.shape_cast %broadcast_in_dim3A_3 : vector<16xf32> to vector<16xf32>
      tpu.vector_store %arg5[%swap3A], %swap3A_30 {strides = array<i32>} : memref<512xf32, #tpu.memory_space<vmem>>, vector<16xf32>,
    }
    %scan3A_8 = arith.constant 32 : i32
    %broadcast_in_dim3A_9 = arith.constant 1.000000e+00 : f32
    %broadcast_in_dim3A_10 = vector.broadcast %broadcast_in_dim3A_9 : f32 to vector<16xf32>
    %scan3A_11 = arith.constant 0 : i32
    %scan3A_12 = arith.constant 0 : i32
    %scan3A_13 = arith.constant 16 : i32
    %scan3A_14 = arith.addi %scan3A_12, %scan3A_13 : i32
    %scan3A_15 = arith.constant 1 : i32
    scf.for %scan3A_25 = %scan3A_12 to %scan3A_14 step %scan3A_15  : i32 {
      %mul3A_26 = arith.constant 16 : i32
      %mul3A_27 = arith.muli %scan3A_25, %mul3A_26 : i32
      %swap3A = arith.index_cast %mul3A_27 : i32 to index
      %swap3A_28 = tpu.vector_load %arg6[%swap3A] {strides = array<i32>} : memref<256xf32, #tpu.memory_space<vmem>>, vector<16xf32>,
      %swap3A_29 = vector.shape_cast %swap3A_28 : vector<16xf32> to vector<16xf32>
      %swap3A_30 = vector.shape_cast %broadcast_in_dim3A_10 : vector<16xf32> to vector<16xf32>
      tpu.vector_store %arg6[%swap3A], %swap3A_30 {strides = array<i32>} : memref<256xf32, #tpu.memory_space<vmem>>, vector<16xf32>,
    }
    %scan3A_16 = arith.constant 16 : i32
    %eq3A = arith.constant 0 : i32
    %eq3A_17 = arith.cmpi eq, %arg1, %eq3A : i32
    %convert_element_type3A = arith.extui %eq3A_17 : i1 to i32
    %cond3A = arith.constant 0 : i32
    %cond3A_18 = arith.cmpi ne, %convert_element_type3A, %cond3A : i32
    scf.if %cond3A_18 {
      "tpu.region"() ({
        %run_scoped3A = tpu.sem_alloc : memref<!tpu.dma_semaphore, #tpu.memory_space<semaphore_mem>>
        tpu.enqueue_dma source(%arg5 : memref<512xf32, #tpu.memory_space<vmem>>) target(%arg7 : memref<512xf32, #tpu.memory_space<vmem_shared>>) target_semaphore(%run_scoped3A : memref<!tpu.dma_semaphore, #tpu.memory_space<semaphore_mem>>)
        tpu.wait_dma2 semaphore(%run_scoped3A : memref<!tpu.dma_semaphore, #tpu.memory_space<semaphore_mem>>) src(%arg5 : memref<512xf32, #tpu.memory_space<vmem>>) dst(%arg7 : memref<512xf32, #tpu.memory_space<vmem_shared>>)
        tpu.yield
      }) : () -> ()
    } else {
    }
    %barrier3A = arith.constant 0 : index
    tpu.barrier barrier_id(%barrier3A)
    "tpu.region"() ({
      %run_scoped3A = tpu.sem_alloc : memref<!tpu.dma_semaphore, #tpu.memory_space<semaphore_mem>>
      %dma_start3A = arith.constant 0 : i32
      %dma_start3A_25 = tpu.memref_slice %arg7[%dma_start3A] : memref<512xf32, #tpu.memory_space<vmem_shared>> -> memref<512xf32, #tpu.memory_space<vmem_shared>>
      tpu.enqueue_indirect_dma source(%arg6 : memref<256xf32, #tpu.memory_space<vmem>>) target(%dma_start3A_25 : memref<512xf32, #tpu.memory_space<vmem_shared>>) offsets(%arg4 : memref<256xi32, #tpu.memory_space<vmem>>) semaphore(%run_scoped3A : memref<!tpu.dma_semaphore, #tpu.memory_space<semaphore_mem>>) {add = true}
      %dma_wait3A = arith.constant 0 : i32
      %dma_wait3A_26 = tpu.memref_slice %arg7[%dma_wait3A] : memref<512xf32, #tpu.memory_space<vmem_shared>> -> memref<512xf32, #tpu.memory_space<vmem_shared>>
      tpu.wait_indirect_dma semaphore(%run_scoped3A : memref<!tpu.dma_semaphore, #tpu.memory_space<semaphore_mem>>) src(%arg6 : memref<256xf32, #tpu.memory_space<vmem>>) dst(%dma_wait3A_26 : memref<512xf32, #tpu.memory_space<vmem_shared>>)
      tpu.yield
    }) : () -> ()
    %barrier3A_19 = arith.constant 0 : index
    tpu.barrier barrier_id(%barrier3A_19)
    %eq3A_20 = arith.constant 0 : i32
    %eq3A_21 = arith.cmpi eq, %arg1, %eq3A_20 : i32
    %convert_element_type3A_22 = arith.extui %eq3A_21 : i1 to i32
    %cond3A_23 = arith.constant 0 : i32
    %cond3A_24 = arith.cmpi ne, %convert_element_type3A_22, %cond3A_23 : i32
    scf.if %cond3A_24 {
      "tpu.region"() ({
        %run_scoped3A = tpu.sem_alloc : memref<!tpu.dma_semaphore, #tpu.memory_space<semaphore_mem>>
        %dma_start3A = arith.constant 0 : i32
        %dma_start3A_25 = tpu.memref_slice %arg3[%arg0, %dma_start3A] : memref<2x512xf32, #tpu.memory_space<hbm>> -> memref<1x512xf32, #tpu.memory_space<hbm>>
        %dma_start3A_26 = tpu.memref_squeeze %dma_start3A_25 : memref<1x512xf32, #tpu.memory_space<hbm>> -> memref<512xf32, #tpu.memory_space<hbm>>
        tpu.enqueue_dma source(%arg7 : memref<512xf32, #tpu.memory_space<vmem_shared>>) target(%dma_start3A_26 : memref<512xf32, #tpu.memory_space<hbm>>) target_semaphore(%run_scoped3A : memref<!tpu.dma_semaphore, #tpu.memory_space<semaphore_mem>>)
        %dma_wait3A = arith.constant 0 : i32
        %dma_wait3A_27 = tpu.memref_slice %arg3[%arg0, %dma_wait3A] : memref<2x512xf32, #tpu.memory_space<hbm>> -> memref<1x512xf32, #tpu.memory_space<hbm>>
        %dma_wait3A_28 = tpu.memref_squeeze %dma_wait3A_27 : memref<1x512xf32, #tpu.memory_space<hbm>> -> memref<512xf32, #tpu.memory_space<hbm>>
        tpu.wait_dma2 semaphore(%run_scoped3A : memref<!tpu.dma_semaphore, #tpu.memory_space<semaphore_mem>>) src(%arg7 : memref<512xf32, #tpu.memory_space<vmem_shared>>) dst(%dma_wait3A_28 : memref<512xf32, #tpu.memory_space<hbm>>)
        tpu.yield
      }) : () -> ()
    } else {
    }
    return
  }
}

module attributes {stable_mosaic.version = 14 : i64} {
  func.func @_argmin_body(%arg0: i32, %arg1: memref<2048x256xf32, #tpu.memory_space<vmem>>, %arg2: memref<1x8192xf32, #tpu.memory_space<vmem>>, %arg3: memref<8192x256xf32, #tpu.memory_space<vmem>>, %arg4: memref<2048x1xi32, #tpu.memory_space<vmem>>) attributes {dimension_semantics = [#tpu.dimension_semantics<arbitrary>], iteration_bounds = array<i64: 4>, scalar_prefetch = 0 : i64, scratch_operands = 0 : i64, tpu.core_type = #tpu.core_type<tc>, window_params = [{transform_indices = @transform_0, window_bounds = array<i64: 2048, 256>}, {pipeline_mode = #tpu.pipeline_mode<synchronous>, transform_indices = @transform_1, window_bounds = array<i64: 1, 8192>}, {pipeline_mode = #tpu.pipeline_mode<synchronous>, transform_indices = @transform_2, window_bounds = array<i64: 8192, 256>}, {transform_indices = @transform_3, window_bounds = array<i64: 2048, 1>}]} {
    %get3A = arith.constant 0 : index
    %get3A_0 = arith.constant 0 : index
    %get3A_1 = vector.load %arg1[%get3A, %get3A_0] : memref<2048x256xf32, #tpu.memory_space<vmem>>, vector<2048x256xf32>
    %mul3A = arith.mulf %get3A_1, %get3A_1 : vector<2048x256xf32>
    %reduce_sum3A = arith.constant dense<0.000000e+00> : vector<2048xf32>
    %reduce_sum3A_2 = vector.multi_reduction <add>, %mul3A, %reduce_sum3A [1] : vector<2048x256xf32> to vector<2048xf32>
    %broadcast_in_dim3A = vector.shape_cast %reduce_sum3A_2 : vector<2048xf32> to vector<2048x1xf32>
    %mul3A_3 = arith.constant 2.000000e+00 : f32
    %mul3A_4 = vector.broadcast %mul3A_3 : f32 to vector<2048x256xf32>
    %mul3A_5 = arith.mulf %mul3A_4, %get3A_1 : vector<2048x256xf32>
    %convert_element_type3A = arith.truncf %mul3A_5 : vector<2048x256xf32> to vector<2048x256xbf16>
    %iota3A = tpu.iota {dimensions = array<i32: 1>} : vector<2048x2048xi32>
    %broadcast_in_dim3A_6 = arith.constant 0x7F800000 : f32
    %broadcast_in_dim3A_7 = vector.broadcast %broadcast_in_dim3A_6 : f32 to vector<2048x1xf32>
    %broadcast_in_dim3A_8 = arith.constant 0 : i32
    %broadcast_in_dim3A_9 = vector.broadcast %broadcast_in_dim3A_8 : i32 to vector<2048x1xi32>
    %get3A_10 = arith.constant 0 : index
    %get3A_11 = arith.constant 0 : index
    %get3A_12 = vector.load %arg3[%get3A_10, %get3A_11] : memref<8192x256xf32, #tpu.memory_space<vmem>>, vector<2048x256xf32>
    %get3A_13 = arith.constant 0 : index
    %get3A_14 = arith.constant 0 : index
    %get3A_15 = vector.load %arg2[%get3A_13, %get3A_14] : memref<1x8192xf32, #tpu.memory_space<vmem>>, vector<1x2048xf32>
    %dot_general3A = arith.constant dense<0.000000e+00> : vector<2048x2048xf32>
    %dot_general3A_16 = tpu.matmul %convert_element_type3A, %get3A_12, %dot_general3A {dimension_numbers = #tpu.dot_dimension_numbers<[1], [1], [0], [0], [0, 0, 1, 0], [], []>, transpose_lhs_hint = false} : vector<2048x256xbf16>, vector<2048x256xf32>, vector<2048x2048xf32> -> vector<2048x2048xf32>
    %sub3A = vector.broadcast %broadcast_in_dim3A : vector<2048x1xf32> to vector<2048x2048xf32>
    %sub3A_17 = arith.subf %sub3A, %dot_general3A_16 : vector<2048x2048xf32>
    %add3A = vector.broadcast %get3A_15 : vector<1x2048xf32> to vector<2048x2048xf32>
    %add3A_18 = arith.addf %sub3A_17, %add3A : vector<2048x2048xf32>
    %reduce_min3A = arith.constant dense<0x7F800000> : vector<2048xf32>
    %reduce_min3A_19 = vector.multi_reduction <minimumf>, %add3A_18, %reduce_min3A [1] : vector<2048x2048xf32> to vector<2048xf32>
    %broadcast_in_dim3A_20 = vector.shape_cast %reduce_min3A_19 : vector<2048xf32> to vector<2048x1xf32>
    %eq3A = vector.broadcast %broadcast_in_dim3A_20 : vector<2048x1xf32> to vector<2048x2048xf32>
    %eq3A_21 = arith.cmpf oeq, %add3A_18, %eq3A : vector<2048x2048xf32>
    %jit3A = arith.constant 1073741824 : i32
    %broadcast_in_dim3A_22 = vector.broadcast %jit3A : i32 to vector<2048x2048xi32>
    %select_n3A = arith.select %eq3A_21, %iota3A, %broadcast_in_dim3A_22 : vector<2048x2048xi1>, vector<2048x2048xi32>
    %reduce_min3A_23 = arith.constant dense<2147483647> : vector<2048xi32>
    %reduce_min3A_24 = vector.multi_reduction <minsi>, %select_n3A, %reduce_min3A_23 [1] : vector<2048x2048xi32> to vector<2048xi32>
    %broadcast_in_dim3A_25 = vector.shape_cast %reduce_min3A_24 : vector<2048xi32> to vector<2048x1xi32>
    %add3A_26 = arith.constant 0 : i32
    %add3A_27 = vector.broadcast %add3A_26 : i32 to vector<2048x1xi32>
    %add3A_28 = arith.addi %broadcast_in_dim3A_25, %add3A_27 : vector<2048x1xi32>
    %lt3A = arith.cmpf olt, %broadcast_in_dim3A_20, %broadcast_in_dim3A_7 : vector<2048x1xf32>
    %eq3A_29 = arith.cmpf oeq, %broadcast_in_dim3A_20, %broadcast_in_dim3A_7 : vector<2048x1xf32>
    %lt3A_30 = arith.cmpi slt, %add3A_28, %broadcast_in_dim3A_9 : vector<2048x1xi32>
    %and3A = arith.andi %eq3A_29, %lt3A_30 : vector<2048x1xi1>
    %or3A = arith.ori %lt3A, %and3A : vector<2048x1xi1>
    %select_n3A_31 = arith.select %or3A, %add3A_28, %broadcast_in_dim3A_9 : vector<2048x1xi1>, vector<2048x1xi32>
    %select_n3A_32 = arith.select %or3A, %broadcast_in_dim3A_20, %broadcast_in_dim3A_7 : vector<2048x1xi1>, vector<2048x1xf32>
    %convert_element_type3A_33 = arith.truncf %select_n3A_32 : vector<2048x1xf32> to vector<2048x1xbf16>
    %convert_element_type3A_34 = arith.extf %convert_element_type3A_33 : vector<2048x1xbf16> to vector<2048x1xf32>
    %get3A_35 = arith.constant 2048 : index
    %get3A_36 = arith.constant 0 : index
    %get3A_37 = vector.load %arg3[%get3A_35, %get3A_36] : memref<8192x256xf32, #tpu.memory_space<vmem>>, vector<2048x256xf32>
    %get3A_38 = arith.constant 0 : index
    %get3A_39 = arith.constant 2048 : index
    %get3A_40 = vector.load %arg2[%get3A_38, %get3A_39] : memref<1x8192xf32, #tpu.memory_space<vmem>>, vector<1x2048xf32>
    %dot_general3A_41 = arith.constant dense<0.000000e+00> : vector<2048x2048xf32>
    %dot_general3A_42 = tpu.matmul %convert_element_type3A, %get3A_37, %dot_general3A_41 {dimension_numbers = #tpu.dot_dimension_numbers<[1], [1], [0], [0], [0, 0, 1, 0], [], []>, transpose_lhs_hint = false} : vector<2048x256xbf16>, vector<2048x256xf32>, vector<2048x2048xf32> -> vector<2048x2048xf32>
    %sub3A_43 = vector.broadcast %broadcast_in_dim3A : vector<2048x1xf32> to vector<2048x2048xf32>
    %sub3A_44 = arith.subf %sub3A_43, %dot_general3A_42 : vector<2048x2048xf32>
    %add3A_45 = vector.broadcast %get3A_40 : vector<1x2048xf32> to vector<2048x2048xf32>
    %add3A_46 = arith.addf %sub3A_44, %add3A_45 : vector<2048x2048xf32>
    %reduce_min3A_47 = arith.constant dense<0x7F800000> : vector<2048xf32>
    %reduce_min3A_48 = vector.multi_reduction <minimumf>, %add3A_46, %reduce_min3A_47 [1] : vector<2048x2048xf32> to vector<2048xf32>
    %broadcast_in_dim3A_49 = vector.shape_cast %reduce_min3A_48 : vector<2048xf32> to vector<2048x1xf32>
    %eq3A_50 = vector.broadcast %broadcast_in_dim3A_49 : vector<2048x1xf32> to vector<2048x2048xf32>
    %eq3A_51 = arith.cmpf oeq, %add3A_46, %eq3A_50 : vector<2048x2048xf32>
    %jit3A_52 = arith.constant 1073741824 : i32
    %broadcast_in_dim3A_53 = vector.broadcast %jit3A_52 : i32 to vector<2048x2048xi32>
    %select_n3A_54 = arith.select %eq3A_51, %iota3A, %broadcast_in_dim3A_53 : vector<2048x2048xi1>, vector<2048x2048xi32>
    %reduce_min3A_55 = arith.constant dense<2147483647> : vector<2048xi32>
    %reduce_min3A_56 = vector.multi_reduction <minsi>, %select_n3A_54, %reduce_min3A_55 [1] : vector<2048x2048xi32> to vector<2048xi32>
    %broadcast_in_dim3A_57 = vector.shape_cast %reduce_min3A_56 : vector<2048xi32> to vector<2048x1xi32>
    %add3A_58 = arith.constant 2048 : i32
    %add3A_59 = vector.broadcast %add3A_58 : i32 to vector<2048x1xi32>
    %add3A_60 = arith.addi %broadcast_in_dim3A_57, %add3A_59 : vector<2048x1xi32>
    %lt3A_61 = arith.cmpf olt, %broadcast_in_dim3A_49, %convert_element_type3A_34 : vector<2048x1xf32>
    %eq3A_62 = arith.cmpf oeq, %broadcast_in_dim3A_49, %convert_element_type3A_34 : vector<2048x1xf32>
    %lt3A_63 = arith.cmpi slt, %add3A_60, %select_n3A_31 : vector<2048x1xi32>
    %and3A_64 = arith.andi %eq3A_62, %lt3A_63 : vector<2048x1xi1>
    %or3A_65 = arith.ori %lt3A_61, %and3A_64 : vector<2048x1xi1>
    %select_n3A_66 = arith.select %or3A_65, %add3A_60, %select_n3A_31 : vector<2048x1xi1>, vector<2048x1xi32>
    %select_n3A_67 = arith.select %or3A_65, %broadcast_in_dim3A_49, %convert_element_type3A_34 : vector<2048x1xi1>, vector<2048x1xf32>
    %convert_element_type3A_68 = arith.truncf %select_n3A_67 : vector<2048x1xf32> to vector<2048x1xbf16>
    %convert_element_type3A_69 = arith.extf %convert_element_type3A_68 : vector<2048x1xbf16> to vector<2048x1xf32>
    %get3A_70 = arith.constant 4096 : index
    %get3A_71 = arith.constant 0 : index
    %get3A_72 = vector.load %arg3[%get3A_70, %get3A_71] : memref<8192x256xf32, #tpu.memory_space<vmem>>, vector<2048x256xf32>
    %get3A_73 = arith.constant 0 : index
    %get3A_74 = arith.constant 4096 : index
    %get3A_75 = vector.load %arg2[%get3A_73, %get3A_74] : memref<1x8192xf32, #tpu.memory_space<vmem>>, vector<1x2048xf32>
    %dot_general3A_76 = arith.constant dense<0.000000e+00> : vector<2048x2048xf32>
    %dot_general3A_77 = tpu.matmul %convert_element_type3A, %get3A_72, %dot_general3A_76 {dimension_numbers = #tpu.dot_dimension_numbers<[1], [1], [0], [0], [0, 0, 1, 0], [], []>, transpose_lhs_hint = false} : vector<2048x256xbf16>, vector<2048x256xf32>, vector<2048x2048xf32> -> vector<2048x2048xf32>
    %sub3A_78 = vector.broadcast %broadcast_in_dim3A : vector<2048x1xf32> to vector<2048x2048xf32>
    %sub3A_79 = arith.subf %sub3A_78, %dot_general3A_77 : vector<2048x2048xf32>
    %add3A_80 = vector.broadcast %get3A_75 : vector<1x2048xf32> to vector<2048x2048xf32>
    %add3A_81 = arith.addf %sub3A_79, %add3A_80 : vector<2048x2048xf32>
    %reduce_min3A_82 = arith.constant dense<0x7F800000> : vector<2048xf32>
    %reduce_min3A_83 = vector.multi_reduction <minimumf>, %add3A_81, %reduce_min3A_82 [1] : vector<2048x2048xf32> to vector<2048xf32>
    %broadcast_in_dim3A_84 = vector.shape_cast %reduce_min3A_83 : vector<2048xf32> to vector<2048x1xf32>
    %eq3A_85 = vector.broadcast %broadcast_in_dim3A_84 : vector<2048x1xf32> to vector<2048x2048xf32>
    %eq3A_86 = arith.cmpf oeq, %add3A_81, %eq3A_85 : vector<2048x2048xf32>
    %jit3A_87 = arith.constant 1073741824 : i32
    %broadcast_in_dim3A_88 = vector.broadcast %jit3A_87 : i32 to vector<2048x2048xi32>
    %select_n3A_89 = arith.select %eq3A_86, %iota3A, %broadcast_in_dim3A_88 : vector<2048x2048xi1>, vector<2048x2048xi32>
    %reduce_min3A_90 = arith.constant dense<2147483647> : vector<2048xi32>
    %reduce_min3A_91 = vector.multi_reduction <minsi>, %select_n3A_89, %reduce_min3A_90 [1] : vector<2048x2048xi32> to vector<2048xi32>
    %broadcast_in_dim3A_92 = vector.shape_cast %reduce_min3A_91 : vector<2048xi32> to vector<2048x1xi32>
    %add3A_93 = arith.constant 4096 : i32
    %add3A_94 = vector.broadcast %add3A_93 : i32 to vector<2048x1xi32>
    %add3A_95 = arith.addi %broadcast_in_dim3A_92, %add3A_94 : vector<2048x1xi32>
    %lt3A_96 = arith.cmpf olt, %broadcast_in_dim3A_84, %convert_element_type3A_69 : vector<2048x1xf32>
    %eq3A_97 = arith.cmpf oeq, %broadcast_in_dim3A_84, %convert_element_type3A_69 : vector<2048x1xf32>
    %lt3A_98 = arith.cmpi slt, %add3A_95, %select_n3A_66 : vector<2048x1xi32>
    %and3A_99 = arith.andi %eq3A_97, %lt3A_98 : vector<2048x1xi1>
    %or3A_100 = arith.ori %lt3A_96, %and3A_99 : vector<2048x1xi1>
    %select_n3A_101 = arith.select %or3A_100, %add3A_95, %select_n3A_66 : vector<2048x1xi1>, vector<2048x1xi32>
    %select_n3A_102 = arith.select %or3A_100, %broadcast_in_dim3A_84, %convert_element_type3A_69 : vector<2048x1xi1>, vector<2048x1xf32>
    %convert_element_type3A_103 = arith.truncf %select_n3A_102 : vector<2048x1xf32> to vector<2048x1xbf16>
    %convert_element_type3A_104 = arith.extf %convert_element_type3A_103 : vector<2048x1xbf16> to vector<2048x1xf32>
    %get3A_105 = arith.constant 6144 : index
    %get3A_106 = arith.constant 0 : index
    %get3A_107 = vector.load %arg3[%get3A_105, %get3A_106] : memref<8192x256xf32, #tpu.memory_space<vmem>>, vector<2048x256xf32>
    %get3A_108 = arith.constant 0 : index
    %get3A_109 = arith.constant 6144 : index
    %get3A_110 = vector.load %arg2[%get3A_108, %get3A_109] : memref<1x8192xf32, #tpu.memory_space<vmem>>, vector<1x2048xf32>
    %dot_general3A_111 = arith.constant dense<0.000000e+00> : vector<2048x2048xf32>
    %dot_general3A_112 = tpu.matmul %convert_element_type3A, %get3A_107, %dot_general3A_111 {dimension_numbers = #tpu.dot_dimension_numbers<[1], [1], [0], [0], [0, 0, 1, 0], [], []>, transpose_lhs_hint = false} : vector<2048x256xbf16>, vector<2048x256xf32>, vector<2048x2048xf32> -> vector<2048x2048xf32>
    %sub3A_113 = vector.broadcast %broadcast_in_dim3A : vector<2048x1xf32> to vector<2048x2048xf32>
    %sub3A_114 = arith.subf %sub3A_113, %dot_general3A_112 : vector<2048x2048xf32>
    %add3A_115 = vector.broadcast %get3A_110 : vector<1x2048xf32> to vector<2048x2048xf32>
    %add3A_116 = arith.addf %sub3A_114, %add3A_115 : vector<2048x2048xf32>
    %reduce_min3A_117 = arith.constant dense<0x7F800000> : vector<2048xf32>
    %reduce_min3A_118 = vector.multi_reduction <minimumf>, %add3A_116, %reduce_min3A_117 [1] : vector<2048x2048xf32> to vector<2048xf32>
    %broadcast_in_dim3A_119 = vector.shape_cast %reduce_min3A_118 : vector<2048xf32> to vector<2048x1xf32>
    %eq3A_120 = vector.broadcast %broadcast_in_dim3A_119 : vector<2048x1xf32> to vector<2048x2048xf32>
    %eq3A_121 = arith.cmpf oeq, %add3A_116, %eq3A_120 : vector<2048x2048xf32>
    %jit3A_122 = arith.constant 1073741824 : i32
    %broadcast_in_dim3A_123 = vector.broadcast %jit3A_122 : i32 to vector<2048x2048xi32>
    %select_n3A_124 = arith.select %eq3A_121, %iota3A, %broadcast_in_dim3A_123 : vector<2048x2048xi1>, vector<2048x2048xi32>
    %reduce_min3A_125 = arith.constant dense<2147483647> : vector<2048xi32>
    %reduce_min3A_126 = vector.multi_reduction <minsi>, %select_n3A_124, %reduce_min3A_125 [1] : vector<2048x2048xi32> to vector<2048xi32>
    %broadcast_in_dim3A_127 = vector.shape_cast %reduce_min3A_126 : vector<2048xi32> to vector<2048x1xi32>
    %add3A_128 = arith.constant 6144 : i32
    %add3A_129 = vector.broadcast %add3A_128 : i32 to vector<2048x1xi32>
    %add3A_130 = arith.addi %broadcast_in_dim3A_127, %add3A_129 : vector<2048x1xi32>
    %lt3A_131 = arith.cmpf olt, %broadcast_in_dim3A_119, %convert_element_type3A_104 : vector<2048x1xf32>
    %eq3A_132 = arith.cmpf oeq, %broadcast_in_dim3A_119, %convert_element_type3A_104 : vector<2048x1xf32>
    %lt3A_133 = arith.cmpi slt, %add3A_130, %select_n3A_101 : vector<2048x1xi32>
    %and3A_134 = arith.andi %eq3A_132, %lt3A_133 : vector<2048x1xi1>
    %or3A_135 = arith.ori %lt3A_131, %and3A_134 : vector<2048x1xi1>
    %select_n3A_136 = arith.select %or3A_135, %add3A_130, %select_n3A_101 : vector<2048x1xi1>, vector<2048x1xi32>
    %swap3A = arith.constant 0 : index
    %swap3A_137 = arith.constant 0 : index
    %swap3A_138 = vector.load %arg4[%swap3A, %swap3A_137] : memref<2048x1xi32, #tpu.memory_space<vmem>>, vector<2048x1xi32>
    tpu.vector_store %arg4[%swap3A, %swap3A_137], %select_n3A_136 {strides = array<i32>} : memref<2048x1xi32, #tpu.memory_space<vmem>>, vector<2048x1xi32>,
    return
  }
  func.func @transform_0(%arg0: i32) -> (i32, i32) {
    %c0_i32 = arith.constant 0 : i32
    %c0_i32_0 = arith.constant 0 : i32
    return %arg0, %c0_i32 : i32, i32
  }
  func.func @transform_1(%arg0: i32) -> (i32, i32) {
    %c0_i32 = arith.constant 0 : i32
    %c0_i32_0 = arith.constant 0 : i32
    %c0_i32_1 = arith.constant 0 : i32
    return %c0_i32, %c0_i32_0 : i32, i32
  }
  func.func @transform_2(%arg0: i32) -> (i32, i32) {
    %c0_i32 = arith.constant 0 : i32
    %c0_i32_0 = arith.constant 0 : i32
    %c0_i32_1 = arith.constant 0 : i32
    return %c0_i32, %c0_i32_0 : i32, i32
  }
  func.func @transform_3(%arg0: i32) -> (i32, i32) {
    %c0_i32 = arith.constant 0 : i32
    %c0_i32_0 = arith.constant 0 : i32
    return %arg0, %c0_i32 : i32, i32
  }
}

module attributes {stable_mosaic.version = 14 : i64} {
  func.func @_argmin_body(%arg0: i32, %arg1: memref<2048x256xf32, #tpu.memory_space<vmem>>, %arg2: memref<2048x256xf32, #tpu.memory_space<vmem>>, %arg3: memref<1x1024xf32, #tpu.memory_space<vmem>>, %arg4: memref<1024x256xf32, #tpu.memory_space<vmem>>, %arg5: memref<2048x1xi32, #tpu.memory_space<vmem>>, %arg6: memref<2048x256xf32, #tpu.memory_space<vmem>>, %arg7: memref<1x1xf32, #tpu.memory_space<vmem>>, %arg8: memref<1x1xf32, #tpu.memory_space<vmem>>) attributes {dimension_semantics = [#tpu.dimension_semantics<arbitrary>], iteration_bounds = array<i64: 4>, scalar_prefetch = 0 : i64, scratch_operands = 1 : i64, tpu.core_type = #tpu.core_type<tc>, window_params = [{transform_indices = @transform_0, window_bounds = array<i64: 2048, 256>}, {transform_indices = @transform_1, window_bounds = array<i64: 2048, 256>}, {pipeline_mode = #tpu.pipeline_mode<synchronous>, transform_indices = @transform_2, window_bounds = array<i64: 1, 1024>}, {pipeline_mode = #tpu.pipeline_mode<synchronous>, transform_indices = @transform_3, window_bounds = array<i64: 1024, 256>}, {transform_indices = @transform_4, window_bounds = array<i64: 2048, 1>}, {transform_indices = @transform_5, window_bounds = array<i64: 2048, 256>}, {pipeline_mode = #tpu.pipeline_mode<synchronous>, transform_indices = @transform_6, window_bounds = array<i64: 1, 1>}]} {
    %get3A = arith.constant 0 : index
    %get3A_0 = arith.constant 0 : index
    %get3A_1 = vector.load %arg1[%get3A, %get3A_0] : memref<2048x256xf32, #tpu.memory_space<vmem>>, vector<2048x256xf32>
    %get3A_2 = arith.constant 0 : index
    %get3A_3 = arith.constant 0 : index
    %get3A_4 = vector.load %arg2[%get3A_2, %get3A_3] : memref<2048x256xf32, #tpu.memory_space<vmem>>, vector<2048x256xf32>
    %sub3A = arith.subf %get3A_1, %get3A_4 : vector<2048x256xf32>
    %swap3A = arith.constant 0 : index
    %swap3A_5 = arith.constant 0 : index
    %swap3A_6 = vector.load %arg6[%swap3A, %swap3A_5] : memref<2048x256xf32, #tpu.memory_space<vmem>>, vector<2048x256xf32>
    tpu.vector_store %arg6[%swap3A, %swap3A_5], %sub3A {strides = array<i32>} : memref<2048x256xf32, #tpu.memory_space<vmem>>, vector<2048x256xf32>,
    %mul3A = arith.mulf %sub3A, %sub3A : vector<2048x256xf32>
    %reduce_sum3A = arith.constant dense<0.000000e+00> : vector<2048xf32>
    %reduce_sum3A_7 = vector.multi_reduction <add>, %mul3A, %reduce_sum3A [1] : vector<2048x256xf32> to vector<2048xf32>
    %broadcast_in_dim3A = vector.shape_cast %reduce_sum3A_7 : vector<2048xf32> to vector<2048x1xf32>
    %reduce_sum3A_8 = arith.constant dense<0.000000e+00> : vector<1xf32>
    %reduce_sum3A_9 = vector.multi_reduction <add>, %broadcast_in_dim3A, %reduce_sum3A_8 [0] : vector<2048x1xf32> to vector<1xf32>
    %broadcast_in_dim3A_10 = vector.shape_cast %reduce_sum3A_9 : vector<1xf32> to vector<1x1xf32>
    %eq3A = arith.constant 0 : i32
    %eq3A_11 = arith.cmpi eq, %arg0, %eq3A : i32
    %convert_element_type3A = arith.extui %eq3A_11 : i1 to i32
    %cond3A = arith.constant 0 : i32
    %cond3A_12 = arith.cmpi ne, %convert_element_type3A, %cond3A : i32
    scf.if %cond3A_12 {
      %swap3A_61 = arith.constant 0 : index
      %swap3A_62 = arith.constant 0 : index
      %swap3A_63 = vector.load %arg8[%swap3A_61, %swap3A_62] : memref<1x1xf32, #tpu.memory_space<vmem>>, vector<1x1xf32>
      tpu.vector_store %arg8[%swap3A_61, %swap3A_62], %broadcast_in_dim3A_10 {strides = array<i32>} : memref<1x1xf32, #tpu.memory_space<vmem>>, vector<1x1xf32>,
    } else {
    }
    %ne3A = arith.constant 0 : i32
    %ne3A_13 = arith.cmpi ne, %arg0, %ne3A : i32
    %convert_element_type3A_14 = arith.extui %ne3A_13 : i1 to i32
    %cond3A_15 = arith.constant 0 : i32
    %cond3A_16 = arith.cmpi ne, %convert_element_type3A_14, %cond3A_15 : i32
    scf.if %cond3A_16 {
      %get3A_61 = arith.constant 0 : index
      %get3A_62 = arith.constant 0 : index
      %get3A_63 = vector.load %arg8[%get3A_61, %get3A_62] : memref<1x1xf32, #tpu.memory_space<vmem>>, vector<1x1xf32>
      %add3A_64 = arith.addf %get3A_63, %broadcast_in_dim3A_10 : vector<1x1xf32>
      %swap3A_65 = arith.constant 0 : index
      %swap3A_66 = arith.constant 0 : index
      %swap3A_67 = vector.load %arg8[%swap3A_65, %swap3A_66] : memref<1x1xf32, #tpu.memory_space<vmem>>, vector<1x1xf32>
      tpu.vector_store %arg8[%swap3A_65, %swap3A_66], %add3A_64 {strides = array<i32>} : memref<1x1xf32, #tpu.memory_space<vmem>>, vector<1x1xf32>,
    } else {
    }
    %get3A_17 = arith.constant 0 : index
    %get3A_18 = arith.constant 0 : index
    %get3A_19 = vector.load %arg8[%get3A_17, %get3A_18] : memref<1x1xf32, #tpu.memory_space<vmem>>, vector<1x1xf32>
    %mul3A_20 = arith.constant 4.76837158E-7 : f32
    %mul3A_21 = vector.broadcast %mul3A_20 : f32 to vector<1x1xf32>
    %mul3A_22 = arith.mulf %get3A_19, %mul3A_21 : vector<1x1xf32>
    %swap3A_23 = arith.constant 0 : index
    %swap3A_24 = arith.constant 0 : index
    %swap3A_25 = vector.load %arg7[%swap3A_23, %swap3A_24] : memref<1x1xf32, #tpu.memory_space<vmem>>, vector<1x1xf32>
    tpu.vector_store %arg7[%swap3A_23, %swap3A_24], %mul3A_22 {strides = array<i32>} : memref<1x1xf32, #tpu.memory_space<vmem>>, vector<1x1xf32>,
    %mul3A_26 = arith.constant 2.000000e+00 : f32
    %mul3A_27 = vector.broadcast %mul3A_26 : f32 to vector<2048x256xf32>
    %mul3A_28 = arith.mulf %mul3A_27, %sub3A : vector<2048x256xf32>
    %convert_element_type3A_29 = arith.truncf %mul3A_28 : vector<2048x256xf32> to vector<2048x256xbf16>
    %iota3A = tpu.iota {dimensions = array<i32: 1>} : vector<2048x1024xi32>
    %broadcast_in_dim3A_30 = arith.constant 0x7F800000 : f32
    %broadcast_in_dim3A_31 = vector.broadcast %broadcast_in_dim3A_30 : f32 to vector<2048x1xf32>
    %broadcast_in_dim3A_32 = arith.constant 0 : i32
    %broadcast_in_dim3A_33 = vector.broadcast %broadcast_in_dim3A_32 : i32 to vector<2048x1xi32>
    %get3A_34 = arith.constant 0 : index
    %get3A_35 = arith.constant 0 : index
    %get3A_36 = vector.load %arg4[%get3A_34, %get3A_35] : memref<1024x256xf32, #tpu.memory_space<vmem>>, vector<1024x256xf32>
    %get3A_37 = arith.constant 0 : index
    %get3A_38 = arith.constant 0 : index
    %get3A_39 = vector.load %arg3[%get3A_37, %get3A_38] : memref<1x1024xf32, #tpu.memory_space<vmem>>, vector<1x1024xf32>
    %dot_general3A = arith.constant dense<0.000000e+00> : vector<2048x1024xf32>
    %dot_general3A_40 = tpu.matmul %convert_element_type3A_29, %get3A_36, %dot_general3A {dimension_numbers = #tpu.dot_dimension_numbers<[1], [1], [0], [0], [0, 0, 1, 0], [], []>, transpose_lhs_hint = false} : vector<2048x256xbf16>, vector<1024x256xf32>, vector<2048x1024xf32> -> vector<2048x1024xf32>
    %sub3A_41 = vector.broadcast %broadcast_in_dim3A : vector<2048x1xf32> to vector<2048x1024xf32>
    %sub3A_42 = arith.subf %sub3A_41, %dot_general3A_40 : vector<2048x1024xf32>
    %add3A = vector.broadcast %get3A_39 : vector<1x1024xf32> to vector<2048x1024xf32>
    %add3A_43 = arith.addf %sub3A_42, %add3A : vector<2048x1024xf32>
    %reduce_min3A = arith.constant dense<0x7F800000> : vector<2048xf32>
    %reduce_min3A_44 = vector.multi_reduction <minimumf>, %add3A_43, %reduce_min3A [1] : vector<2048x1024xf32> to vector<2048xf32>
    %broadcast_in_dim3A_45 = vector.shape_cast %reduce_min3A_44 : vector<2048xf32> to vector<2048x1xf32>
    %eq3A_46 = vector.broadcast %broadcast_in_dim3A_45 : vector<2048x1xf32> to vector<2048x1024xf32>
    %eq3A_47 = arith.cmpf oeq, %add3A_43, %eq3A_46 : vector<2048x1024xf32>
    %jit3A = arith.constant 1073741824 : i32
    %broadcast_in_dim3A_48 = vector.broadcast %jit3A : i32 to vector<2048x1024xi32>
    %select_n3A = arith.select %eq3A_47, %iota3A, %broadcast_in_dim3A_48 : vector<2048x1024xi1>, vector<2048x1024xi32>
    %reduce_min3A_49 = arith.constant dense<2147483647> : vector<2048xi32>
    %reduce_min3A_50 = vector.multi_reduction <minsi>, %select_n3A, %reduce_min3A_49 [1] : vector<2048x1024xi32> to vector<2048xi32>
    %broadcast_in_dim3A_51 = vector.shape_cast %reduce_min3A_50 : vector<2048xi32> to vector<2048x1xi32>
    %add3A_52 = arith.constant 0 : i32
    %add3A_53 = vector.broadcast %add3A_52 : i32 to vector<2048x1xi32>
    %add3A_54 = arith.addi %broadcast_in_dim3A_51, %add3A_53 : vector<2048x1xi32>
    %lt3A = arith.cmpf olt, %broadcast_in_dim3A_45, %broadcast_in_dim3A_31 : vector<2048x1xf32>
    %eq3A_55 = arith.cmpf oeq, %broadcast_in_dim3A_45, %broadcast_in_dim3A_31 : vector<2048x1xf32>
    %lt3A_56 = arith.cmpi slt, %add3A_54, %broadcast_in_dim3A_33 : vector<2048x1xi32>
    %and3A = arith.andi %eq3A_55, %lt3A_56 : vector<2048x1xi1>
    %or3A = arith.ori %lt3A, %and3A : vector<2048x1xi1>
    %select_n3A_57 = arith.select %or3A, %add3A_54, %broadcast_in_dim3A_33 : vector<2048x1xi1>, vector<2048x1xi32>
    %swap3A_58 = arith.constant 0 : index
    %swap3A_59 = arith.constant 0 : index
    %swap3A_60 = vector.load %arg5[%swap3A_58, %swap3A_59] : memref<2048x1xi32, #tpu.memory_space<vmem>>, vector<2048x1xi32>
    tpu.vector_store %arg5[%swap3A_58, %swap3A_59], %select_n3A_57 {strides = array<i32>} : memref<2048x1xi32, #tpu.memory_space<vmem>>, vector<2048x1xi32>,
    return
  }
  func.func @transform_0(%arg0: i32) -> (i32, i32) {
    %c0_i32 = arith.constant 0 : i32
    %c0_i32_0 = arith.constant 0 : i32
    return %arg0, %c0_i32 : i32, i32
  }
  func.func @transform_1(%arg0: i32) -> (i32, i32) {
    %c0_i32 = arith.constant 0 : i32
    %c0_i32_0 = arith.constant 0 : i32
    return %arg0, %c0_i32 : i32, i32
  }
  func.func @transform_2(%arg0: i32) -> (i32, i32) {
    %c0_i32 = arith.constant 0 : i32
    %c0_i32_0 = arith.constant 0 : i32
    %c0_i32_1 = arith.constant 0 : i32
    return %c0_i32, %c0_i32_0 : i32, i32
  }
  func.func @transform_3(%arg0: i32) -> (i32, i32) {
    %c0_i32 = arith.constant 0 : i32
    %c0_i32_0 = arith.constant 0 : i32
    %c0_i32_1 = arith.constant 0 : i32
    return %c0_i32, %c0_i32_0 : i32, i32
  }
  func.func @transform_4(%arg0: i32) -> (i32, i32) {
    %c0_i32 = arith.constant 0 : i32
    %c0_i32_0 = arith.constant 0 : i32
    return %arg0, %c0_i32 : i32, i32
  }
  func.func @transform_5(%arg0: i32) -> (i32, i32) {
    %c0_i32 = arith.constant 0 : i32
    %c0_i32_0 = arith.constant 0 : i32
    return %arg0, %c0_i32 : i32, i32
  }
  func.func @transform_6(%arg0: i32) -> (i32, i32) {
    %c0_i32 = arith.constant 0 : i32
    %c0_i32_0 = arith.constant 0 : i32
    %c0_i32_1 = arith.constant 0 : i32
    return %c0_i32, %c0_i32_0 : i32, i32
  }
}

module attributes {stable_mosaic.version = 14 : i64} {
  func.func @_argmin_body(%arg0: i32, %arg1: memref<2048x256xf32, #tpu.memory_space<vmem>>, %arg2: memref<2048x256xf32, #tpu.memory_space<vmem>>, %arg3: memref<1x512xf32, #tpu.memory_space<vmem>>, %arg4: memref<512x256xf32, #tpu.memory_space<vmem>>, %arg5: memref<2048x1xi32, #tpu.memory_space<vmem>>, %arg6: memref<2048x256xf32, #tpu.memory_space<vmem>>, %arg7: memref<1x1xf32, #tpu.memory_space<vmem>>, %arg8: memref<1x1xf32, #tpu.memory_space<vmem>>) attributes {dimension_semantics = [#tpu.dimension_semantics<arbitrary>], iteration_bounds = array<i64: 4>, scalar_prefetch = 0 : i64, scratch_operands = 1 : i64, tpu.core_type = #tpu.core_type<tc>, window_params = [{transform_indices = @transform_0, window_bounds = array<i64: 2048, 256>}, {transform_indices = @transform_1, window_bounds = array<i64: 2048, 256>}, {pipeline_mode = #tpu.pipeline_mode<synchronous>, transform_indices = @transform_2, window_bounds = array<i64: 1, 512>}, {pipeline_mode = #tpu.pipeline_mode<synchronous>, transform_indices = @transform_3, window_bounds = array<i64: 512, 256>}, {transform_indices = @transform_4, window_bounds = array<i64: 2048, 1>}, {transform_indices = @transform_5, window_bounds = array<i64: 2048, 256>}, {pipeline_mode = #tpu.pipeline_mode<synchronous>, transform_indices = @transform_6, window_bounds = array<i64: 1, 1>}]} {
    %get3A = arith.constant 0 : index
    %get3A_0 = arith.constant 0 : index
    %get3A_1 = vector.load %arg1[%get3A, %get3A_0] : memref<2048x256xf32, #tpu.memory_space<vmem>>, vector<2048x256xf32>
    %get3A_2 = arith.constant 0 : index
    %get3A_3 = arith.constant 0 : index
    %get3A_4 = vector.load %arg2[%get3A_2, %get3A_3] : memref<2048x256xf32, #tpu.memory_space<vmem>>, vector<2048x256xf32>
    %sub3A = arith.subf %get3A_1, %get3A_4 : vector<2048x256xf32>
    %swap3A = arith.constant 0 : index
    %swap3A_5 = arith.constant 0 : index
    %swap3A_6 = vector.load %arg6[%swap3A, %swap3A_5] : memref<2048x256xf32, #tpu.memory_space<vmem>>, vector<2048x256xf32>
    tpu.vector_store %arg6[%swap3A, %swap3A_5], %sub3A {strides = array<i32>} : memref<2048x256xf32, #tpu.memory_space<vmem>>, vector<2048x256xf32>,
    %mul3A = arith.mulf %sub3A, %sub3A : vector<2048x256xf32>
    %reduce_sum3A = arith.constant dense<0.000000e+00> : vector<2048xf32>
    %reduce_sum3A_7 = vector.multi_reduction <add>, %mul3A, %reduce_sum3A [1] : vector<2048x256xf32> to vector<2048xf32>
    %broadcast_in_dim3A = vector.shape_cast %reduce_sum3A_7 : vector<2048xf32> to vector<2048x1xf32>
    %reduce_sum3A_8 = arith.constant dense<0.000000e+00> : vector<1xf32>
    %reduce_sum3A_9 = vector.multi_reduction <add>, %broadcast_in_dim3A, %reduce_sum3A_8 [0] : vector<2048x1xf32> to vector<1xf32>
    %broadcast_in_dim3A_10 = vector.shape_cast %reduce_sum3A_9 : vector<1xf32> to vector<1x1xf32>
    %eq3A = arith.constant 0 : i32
    %eq3A_11 = arith.cmpi eq, %arg0, %eq3A : i32
    %convert_element_type3A = arith.extui %eq3A_11 : i1 to i32
    %cond3A = arith.constant 0 : i32
    %cond3A_12 = arith.cmpi ne, %convert_element_type3A, %cond3A : i32
    scf.if %cond3A_12 {
      %swap3A_61 = arith.constant 0 : index
      %swap3A_62 = arith.constant 0 : index
      %swap3A_63 = vector.load %arg8[%swap3A_61, %swap3A_62] : memref<1x1xf32, #tpu.memory_space<vmem>>, vector<1x1xf32>
      tpu.vector_store %arg8[%swap3A_61, %swap3A_62], %broadcast_in_dim3A_10 {strides = array<i32>} : memref<1x1xf32, #tpu.memory_space<vmem>>, vector<1x1xf32>,
    } else {
    }
    %ne3A = arith.constant 0 : i32
    %ne3A_13 = arith.cmpi ne, %arg0, %ne3A : i32
    %convert_element_type3A_14 = arith.extui %ne3A_13 : i1 to i32
    %cond3A_15 = arith.constant 0 : i32
    %cond3A_16 = arith.cmpi ne, %convert_element_type3A_14, %cond3A_15 : i32
    scf.if %cond3A_16 {
      %get3A_61 = arith.constant 0 : index
      %get3A_62 = arith.constant 0 : index
      %get3A_63 = vector.load %arg8[%get3A_61, %get3A_62] : memref<1x1xf32, #tpu.memory_space<vmem>>, vector<1x1xf32>
      %add3A_64 = arith.addf %get3A_63, %broadcast_in_dim3A_10 : vector<1x1xf32>
      %swap3A_65 = arith.constant 0 : index
      %swap3A_66 = arith.constant 0 : index
      %swap3A_67 = vector.load %arg8[%swap3A_65, %swap3A_66] : memref<1x1xf32, #tpu.memory_space<vmem>>, vector<1x1xf32>
      tpu.vector_store %arg8[%swap3A_65, %swap3A_66], %add3A_64 {strides = array<i32>} : memref<1x1xf32, #tpu.memory_space<vmem>>, vector<1x1xf32>,
    } else {
    }
    %get3A_17 = arith.constant 0 : index
    %get3A_18 = arith.constant 0 : index
    %get3A_19 = vector.load %arg8[%get3A_17, %get3A_18] : memref<1x1xf32, #tpu.memory_space<vmem>>, vector<1x1xf32>
    %mul3A_20 = arith.constant 4.76837158E-7 : f32
    %mul3A_21 = vector.broadcast %mul3A_20 : f32 to vector<1x1xf32>
    %mul3A_22 = arith.mulf %get3A_19, %mul3A_21 : vector<1x1xf32>
    %swap3A_23 = arith.constant 0 : index
    %swap3A_24 = arith.constant 0 : index
    %swap3A_25 = vector.load %arg7[%swap3A_23, %swap3A_24] : memref<1x1xf32, #tpu.memory_space<vmem>>, vector<1x1xf32>
    tpu.vector_store %arg7[%swap3A_23, %swap3A_24], %mul3A_22 {strides = array<i32>} : memref<1x1xf32, #tpu.memory_space<vmem>>, vector<1x1xf32>,
    %mul3A_26 = arith.constant 2.000000e+00 : f32
    %mul3A_27 = vector.broadcast %mul3A_26 : f32 to vector<2048x256xf32>
    %mul3A_28 = arith.mulf %mul3A_27, %sub3A : vector<2048x256xf32>
    %convert_element_type3A_29 = arith.truncf %mul3A_28 : vector<2048x256xf32> to vector<2048x256xbf16>
    %iota3A = tpu.iota {dimensions = array<i32: 1>} : vector<2048x512xi32>
    %broadcast_in_dim3A_30 = arith.constant 0x7F800000 : f32
    %broadcast_in_dim3A_31 = vector.broadcast %broadcast_in_dim3A_30 : f32 to vector<2048x1xf32>
    %broadcast_in_dim3A_32 = arith.constant 0 : i32
    %broadcast_in_dim3A_33 = vector.broadcast %broadcast_in_dim3A_32 : i32 to vector<2048x1xi32>
    %get3A_34 = arith.constant 0 : index
    %get3A_35 = arith.constant 0 : index
    %get3A_36 = vector.load %arg4[%get3A_34, %get3A_35] : memref<512x256xf32, #tpu.memory_space<vmem>>, vector<512x256xf32>
    %get3A_37 = arith.constant 0 : index
    %get3A_38 = arith.constant 0 : index
    %get3A_39 = vector.load %arg3[%get3A_37, %get3A_38] : memref<1x512xf32, #tpu.memory_space<vmem>>, vector<1x512xf32>
    %dot_general3A = arith.constant dense<0.000000e+00> : vector<2048x512xf32>
    %dot_general3A_40 = tpu.matmul %convert_element_type3A_29, %get3A_36, %dot_general3A {dimension_numbers = #tpu.dot_dimension_numbers<[1], [1], [0], [0], [0, 0, 1, 0], [], []>, transpose_lhs_hint = false} : vector<2048x256xbf16>, vector<512x256xf32>, vector<2048x512xf32> -> vector<2048x512xf32>
    %sub3A_41 = vector.broadcast %broadcast_in_dim3A : vector<2048x1xf32> to vector<2048x512xf32>
    %sub3A_42 = arith.subf %sub3A_41, %dot_general3A_40 : vector<2048x512xf32>
    %add3A = vector.broadcast %get3A_39 : vector<1x512xf32> to vector<2048x512xf32>
    %add3A_43 = arith.addf %sub3A_42, %add3A : vector<2048x512xf32>
    %reduce_min3A = arith.constant dense<0x7F800000> : vector<2048xf32>
    %reduce_min3A_44 = vector.multi_reduction <minimumf>, %add3A_43, %reduce_min3A [1] : vector<2048x512xf32> to vector<2048xf32>
    %broadcast_in_dim3A_45 = vector.shape_cast %reduce_min3A_44 : vector<2048xf32> to vector<2048x1xf32>
    %eq3A_46 = vector.broadcast %broadcast_in_dim3A_45 : vector<2048x1xf32> to vector<2048x512xf32>
    %eq3A_47 = arith.cmpf oeq, %add3A_43, %eq3A_46 : vector<2048x512xf32>
    %jit3A = arith.constant 1073741824 : i32
    %broadcast_in_dim3A_48 = vector.broadcast %jit3A : i32 to vector<2048x512xi32>
    %select_n3A = arith.select %eq3A_47, %iota3A, %broadcast_in_dim3A_48 : vector<2048x512xi1>, vector<2048x512xi32>
    %reduce_min3A_49 = arith.constant dense<2147483647> : vector<2048xi32>
    %reduce_min3A_50 = vector.multi_reduction <minsi>, %select_n3A, %reduce_min3A_49 [1] : vector<2048x512xi32> to vector<2048xi32>
    %broadcast_in_dim3A_51 = vector.shape_cast %reduce_min3A_50 : vector<2048xi32> to vector<2048x1xi32>
    %add3A_52 = arith.constant 0 : i32
    %add3A_53 = vector.broadcast %add3A_52 : i32 to vector<2048x1xi32>
    %add3A_54 = arith.addi %broadcast_in_dim3A_51, %add3A_53 : vector<2048x1xi32>
    %lt3A = arith.cmpf olt, %broadcast_in_dim3A_45, %broadcast_in_dim3A_31 : vector<2048x1xf32>
    %eq3A_55 = arith.cmpf oeq, %broadcast_in_dim3A_45, %broadcast_in_dim3A_31 : vector<2048x1xf32>
    %lt3A_56 = arith.cmpi slt, %add3A_54, %broadcast_in_dim3A_33 : vector<2048x1xi32>
    %and3A = arith.andi %eq3A_55, %lt3A_56 : vector<2048x1xi1>
    %or3A = arith.ori %lt3A, %and3A : vector<2048x1xi1>
    %select_n3A_57 = arith.select %or3A, %add3A_54, %broadcast_in_dim3A_33 : vector<2048x1xi1>, vector<2048x1xi32>
    %swap3A_58 = arith.constant 0 : index
    %swap3A_59 = arith.constant 0 : index
    %swap3A_60 = vector.load %arg5[%swap3A_58, %swap3A_59] : memref<2048x1xi32, #tpu.memory_space<vmem>>, vector<2048x1xi32>
    tpu.vector_store %arg5[%swap3A_58, %swap3A_59], %select_n3A_57 {strides = array<i32>} : memref<2048x1xi32, #tpu.memory_space<vmem>>, vector<2048x1xi32>,
    return
  }
  func.func @transform_0(%arg0: i32) -> (i32, i32) {
    %c0_i32 = arith.constant 0 : i32
    %c0_i32_0 = arith.constant 0 : i32
    return %arg0, %c0_i32 : i32, i32
  }
  func.func @transform_1(%arg0: i32) -> (i32, i32) {
    %c0_i32 = arith.constant 0 : i32
    %c0_i32_0 = arith.constant 0 : i32
    return %arg0, %c0_i32 : i32, i32
  }
  func.func @transform_2(%arg0: i32) -> (i32, i32) {
    %c0_i32 = arith.constant 0 : i32
    %c0_i32_0 = arith.constant 0 : i32
    %c0_i32_1 = arith.constant 0 : i32
    return %c0_i32, %c0_i32_0 : i32, i32
  }
  func.func @transform_3(%arg0: i32) -> (i32, i32) {
    %c0_i32 = arith.constant 0 : i32
    %c0_i32_0 = arith.constant 0 : i32
    %c0_i32_1 = arith.constant 0 : i32
    return %c0_i32, %c0_i32_0 : i32, i32
  }
  func.func @transform_4(%arg0: i32) -> (i32, i32) {
    %c0_i32 = arith.constant 0 : i32
    %c0_i32_0 = arith.constant 0 : i32
    return %arg0, %c0_i32 : i32, i32
  }
  func.func @transform_5(%arg0: i32) -> (i32, i32) {
    %c0_i32 = arith.constant 0 : i32
    %c0_i32_0 = arith.constant 0 : i32
    return %arg0, %c0_i32 : i32, i32
  }
  func.func @transform_6(%arg0: i32) -> (i32, i32) {
    %c0_i32 = arith.constant 0 : i32
    %c0_i32_0 = arith.constant 0 : i32
    %c0_i32_1 = arith.constant 0 : i32
    return %c0_i32, %c0_i32_0 : i32, i32
  }
}

module attributes {stable_mosaic.version = 14 : i64} {
  func.func @_final_body(%arg0: i32, %arg1: memref<2048x256xf32, #tpu.memory_space<vmem>>, %arg2: memref<2048x256xf32, #tpu.memory_space<vmem>>, %arg3: memref<2048x256xf32, #tpu.memory_space<vmem>>, %arg4: memref<1x1xf32, #tpu.memory_space<vmem>>, %arg5: memref<2048x256xf32, #tpu.memory_space<vmem>>, %arg6: memref<1x1xf32, #tpu.memory_space<vmem>>) attributes {dimension_semantics = [#tpu.dimension_semantics<arbitrary>], iteration_bounds = array<i64: 4>, scalar_prefetch = 0 : i64, scratch_operands = 1 : i64, tpu.core_type = #tpu.core_type<tc>, window_params = [{transform_indices = @transform_0, window_bounds = array<i64: 2048, 256>}, {transform_indices = @transform_1, window_bounds = array<i64: 2048, 256>}, {transform_indices = @transform_2, window_bounds = array<i64: 2048, 256>}, {pipeline_mode = #tpu.pipeline_mode<synchronous>, transform_indices = @transform_3, window_bounds = array<i64: 1, 1>}, {transform_indices = @transform_4, window_bounds = array<i64: 2048, 256>}]} {
    %get3A = arith.constant 0 : index
    %get3A_0 = arith.constant 0 : index
    %get3A_1 = vector.load %arg1[%get3A, %get3A_0] : memref<2048x256xf32, #tpu.memory_space<vmem>>, vector<2048x256xf32>
    %get3A_2 = arith.constant 0 : index
    %get3A_3 = arith.constant 0 : index
    %get3A_4 = vector.load %arg2[%get3A_2, %get3A_3] : memref<2048x256xf32, #tpu.memory_space<vmem>>, vector<2048x256xf32>
    %sub3A = arith.subf %get3A_1, %get3A_4 : vector<2048x256xf32>
    %get3A_5 = arith.constant 0 : index
    %get3A_6 = arith.constant 0 : index
    %get3A_7 = vector.load %arg3[%get3A_5, %get3A_6] : memref<2048x256xf32, #tpu.memory_space<vmem>>, vector<2048x256xf32>
    %sub3A_8 = arith.subf %get3A_7, %sub3A : vector<2048x256xf32>
    %swap3A = arith.constant 0 : index
    %swap3A_9 = arith.constant 0 : index
    %swap3A_10 = vector.load %arg5[%swap3A, %swap3A_9] : memref<2048x256xf32, #tpu.memory_space<vmem>>, vector<2048x256xf32>
    tpu.vector_store %arg5[%swap3A, %swap3A_9], %sub3A_8 {strides = array<i32>} : memref<2048x256xf32, #tpu.memory_space<vmem>>, vector<2048x256xf32>,
    %mul3A = arith.mulf %sub3A, %sub3A : vector<2048x256xf32>
    %reduce_sum3A = arith.constant dense<0.000000e+00> : vector<2048xf32>
    %reduce_sum3A_11 = vector.multi_reduction <add>, %mul3A, %reduce_sum3A [1] : vector<2048x256xf32> to vector<2048xf32>
    %broadcast_in_dim3A = vector.shape_cast %reduce_sum3A_11 : vector<2048xf32> to vector<2048x1xf32>
    %reduce_sum3A_12 = arith.constant dense<0.000000e+00> : vector<1xf32>
    %reduce_sum3A_13 = vector.multi_reduction <add>, %broadcast_in_dim3A, %reduce_sum3A_12 [0] : vector<2048x1xf32> to vector<1xf32>
    %broadcast_in_dim3A_14 = vector.shape_cast %reduce_sum3A_13 : vector<1xf32> to vector<1x1xf32>
    %eq3A = arith.constant 0 : i32
    %eq3A_15 = arith.cmpi eq, %arg0, %eq3A : i32
    %convert_element_type3A = arith.extui %eq3A_15 : i1 to i32
    %cond3A = arith.constant 0 : i32
    %cond3A_16 = arith.cmpi ne, %convert_element_type3A, %cond3A : i32
    scf.if %cond3A_16 {
      %swap3A_30 = arith.constant 0 : index
      %swap3A_31 = arith.constant 0 : index
      %swap3A_32 = vector.load %arg6[%swap3A_30, %swap3A_31] : memref<1x1xf32, #tpu.memory_space<vmem>>, vector<1x1xf32>
      tpu.vector_store %arg6[%swap3A_30, %swap3A_31], %broadcast_in_dim3A_14 {strides = array<i32>} : memref<1x1xf32, #tpu.memory_space<vmem>>, vector<1x1xf32>,
    } else {
    }
    %ne3A = arith.constant 0 : i32
    %ne3A_17 = arith.cmpi ne, %arg0, %ne3A : i32
    %convert_element_type3A_18 = arith.extui %ne3A_17 : i1 to i32
    %cond3A_19 = arith.constant 0 : i32
    %cond3A_20 = arith.cmpi ne, %convert_element_type3A_18, %cond3A_19 : i32
    scf.if %cond3A_20 {
      %get3A_30 = arith.constant 0 : index
      %get3A_31 = arith.constant 0 : index
      %get3A_32 = vector.load %arg6[%get3A_30, %get3A_31] : memref<1x1xf32, #tpu.memory_space<vmem>>, vector<1x1xf32>
      %add3A = arith.addf %get3A_32, %broadcast_in_dim3A_14 : vector<1x1xf32>
      %swap3A_33 = arith.constant 0 : index
      %swap3A_34 = arith.constant 0 : index
      %swap3A_35 = vector.load %arg6[%swap3A_33, %swap3A_34] : memref<1x1xf32, #tpu.memory_space<vmem>>, vector<1x1xf32>
      tpu.vector_store %arg6[%swap3A_33, %swap3A_34], %add3A {strides = array<i32>} : memref<1x1xf32, #tpu.memory_space<vmem>>, vector<1x1xf32>,
    } else {
    }
    %get3A_21 = arith.constant 0 : index
    %get3A_22 = arith.constant 0 : index
    %get3A_23 = vector.load %arg6[%get3A_21, %get3A_22] : memref<1x1xf32, #tpu.memory_space<vmem>>, vector<1x1xf32>
    %mul3A_24 = arith.constant 4.76837158E-7 : f32
    %mul3A_25 = vector.broadcast %mul3A_24 : f32 to vector<1x1xf32>
    %mul3A_26 = arith.mulf %get3A_23, %mul3A_25 : vector<1x1xf32>
    %swap3A_27 = arith.constant 0 : index
    %swap3A_28 = arith.constant 0 : index
    %swap3A_29 = vector.load %arg4[%swap3A_27, %swap3A_28] : memref<1x1xf32, #tpu.memory_space<vmem>>, vector<1x1xf32>
    tpu.vector_store %arg4[%swap3A_27, %swap3A_28], %mul3A_26 {strides = array<i32>} : memref<1x1xf32, #tpu.memory_space<vmem>>, vector<1x1xf32>,
    return
  }
  func.func @transform_0(%arg0: i32) -> (i32, i32) {
    %c0_i32 = arith.constant 0 : i32
    %c0_i32_0 = arith.constant 0 : i32
    return %arg0, %c0_i32 : i32, i32
  }
  func.func @transform_1(%arg0: i32) -> (i32, i32) {
    %c0_i32 = arith.constant 0 : i32
    %c0_i32_0 = arith.constant 0 : i32
    return %arg0, %c0_i32 : i32, i32
  }
  func.func @transform_2(%arg0: i32) -> (i32, i32) {
    %c0_i32 = arith.constant 0 : i32
    %c0_i32_0 = arith.constant 0 : i32
    return %arg0, %c0_i32 : i32, i32
  }
  func.func @transform_3(%arg0: i32) -> (i32, i32) {
    %c0_i32 = arith.constant 0 : i32
    %c0_i32_0 = arith.constant 0 : i32
    %c0_i32_1 = arith.constant 0 : i32
    return %c0_i32, %c0_i32_0 : i32, i32
  }
  func.func @transform_4(%arg0: i32) -> (i32, i32) {
    %c0_i32 = arith.constant 0 : i32
    %c0_i32_0 = arith.constant 0 : i32
    return %arg0, %c0_i32 : i32, i32
  }
}

module attributes {stable_mosaic.version = 14 : i64} {
  func.func @_perp_body(%arg0: memref<2x8192xf32, #tpu.memory_space<vmem>>, %arg1: memref<2x1024xf32, #tpu.memory_space<vmem>>, %arg2: memref<2x512xf32, #tpu.memory_space<vmem>>, %arg3: memref<1x1xf32, #tpu.memory_space<vmem>>, %arg4: memref<1x1xf32, #tpu.memory_space<vmem>>, %arg5: memref<1x1xf32, #tpu.memory_space<vmem>>) attributes {dimension_semantics = [], scalar_prefetch = 0 : i64, scratch_operands = 0 : i64, tpu.core_type = #tpu.core_type<tc>} {
    %get3A = arith.constant 0 : index
    %get3A_0 = arith.constant 0 : index
    %get3A_1 = vector.load %arg0[%get3A, %get3A_0] : memref<2x8192xf32, #tpu.memory_space<vmem>>, vector<2x8192xf32>
    %reduce_sum3A = arith.constant dense<0.000000e+00> : vector<8192xf32>
    %reduce_sum3A_2 = vector.multi_reduction <add>, %get3A_1, %reduce_sum3A [0] : vector<2x8192xf32> to vector<8192xf32>
    %broadcast_in_dim3A = vector.shape_cast %reduce_sum3A_2 : vector<8192xf32> to vector<1x8192xf32>
    %div3A = arith.constant 8.192000e+03 : f32
    %div3A_3 = vector.broadcast %div3A : f32 to vector<1x8192xf32>
    %div3A_4 = arith.divf %broadcast_in_dim3A, %div3A_3 : vector<1x8192xf32>
    %add3A = arith.constant 1.000000e-10 : f32
    %add3A_5 = vector.broadcast %add3A : f32 to vector<1x8192xf32>
    %add3A_6 = arith.addf %div3A_4, %add3A_5 : vector<1x8192xf32>
    %log3A = math.log %add3A_6 : vector<1x8192xf32>
    %mul3A = arith.mulf %div3A_4, %log3A : vector<1x8192xf32>
    %reduce_sum3A_7 = arith.constant dense<0.000000e+00> : vector<1xf32>
    %reduce_sum3A_8 = vector.multi_reduction <add>, %mul3A, %reduce_sum3A_7 [1] : vector<1x8192xf32> to vector<1xf32>
    %broadcast_in_dim3A_9 = vector.shape_cast %reduce_sum3A_8 : vector<1xf32> to vector<1x1xf32>
    %neg3A = arith.constant 0.000000e+00 : f32
    %neg3A_10 = vector.broadcast %neg3A : f32 to vector<1x1xf32>
    %neg3A_11 = arith.subf %neg3A_10, %broadcast_in_dim3A_9 : vector<1x1xf32>
    %exp3A = math.exp %neg3A_11 : vector<1x1xf32>
    %swap3A = arith.constant 0 : index
    %swap3A_12 = arith.constant 0 : index
    %swap3A_13 = vector.load %arg3[%swap3A, %swap3A_12] : memref<1x1xf32, #tpu.memory_space<vmem>>, vector<1x1xf32>
    tpu.vector_store %arg3[%swap3A, %swap3A_12], %exp3A {strides = array<i32>} : memref<1x1xf32, #tpu.memory_space<vmem>>, vector<1x1xf32>,
    %get3A_14 = arith.constant 0 : index
    %get3A_15 = arith.constant 0 : index
    %get3A_16 = vector.load %arg1[%get3A_14, %get3A_15] : memref<2x1024xf32, #tpu.memory_space<vmem>>, vector<2x1024xf32>
    %reduce_sum3A_17 = arith.constant dense<0.000000e+00> : vector<1024xf32>
    %reduce_sum3A_18 = vector.multi_reduction <add>, %get3A_16, %reduce_sum3A_17 [0] : vector<2x1024xf32> to vector<1024xf32>
    %broadcast_in_dim3A_19 = vector.shape_cast %reduce_sum3A_18 : vector<1024xf32> to vector<1x1024xf32>
    %div3A_20 = arith.constant 8.192000e+03 : f32
    %div3A_21 = vector.broadcast %div3A_20 : f32 to vector<1x1024xf32>
    %div3A_22 = arith.divf %broadcast_in_dim3A_19, %div3A_21 : vector<1x1024xf32>
    %add3A_23 = arith.constant 1.000000e-10 : f32
    %add3A_24 = vector.broadcast %add3A_23 : f32 to vector<1x1024xf32>
    %add3A_25 = arith.addf %div3A_22, %add3A_24 : vector<1x1024xf32>
    %log3A_26 = math.log %add3A_25 : vector<1x1024xf32>
    %mul3A_27 = arith.mulf %div3A_22, %log3A_26 : vector<1x1024xf32>
    %reduce_sum3A_28 = arith.constant dense<0.000000e+00> : vector<1xf32>
    %reduce_sum3A_29 = vector.multi_reduction <add>, %mul3A_27, %reduce_sum3A_28 [1] : vector<1x1024xf32> to vector<1xf32>
    %broadcast_in_dim3A_30 = vector.shape_cast %reduce_sum3A_29 : vector<1xf32> to vector<1x1xf32>
    %neg3A_31 = arith.constant 0.000000e+00 : f32
    %neg3A_32 = vector.broadcast %neg3A_31 : f32 to vector<1x1xf32>
    %neg3A_33 = arith.subf %neg3A_32, %broadcast_in_dim3A_30 : vector<1x1xf32>
    %exp3A_34 = math.exp %neg3A_33 : vector<1x1xf32>
    %swap3A_35 = arith.constant 0 : index
    %swap3A_36 = arith.constant 0 : index
    %swap3A_37 = vector.load %arg4[%swap3A_35, %swap3A_36] : memref<1x1xf32, #tpu.memory_space<vmem>>, vector<1x1xf32>
    tpu.vector_store %arg4[%swap3A_35, %swap3A_36], %exp3A_34 {strides = array<i32>} : memref<1x1xf32, #tpu.memory_space<vmem>>, vector<1x1xf32>,
    %get3A_38 = arith.constant 0 : index
    %get3A_39 = arith.constant 0 : index
    %get3A_40 = vector.load %arg2[%get3A_38, %get3A_39] : memref<2x512xf32, #tpu.memory_space<vmem>>, vector<2x512xf32>
    %reduce_sum3A_41 = arith.constant dense<0.000000e+00> : vector<512xf32>
    %reduce_sum3A_42 = vector.multi_reduction <add>, %get3A_40, %reduce_sum3A_41 [0] : vector<2x512xf32> to vector<512xf32>
    %broadcast_in_dim3A_43 = vector.shape_cast %reduce_sum3A_42 : vector<512xf32> to vector<1x512xf32>
    %div3A_44 = arith.constant 8.192000e+03 : f32
    %div3A_45 = vector.broadcast %div3A_44 : f32 to vector<1x512xf32>
    %div3A_46 = arith.divf %broadcast_in_dim3A_43, %div3A_45 : vector<1x512xf32>
    %add3A_47 = arith.constant 1.000000e-10 : f32
    %add3A_48 = vector.broadcast %add3A_47 : f32 to vector<1x512xf32>
    %add3A_49 = arith.addf %div3A_46, %add3A_48 : vector<1x512xf32>
    %log3A_50 = math.log %add3A_49 : vector<1x512xf32>
    %mul3A_51 = arith.mulf %div3A_46, %log3A_50 : vector<1x512xf32>
    %reduce_sum3A_52 = arith.constant dense<0.000000e+00> : vector<1xf32>
    %reduce_sum3A_53 = vector.multi_reduction <add>, %mul3A_51, %reduce_sum3A_52 [1] : vector<1x512xf32> to vector<1xf32>
    %broadcast_in_dim3A_54 = vector.shape_cast %reduce_sum3A_53 : vector<1xf32> to vector<1x1xf32>
    %neg3A_55 = arith.constant 0.000000e+00 : f32
    %neg3A_56 = vector.broadcast %neg3A_55 : f32 to vector<1x1xf32>
    %neg3A_57 = arith.subf %neg3A_56, %broadcast_in_dim3A_54 : vector<1x1xf32>
    %exp3A_58 = math.exp %neg3A_57 : vector<1x1xf32>
    %swap3A_59 = arith.constant 0 : index
    %swap3A_60 = arith.constant 0 : index
    %swap3A_61 = vector.load %arg5[%swap3A_59, %swap3A_60] : memref<1x1xf32, #tpu.memory_space<vmem>>, vector<1x1xf32>
    tpu.vector_store %arg5[%swap3A_59, %swap3A_60], %exp3A_58 {strides = array<i32>} : memref<1x1xf32, #tpu.memory_space<vmem>>, vector<1x1xf32>,
    return
  }
}

</mosaic_0001>

<sc_bundles>
// kernel: kernel.13.cloned.1.call-start
scs
__scs_entry_jumppad:
0x0: {  	(pc) =	sbr.rel $0x88, $3  }
0x1: {  	(tag) =	ssettag $0x0;
	lr =	simm.s32 $0x1  }
0x2: {  	[smem:$0x3F9D] =	sst lr;
	_ =	strace $0xD0000000  }
0x3: {  	_ = 	snop  }
0x4: {  	_ = 	snop  }
0x5: {  	_ = 	snop  }
0x6: {  	_ = 	snop  }
0x7: {  	_ = 	snop  }
__scs_overlays_trampoline_lowered:
0x8: {  	[smem:$0x3FAC] =	sst s0  }
0x9: {  	[smem:$0x3FAD] =	sst s1  }
0xa: {  	[smem:$0x3FAE] =	sst s2  }
0xb: {  	[smem:$0x3FAF] =	sst s3  }
0xc: {  	[smem:$0x3FB0] =	sst s4  }
0xd: {  	[smem:$0x3FB1] =	sst s5  }
0xe: {  	[smem:$0x3FB2] =	sst s6  }
0xf: {  	[smem:$0x3FB3] =	sst s7  }
0x10: {  	[smem:$0x3FB4] =	sst s8  }
0x11: {  	[smem:$0x3FB5] =	sst s9;
	s0 =	simm.s32 @!p0 $0x0  }
0x12: {  	s1 =	sld [smem:$0x3F9B];
	s0 =	simm.s32 @p0 $0x1  }
0x13: {  	[smem:$0x3FB6] =	sst s0;
	s0 =	simm.s32 @!p1 $0x0  }
0x14: {  	s2 =	sld [smem:$0x3F9A];
	s0 =	simm.s32 @p1 $0x1  }
0x15: {  	[smem:$0x3FB7] =	sst s0;
	s0 =	simm.s32 @!p2 $0x0  }
0x16: {  	s3 =	sld [smem:$0x3FDB];
	s0 =	simm.s32 @p2 $0x1  }
0x17: {  	s4 =	simm.s32 $0x1BF5;
	[smem:$0x3FB9] =	sst s0  }
0x18: {  	s0 =	sld [smem:$0x3F9C];
	_ =	swait.ge [sflag:s4], $0x0  }
0x19: {  	s7 =	sld [smem:$0x3F9D]  }
0x1a: {  	s8 =	sadd.s32 $0xFFFFE003, lr  }
0x1b: {  	s9 =	sadd.s32 $0xFFFFFEF7, lr;
	s5 =	simm.s32 $0xFFFFFFFF;
	p2 =	slt.u32 s8, $0xFFFFF086  }
0x1c: {  	p1 =	slt.u32 s9, $0xF7A;
	s5 =	simm.s32 @!p2 $0x0  }
0x1d: {  	s5 =	simm.s32 @p1 $0x1;
	p0 =	seq.s32 s7, s2  }
0x1e: {  	s7 =	smul.u32 @!p0 $0xF7A, s2;
	p2 =	seq.s32 @!p0 s5, $0x0  }
0x1f: {  	s9 =	smul.u32 $0xF7A, s1;
	s8 =	simm.s32 @!p0 $0x1BF5;
	p2 =	por !p2, p0  }
0x20: {  	[sflag:s8] =	ssyncset.s32 @!p0 $0xFFFFF086;
	s6 =	sadd.s32 @!p0 s3, s7;
	s7 =	simm.s32 @!p0 $0x108  }
0x21: {  	s3 =	sadd.s32 s3, s9;
	s6 =	sadd.s32 @!p0 $0x88, s6;
	s7 =	simm.s32 @p2 $0x1082  }
0x22: {  	[simem:s7], [sflag:s8] =	dma.local @!p0 [hbm:s6], $0xF7A  }
0x23: {  	s9 =	sor.u32 $0xD0000000, s2;
	s6 =	simm.s32 $0x108;
	_ =	swait.ge @!p0 [sflag:s8], $0x0  }
0x24: {  	s3 =	sadd.s32 $0x88, s3;
	s6 =	simm.s32 @!p1 $0x1082;
	[sflag:s4] =	ssyncset.s32 $0xFFFFF086  }
0x25: {  	[simem:s6], [sflag:s4] =	dma.local [hbm:s3], $0xF7A  }
0x26: {  	[smem:$0x3F9D] =	sst s1;
	(tag) =	ssettag s2;
	_ =	strace s9  }
0x27: {  	s1 =	sld [smem:$0x3FAD]  }
0x28: {  	s2 =	sld [smem:$0x3FAE]  }
0x29: {  	s4 =	sld [smem:$0x3FB0]  }
0x2a: {  	p0 =	seq.s32 s5, $0x0;
	s5 =	sld [smem:$0x3FB1]  }
0x2b: {  	s6 =	sld [smem:$0x3FB2]  }
0x2c: {  	s7 =	sld [smem:$0x3FB3]  }
0x2d: {  	s3 =	simm.s32 $0x108;
	s8 =	sld [smem:$0x3FB4]  }
0x2e: {  	s3 =	simm.s32 @!p0 $0x1082;
	s9 =	sld [smem:$0x3FB5]  }
0x2f: {  	lr =	sadd.s32 s0, s3;
	s0 =	sld [smem:$0x3FAC]  }
0x30: {  	s3 =	sld [smem:$0x3FAF]  }
0x31: {  	[smem:$0x3FB8] =	sst s10  }
0x32: {  	s10 =	sld [smem:$0x3FB6];
	_ =	sdelay $0x3  }
0x33: {  	p0 =	seq.s32 s10, $0x1;
	s10 =	sld [smem:$0x3FB8];
	_ =	sdelay $0x3  }
0x34: {  	[smem:$0x3FB8] =	sst s10  }
0x35: {  	s10 =	sld [smem:$0x3FB7];
	_ =	sdelay $0x3  }
0x36: {  	p1 =	seq.s32 s10, $0x1;
	s10 =	sld [smem:$0x3FB8];
	_ =	sdelay $0x3  }
0x37: {  	[smem:$0x3FB8] =	sst s10  }
0x38: {  	s10 =	sld [smem:$0x3FB9]  }
0x39: {  	_ = 	snop;
	(pc) =	sbr.ind lr, $3  }
0x3a: {  	_ = 	snop  }
0x3b: {  	_ = 	snop  }
0x3c: {  	p2 =	seq.s32 s10, $0x1;
	s10 =	sld [smem:$0x3FB8]  }
0x3d: {  	_ =	shalt  }
0x3e: {  	_ =	shalt  }
0x3f: {  	_ =	shalt  }
0x40: {  	_ =	shalt  }
0x41: {  	_ =	shalt  }
0x42: {  	_ =	shalt  }
0x43: {  	_ =	shalt  }
0x44: {  	_ =	shalt  }
0x45: {  	_ =	shalt  }
0x46: {  	_ =	shalt  }
0x47: {  	_ =	shalt  }
0x48: {  	_ =	shalt  }
0x49: {  	_ =	shalt  }
0x4a: {  	_ =	shalt  }
0x4b: {  	_ =	shalt  }
0x4c: {  	_ =	shalt  }
0x4d: {  	_ =	shalt  }
0x4e: {  	_ =	shalt  }
0x4f: {  	_ =	shalt  }
0x50: {  	_ =	shalt  }
0x51: {  	_ =	shalt  }
0x52: {  	_ =	shalt  }
0x53: {  	_ =	shalt  }
0x54: {  	_ =	shalt  }
0x55: {  	_ =	shalt  }
0x56: {  	_ =	shalt  }
0x57: {  	_ =	shalt  }
0x58: {  	_ =	shalt  }
0x59: {  	_ =	shalt  }
0x5a: {  	_ =	shalt  }
0x5b: {  	_ =	shalt  }
0x5c: {  	_ =	shalt  }
0x5d: {  	_ =	shalt  }
0x5e: {  	_ =	shalt  }
0x5f: {  	_ =	shalt  }
0x60: {  	_ =	shalt  }
0x61: {  	_ =	shalt  }
0x62: {  	_ =	shalt  }
0x63: {  	_ =	shalt  }
0x64: {  	_ =	shalt  }
0x65: {  	_ =	shalt  }
0x66: {  	_ =	shalt  }
0x67: {  	_ =	shalt  }
0x68: {  	_ =	shalt  }
0x69: {  	_ =	shalt  }
0x6a: {  	_ =	shalt  }
0x6b: {  	_ =	shalt  }
0x6c: {  	_ =	shalt  }
0x6d: {  	_ =	shalt  }
0x6e: {  	_ =	shalt  }
0x6f: {  	_ =	shalt  }
0x70: {  	_ =	shalt  }
0x71: {  	_ =	shalt  }
0x72: {  	_ =	shalt  }
0x73: {  	_ =	shalt  }
0x74: {  	_ =	shalt  }
0x75: {  	_ =	shalt  }
0x76: {  	_ =	shalt  }
0x77: {  	_ =	shalt  }
0x78: {  	_ =	shalt  }
0x79: {  	_ =	shalt  }
0x7a: {  	_ =	shalt  }
0x7b: {  	_ =	shalt  }
0x7c: {  	_ =	shalt  }
0x7d: {  	_ =	shalt  }
0x7e: {  	_ =	shalt  }
0x7f: {  	_ =	shalt  }
0x80: {  	_ =	shalt  }
0x81: {  	_ =	shalt  }
0x82: {  	_ =	shalt  }
0x83: {  	_ =	shalt  }
0x84: {  	_ =	shalt  }
0x85: {  	_ =	shalt  }
0x86: {  	_ =	shalt  }
0x87: {  	_ =	shalt  }
.Lfunc_end0:
.L_simem_size_0:
called_computation_lowered:
.L_overlay_start_0:
0x88: {  	s2 =	sld [smem:$0x3FD9]  }
0x89: {  	s3 =	sld [smem:$0x3FFE];
	_ =	sdelay $0x1  }
0x8a: {  	s1 =	srdreg.scid  }
0x8b: {  	s0 =	sand.u32 $0x1, s1  }
0x8c: {  	s14 =	sshll.u32 s0, $0xA;
	s2 =	sadd.s32 s3, s2  }
0x8d: {  	s2 =	sadd.s32 s2, s14  }
0x8e: {  	[smem:$0x3FC4] =	sst s2  }
0x8f: {  	_ = 	snop  }
0x90: {  	s2 =	sld [smem:$0x3FD0];
	_ =	sdelay $0x2  }
0x91: {  	s4 =	simm.s32 $0xD;
	s5 =	simm.s32 $0x10;
	s15 =	sld [smem:$0x3FC8]  }
0x92: {  	[smem:s5], [sflag:s4] =	dma.local [hbm:s2], $0x1  }
0x93: {  	_ =	swait.eq [sflag:s4], $0x1  }
0x94: {  	[sflag:s4] =	ssyncset.done $0x0  }
0x95: {  	[sflag:s4] =	ssyncadd.s32 $0xFFFFFFFF  }
0x96: {  	s16 =	sld [smem:$0x10];
	(tm) =	ssettm $0x1  }
0x97: {  	s17 =	sld [smem:$0x3FFB];
	_ =	sdelay $0x3  }
0x98: {  	_ =	strace s17  }
0x99: {  	s4 =	sld [smem:$0x3FFC];
	_ =	sdelay $0x3  }
0x9a: {  	_ =	strace s4  }
0x9b: {  	s4 =	sld [smem:$0x3FFD];
	_ =	sdelay $0x3  }
0x9c: {  	_ =	strace s4  }
0x9d: {  	_ =	strace $0x8FFFFFFF  }
0x9e: {  	s18 =	sld [smem:$0x3FDB];
	_ =	sdelay $0x1  }
0x9f: {  	s19 =	simm.s32 $_scs_section_size  }
0xa0: {  	s6 =	simm.s32 $_size__tile_overlayer_lowered;
	s7 =	simm.s32 $_tile_overlayer_lowered  }
0xa1: {  	s22 =	simm.s32 $0x1BFF;
	s21 =	sshll.u32 s7, $0x1;
	s4 =	sadd.s32 s19, s18  }
0xa2: {  	s8 =	simm.s32 $0x0;
	s20 =	sshll.u32 s6, $0x1;
	s6 =	sadd.s32 s21, s4  }
0xa3: {  	[timem:s8], [sflag:s22] =	dma.local [hbm:s6], s20  }
0xa4: {  	_ =	swait.ge [sflag:s22], s20  }
0xa5: {  	s5 =	ssub.s32 $0x0, s20;
	[sflag:s22] =	ssyncset.done $0x0  }
0xa6: {  	[sflag:s22] =	ssyncadd.s32 s5;
	_ =	sdelay $0x1  }
0xa7: {  	s23 =	simm.s32 $0x1B8B  }
0xa8: {  	_ =	swait.ge [sflag:s23], $0x1  }
0xa9: {  	[sflag:s23] =	ssyncset.done $0x0  }
0xaa: {  	s25 =	simm.s32 $0x1B8E;
	s24 =	sld [smem:$0x3FFE];
	[sflag:s23] =	ssyncadd.s32 $0xFFFFFFFF  }
0xab: {  	s26 =	simm.s32 $execute0_lowered;
	[smem:$0x3FD2] =	sst s25  }
0xac: {  	s6 =	sshll.u32 s26, $0x1;
	_ =	strace $0x80000046;
	[dreg:$0x1] =	wrdreg $0xFFFFFFFF  }
0xad: {  	s28 =	simm.s32 $_size_execute0_lowered;
	s4 =	sadd.s32 s4, s6;
	[dreg:$0x0] =	wrdreg $0x0  }
0xae: {  	s6 =	sshll.u32 s28, $0x1;
	[dreg:$0x2] =	wrdreg s4  }
0xaf: {  	[dreg:$0x3] =	wrdreg s6  }
0xb0: {  	[dreg:$0x4] =	wrdreg $0xC0  }
0xb1: {  	_ =	task [dreg:s8], $0x5FFFF  }
0xb2: {  	[dreg:$0x1] =	wrdreg $0xFFFFFFFF  }
0xb3: {  	[dreg:$0x0] =	wrdreg $0x60  }
0xb4: {  	[dreg:$0x2] =	wrdreg s15  }
0xb5: {  	[dreg:$0x3] =	wrdreg s24  }
0xb6: {  	[dreg:$0x4] =	wrdreg s16  }
0xb7: {  	[dreg:$0x5] =	wrdreg $0x9  }
0xb8: {  	_ =	task.clear_ibuf [dreg:s8], $0x6FFFF;
	_ =	strace $0x90000046  }
0xb9: {  	s29 =	simm.s32 $0x9;
	_ =	strace $0x80000048  }
0xba: {  	_ =	swait.ge [sflag:s29], $0x1  }
0xbb: {  	[sflag:s29] =	ssyncadd.s32 $0xFFFFFFFF  }
0xbc: {  	_ =	strace $0x90000048  }
0xbd: {  	_ =	sfence  }
0xbe: {  	s30 =	sld [smem:$0x0];
	_ =	sdelay $0x2  }
0xbf: {  	s31 =	sshll.u32 s1, $0xD;
	s1 =	sshrl.u32 s1, $0x2  }
0xc0: {  	s3 =	sand.u32 $0x4000, s31;
	s1 =	sadd.s32 s1, s30  }
0xc1: {  	s0 =	sor.u32 s3, s0;
	s1 =	sshll.u32 s1, $0x11  }
0xc2: {  	s0 =	sor.u32 s1, s0  }
0xc3: {  	s0 =	sadd.s32 $0x8F2B, s0  }
0xc4: {  	[sflag:s0] =	ssyncadd.remote.s32 $0x1  }
0xc5: {  	_ =	sfence.sel $0xFFFF  }
0xc6: {  	[dreg:$0x0] =	wrdreg $0xFFFFFFFF;
	(pc) =	sbr.abs _section_cstart, $3  }
0xc7: {  	[dreg:$0x1] =	wrdreg $0xFFFFFFFF  }
0xc8: {  	_ =	task.clear_ibuf [dreg:s8], $0x2FFFF;
	_ =	strace $0x9FFFFFFF  }
0xc9: {  	(tm) =	ssettm $0x7FFFFFFF  }
tec
execute0_lowered:
.L_overlay_start_1:
0x0: {  	(tag) =	ssettag $0x1  }
0x1: {  	s1 =	rddreg [dreg:$0x0]  }
0x2: {  	s2 =	srdreg.scid;
	s4 =	rddreg [dreg:$0x1]  }
0x3: {  	s0 =	stileid.u32;
	s6 =	rddreg [dreg:$0x2];
	s19 =	simm.s32 $0x900  }
0x4: {  	s20 =	simm.s32 $0x1100;
	s21 =	simm.s32 $0x1900;
	s23 =	simm.s32 $0x2100  }
0x5: {  	s24 =	simm.s32 $0x2900;
	s25 =	simm.s32 $0x3100;
	s26 =	simm.s32 $0x3900  }
0x6: {  	s8 =	simm.s32 $0x4900;
	s9 =	simm.s32 $0x5100;
	s10 =	simm.s32 $0x5900  }
0x7: {  	s11 =	simm.s32 $0x6100;
	s12 =	simm.s32 $0x6900;
	s13 =	simm.s32 $0x7100  }
0x8: {  	s14 =	simm.s32 $0x7900;
	s15 =	simm.s32 $0x8100;
	s2 =	sand.u32 $0x1, s2  }
0x9: {  	s16 =	simm.s32 $0x8900;
	s3 =	sshll.u32 s0, $0x9;
	s5 =	sshll.u32 s2, $0x8  }
0xa: {  	s17 =	simm.s32 $0x9100;
	s5 =	sor.u32 s5, s3;
	s3 =	simm.s32 $0x0  }
0xb: {  	s28 =	simm.s32 $0xE100;
	s29 =	simm.s32 $0xE900;
	[smem:$0x7FF] =	sst s3  }
0xc: {  	s30 =	simm.s32 $0xF100;
	_ =	strace $0x80000047;
	[dreg:$0x6] =	wrdreg s19  }
0xd: {  	s31 =	simm.s32 $0xF900;
	s2 =	ssub.s32 $0x2, s2;
	[dreg:$0x7] =	wrdreg s20  }
0xe: {  	s22 =	sshrl.u32 s2, $0x1;
	s7 =	sshrl.u32 s5, $0x3;
	[dreg:$0x8] =	wrdreg s21  }
0xf: {  	s5 =	sshll.u32 s5, $0x5;
	s2 =	ssub.s32 s2, s22;
	[dreg:$0x9] =	wrdreg s23  }
0x10: {  	s22 =	simm.s32 $0xB900;
	s4 =	sadd.s32 s7, s4;
	[dreg:$0xa] =	wrdreg s24  }
0x11: {  	s18 =	sadd.s32 s6, s5;
	s5 =	simm.s32 $0x2;
	[dreg:$0xb] =	wrdreg s25  }
0x12: {  	s6 =	simm.s32 $0x100;
	[dreg:$0xc] =	wrdreg s26;
	s19 =	simm.s32 $0xA100  }
0x13: {  	s20 =	simm.s32 $0xA900;
	s21 =	simm.s32 $0xB100;
	s23 =	simm.s32 $0xC100  }
0x14: {  	v2 =	vlaneseq.u32;
	s24 =	simm.s32 $0xC900;
	s25 =	simm.s32 $0xD100;
	s26 =	simm.s32 $0xD900  }
0x15: {  	vm0 =	vmmov $0xffff;
	v1 =	vshrl.u32 v2, $0x3;
	s4 =	sadd.s32 $0x2800, s4;
	[dreg:$0x5] =	wrdreg s18;
	s18 =	simm.s32 $0x9900  }
0x16: {  	v0 =	vand.u32 $0x7, v2;
	v2 =	vor.u32 $0x8, v2;
	v1 =	vmul.u32 $0x8, v1;
	[dreg:$0x4] =	wrdreg s4;
	s4 =	smax.u32 s2, $0x1;
	s2 =	simm.s32 $0x1  }
.LBB2_1:
0x17: {  	s0 =	rddreg [dreg:$0x4]  }
0x18: {  	[tilespmem:s3], [sflag:$0x2] =	stream.linear.gather [hbm4b:s0+s3], $0x100, $0x38;
	[tilespmem:$0x10100] =	vst v63  }
0x19: {  	_ =	swait.ge [sflag:s5], $0x100  }
0x1a: {  	[sflag:s5] =	ssyncset.done $0x0  }
0x1b: {  	[sflag:s5] =	ssyncadd.s32 $0xFFFFFF00  }
0x1c: {  	v3 =	vld [tilespmem:$0x0];
	_ =	sdelay $0x4  }
0x1d: {  	v4 =	vshll.u32 v3, $0x1  }
0x1e: {  	v3 =	vand.u32 $0x7, v3;
	v4 =	vand.u32 $0xFFFFFFF0, v4  }
0x1f: {  	v3 =	vor.u32 v3, v4  }
0x20: {  	v4 =	vperm.xlane v3, v0;
	_ =	sdelay $0x1  }
0x21: {  	v3 =	vperm.xlane v3, v2;
	v4 =	vadd.s32 v1, v4;
	_ =	sdelay $0x1  }
0x22: {  	v3 =	vadd.s32 v1, v3;
	_ =	sdelay $0x2  }
0x23: {  	[tilespmem:s6], [sflag:$0x1] =	stream.indirect_vreg.gather [hbm4b:s1+s3], $0x80, v4, vm0, $0xb8;
	[tilespmem:$0x10100] =	vst v63  }
0x24: {  	s7 =	rddreg [dreg:$0x6]  }
0x25: {  	[tilespmem:s7], [sflag:$0x1] =	stream.indirect_vreg.gather [hbm4b:s1+s3], $0x80, v3, vm0, $0xb8;
	[tilespmem:$0x10100] =	vst v63  }
0x26: {  	v3 =	vld [tilespmem:$0x10];
	_ =	sdelay $0x4  }
0x27: {  	v49 =	vshll.u32 v3, $0x1  }
0x28: {  	v3 =	vand.u32 $0x7, v3;
	v4 =	vand.u32 $0xFFFFFFF0, v49  }
0x29: {  	v3 =	vor.u32 v3, v4  }
0x2a: {  	v4 =	vperm.xlane v3, v0;
	_ =	sdelay $0x1  }
0x2b: {  	v3 =	vperm.xlane v3, v2;
	v4 =	vadd.s32 v1, v4;
	_ =	sdelay $0x1  }
0x2c: {  	v3 =	vadd.s32 v1, v3;
	_ =	sdelay $0x1  }
0x2d: {  	s0 =	rddreg [dreg:$0x7]  }
0x2e: {  	[tilespmem:s0], [sflag:$0x1] =	stream.indirect_vreg.gather [hbm4b:s1+s3], $0x80, v4, vm0, $0xb8;
	[tilespmem:$0x10100] =	vst v63  }
0x2f: {  	s7 =	rddreg [dreg:$0x8]  }
0x30: {  	[tilespmem:s7], [sflag:$0x1] =	stream.indirect_vreg.gather [hbm4b:s1+s3], $0x80, v3, vm0, $0xb8;
	[tilespmem:$0x10100] =	vst v63  }
0x31: {  	v3 =	vld [tilespmem:$0x20];
	_ =	sdelay $0x4  }
0x32: {  	v50 =	vshll.u32 v3, $0x1  }
0x33: {  	v3 =	vand.u32 $0x7, v3;
	v4 =	vand.u32 $0xFFFFFFF0, v50  }
0x34: {  	v3 =	vor.u32 v3, v4  }
0x35: {  	v4 =	vperm.xlane v3, v0;
	_ =	sdelay $0x1  }
0x36: {  	v3 =	vperm.xlane v3, v2;
	v4 =	vadd.s32 v1, v4;
	_ =	sdelay $0x1  }
0x37: {  	v3 =	vadd.s32 v1, v3;
	_ =	sdelay $0x1  }
0x38: {  	s0 =	rddreg [dreg:$0x9]  }
0x39: {  	[tilespmem:s0], [sflag:$0x1] =	stream.indirect_vreg.gather [hbm4b:s1+s3], $0x80, v4, vm0, $0xb8;
	[tilespmem:$0x10100] =	vst v63  }
0x3a: {  	s7 =	rddreg [dreg:$0xa]  }
0x3b: {  	[tilespmem:s7], [sflag:$0x1] =	stream.indirect_vreg.gather [hbm4b:s1+s3], $0x80, v3, vm0, $0xb8;
	[tilespmem:$0x10100] =	vst v63  }
0x3c: {  	v3 =	vld [tilespmem:$0x30];
	_ =	sdelay $0x4  }
0x3d: {  	v51 =	vshll.u32 v3, $0x1  }
0x3e: {  	v3 =	vand.u32 $0x7, v3;
	v4 =	vand.u32 $0xFFFFFFF0, v51  }
0x3f: {  	v3 =	vor.u32 v3, v4  }
0x40: {  	v4 =	vperm.xlane v3, v0;
	_ =	sdelay $0x1  }
0x41: {  	v3 =	vperm.xlane v3, v2;
	v4 =	vadd.s32 v1, v4;
	_ =	sdelay $0x1  }
0x42: {  	v3 =	vadd.s32 v1, v3;
	_ =	sdelay $0x1  }
0x43: {  	s0 =	rddreg [dreg:$0xb]  }
0x44: {  	[tilespmem:s0], [sflag:$0x1] =	stream.indirect_vreg.gather [hbm4b:s1+s3], $0x80, v4, vm0, $0xb8;
	[tilespmem:$0x10100] =	vst v63  }
0x45: {  	s7 =	rddreg [dreg:$0xc]  }
0x46: {  	[tilespmem:s7], [sflag:$0x1] =	stream.indirect_vreg.gather [hbm4b:s1+s3], $0x80, v3, vm0, $0xb8;
	[tilespmem:$0x10100] =	vst v63  }
0x47: {  	v3 =	vld [tilespmem:$0x40];
	_ =	sdelay $0x4  }
0x48: {  	v52 =	vshll.u32 v3, $0x1  }
0x49: {  	v3 =	vand.u32 $0x7, v3;
	v4 =	vand.u32 $0xFFFFFFF0, v52  }
0x4a: {  	v3 =	vor.u32 v3, v4  }
0x4b: {  	v4 =	vperm.xlane v3, v0;
	_ =	sdelay $0x1  }
0x4c: {  	v3 =	vperm.xlane v3, v2;
	v4 =	vadd.s32 v1, v4;
	_ =	sdelay $0x1  }
0x4d: {  	v3 =	vadd.s32 v1, v3;
	_ =	sdelay $0x1  }
0x4e: {  	s7 =	simm.s32 $0x4100  }
0x4f: {  	[tilespmem:s7], [sflag:$0x1] =	stream.indirect_vreg.gather [hbm4b:s1+s3], $0x80, v4, vm0, $0xb8;
	[tilespmem:$0x10100] =	vst v63  }
0x50: {  	_ = 	snop  }
0x51: {  	[tilespmem:s8], [sflag:$0x1] =	stream.indirect_vreg.gather [hbm4b:s1+s3], $0x80, v3, vm0, $0xb8;
	[tilespmem:$0x10100] =	vst v63  }
0x52: {  	v3 =	vld [tilespmem:$0x50];
	_ =	sdelay $0x4  }
0x53: {  	v53 =	vshll.u32 v3, $0x1  }
0x54: {  	v3 =	vand.u32 $0x7, v3;
	v4 =	vand.u32 $0xFFFFFFF0, v53  }
0x55: {  	v3 =	vor.u32 v3, v4  }
0x56: {  	v4 =	vperm.xlane v3, v0;
	_ =	sdelay $0x1  }
0x57: {  	v3 =	vperm.xlane v3, v2;
	v4 =	vadd.s32 v1, v4;
	_ =	sdelay $0x1  }
0x58: {  	v3 =	vadd.s32 v1, v3;
	_ =	sdelay $0x2  }
0x59: {  	[tilespmem:s9], [sflag:$0x1] =	stream.indirect_vreg.gather [hbm4b:s1+s3], $0x80, v4, vm0, $0xb8;
	[tilespmem:$0x10100] =	vst v63  }
0x5a: {  	_ = 	snop  }
0x5b: {  	[tilespmem:s10], [sflag:$0x1] =	stream.indirect_vreg.gather [hbm4b:s1+s3], $0x80, v3, vm0, $0xb8;
	[tilespmem:$0x10100] =	vst v63  }
0x5c: {  	v3 =	vld [tilespmem:$0x60];
	_ =	sdelay $0x4  }
0x5d: {  	v54 =	vshll.u32 v3, $0x1  }
0x5e: {  	v3 =	vand.u32 $0x7, v3;
	v4 =	vand.u32 $0xFFFFFFF0, v54  }
0x5f: {  	v3 =	vor.u32 v3, v4  }
0x60: {  	v4 =	vperm.xlane v3, v0;
	_ =	sdelay $0x1  }
0x61: {  	v3 =	vperm.xlane v3, v2;
	v4 =	vadd.s32 v1, v4;
	_ =	sdelay $0x1  }
0x62: {  	v3 =	vadd.s32 v1, v3;
	_ =	sdelay $0x2  }
0x63: {  	[tilespmem:s11], [sflag:$0x1] =	stream.indirect_vreg.gather [hbm4b:s1+s3], $0x80, v4, vm0, $0xb8;
	[tilespmem:$0x10100] =	vst v63  }
0x64: {  	_ = 	snop  }
0x65: {  	[tilespmem:s12], [sflag:$0x1] =	stream.indirect_vreg.gather [hbm4b:s1+s3], $0x80, v3, vm0, $0xb8;
	[tilespmem:$0x10100] =	vst v63  }
0x66: {  	v3 =	vld [tilespmem:$0x70];
	_ =	sdelay $0x4  }
0x67: {  	v55 =	vshll.u32 v3, $0x1  }
0x68: {  	v3 =	vand.u32 $0x7, v3;
	v4 =	vand.u32 $0xFFFFFFF0, v55  }
0x69: {  	v3 =	vor.u32 v3, v4  }
0x6a: {  	v4 =	vperm.xlane v3, v0;
	_ =	sdelay $0x1  }
0x6b: {  	v3 =	vperm.xlane v3, v2;
	v4 =	vadd.s32 v1, v4;
	_ =	sdelay $0x1  }
0x6c: {  	v3 =	vadd.s32 v1, v3;
	_ =	sdelay $0x2  }
0x6d: {  	[tilespmem:s13], [sflag:$0x1] =	stream.indirect_vreg.gather [hbm4b:s1+s3], $0x80, v4, vm0, $0xb8;
	[tilespmem:$0x10100] =	vst v63  }
0x6e: {  	_ = 	snop  }
0x6f: {  	[tilespmem:s14], [sflag:$0x1] =	stream.indirect_vreg.gather [hbm4b:s1+s3], $0x80, v3, vm0, $0xb8;
	[tilespmem:$0x10100] =	vst v63  }
0x70: {  	v3 =	vld [tilespmem:$0x80];
	_ =	sdelay $0x4  }
0x71: {  	v56 =	vshll.u32 v3, $0x1  }
0x72: {  	v3 =	vand.u32 $0x7, v3;
	v4 =	vand.u32 $0xFFFFFFF0, v56  }
0x73: {  	v3 =	vor.u32 v3, v4  }
0x74: {  	v4 =	vperm.xlane v3, v0;
	_ =	sdelay $0x1  }
0x75: {  	v3 =	vperm.xlane v3, v2;
	v4 =	vadd.s32 v1, v4;
	_ =	sdelay $0x1  }
0x76: {  	v3 =	vadd.s32 v1, v3;
	_ =	sdelay $0x2  }
0x77: {  	[tilespmem:s15], [sflag:$0x1] =	stream.indirect_vreg.gather [hbm4b:s1+s3], $0x80, v4, vm0, $0xb8;
	[tilespmem:$0x10100] =	vst v63  }
0x78: {  	_ = 	snop  }
0x79: {  	[tilespmem:s16], [sflag:$0x1] =	stream.indirect_vreg.gather [hbm4b:s1+s3], $0x80, v3, vm0, $0xb8;
	[tilespmem:$0x10100] =	vst v63  }
0x7a: {  	v3 =	vld [tilespmem:$0x90];
	_ =	sdelay $0x4  }
0x7b: {  	v57 =	vshll.u32 v3, $0x1  }
0x7c: {  	v3 =	vand.u32 $0x7, v3;
	v4 =	vand.u32 $0xFFFFFFF0, v57  }
0x7d: {  	v3 =	vor.u32 v3, v4  }
0x7e: {  	v4 =	vperm.xlane v3, v0;
	_ =	sdelay $0x1  }
0x7f: {  	v3 =	vperm.xlane v3, v2;
	v4 =	vadd.s32 v1, v4;
	_ =	sdelay $0x1  }
0x80: {  	v3 =	vadd.s32 v1, v3;
	_ =	sdelay $0x2  }
0x81: {  	[tilespmem:s17], [sflag:$0x1] =	stream.indirect_vreg.gather [hbm4b:s1+s3], $0x80, v4, vm0, $0xb8;
	[tilespmem:$0x10100] =	vst v63  }
0x82: {  	_ = 	snop  }
0x83: {  	[tilespmem:s18], [sflag:$0x1] =	stream.indirect_vreg.gather [hbm4b:s1+s3], $0x80, v3, vm0, $0xb8;
	[tilespmem:$0x10100] =	vst v63  }
0x84: {  	v3 =	vld [tilespmem:$0xA0];
	_ =	sdelay $0x4  }
0x85: {  	v58 =	vshll.u32 v3, $0x1  }
0x86: {  	v3 =	vand.u32 $0x7, v3;
	v4 =	vand.u32 $0xFFFFFFF0, v58  }
0x87: {  	v3 =	vor.u32 v3, v4  }
0x88: {  	v4 =	vperm.xlane v3, v0;
	_ =	sdelay $0x1  }
0x89: {  	v3 =	vperm.xlane v3, v2;
	v4 =	vadd.s32 v1, v4;
	_ =	sdelay $0x1  }
0x8a: {  	v3 =	vadd.s32 v1, v3;
	_ =	sdelay $0x2  }
0x8b: {  	[tilespmem:s19], [sflag:$0x1] =	stream.indirect_vreg.gather [hbm4b:s1+s3], $0x80, v4, vm0, $0xb8;
	[tilespmem:$0x10100] =	vst v63  }
0x8c: {  	_ = 	snop  }
0x8d: {  	[tilespmem:s20], [sflag:$0x1] =	stream.indirect_vreg.gather [hbm4b:s1+s3], $0x80, v3, vm0, $0xb8;
	[tilespmem:$0x10100] =	vst v63  }
0x8e: {  	v3 =	vld [tilespmem:$0xB0];
	_ =	sdelay $0x4  }
0x8f: {  	v59 =	vshll.u32 v3, $0x1  }
0x90: {  	v3 =	vand.u32 $0x7, v3;
	v4 =	vand.u32 $0xFFFFFFF0, v59  }
0x91: {  	v3 =	vor.u32 v3, v4  }
0x92: {  	v4 =	vperm.xlane v3, v0;
	_ =	sdelay $0x1  }
0x93: {  	v3 =	vperm.xlane v3, v2;
	v4 =	vadd.s32 v1, v4;
	_ =	sdelay $0x1  }
0x94: {  	v3 =	vadd.s32 v1, v3;
	_ =	sdelay $0x2  }
0x95: {  	[tilespmem:s21], [sflag:$0x1] =	stream.indirect_vreg.gather [hbm4b:s1+s3], $0x80, v4, vm0, $0xb8;
	[tilespmem:$0x10100] =	vst v63  }
0x96: {  	_ = 	snop  }
0x97: {  	[tilespmem:s22], [sflag:$0x1] =	stream.indirect_vreg.gather [hbm4b:s1+s3], $0x80, v3, vm0, $0xb8;
	[tilespmem:$0x10100] =	vst v63  }
0x98: {  	v3 =	vld [tilespmem:$0xC0];
	_ =	sdelay $0x4  }
0x99: {  	v60 =	vshll.u32 v3, $0x1  }
0x9a: {  	v3 =	vand.u32 $0x7, v3;
	v4 =	vand.u32 $0xFFFFFFF0, v60  }
0x9b: {  	v3 =	vor.u32 v3, v4  }
0x9c: {  	v4 =	vperm.xlane v3, v0;
	_ =	sdelay $0x1  }
0x9d: {  	v3 =	vperm.xlane v3, v2;
	v4 =	vadd.s32 v1, v4;
	_ =	sdelay $0x1  }
0x9e: {  	v3 =	vadd.s32 v1, v3;
	_ =	sdelay $0x2  }
0x9f: {  	[tilespmem:s23], [sflag:$0x1] =	stream.indirect_vreg.gather [hbm4b:s1+s3], $0x80, v4, vm0, $0xb8;
	[tilespmem:$0x10100] =	vst v63  }
0xa0: {  	_ = 	snop  }
0xa1: {  	[tilespmem:s24], [sflag:$0x1] =	stream.indirect_vreg.gather [hbm4b:s1+s3], $0x80, v3, vm0, $0xb8;
	[tilespmem:$0x10100] =	vst v63  }
0xa2: {  	v3 =	vld [tilespmem:$0xD0];
	_ =	sdelay $0x4  }
0xa3: {  	v61 =	vshll.u32 v3, $0x1  }
0xa4: {  	v3 =	vand.u32 $0x7, v3;
	v4 =	vand.u32 $0xFFFFFFF0, v61  }
0xa5: {  	v3 =	vor.u32 v3, v4  }
0xa6: {  	v4 =	vperm.xlane v3, v0;
	_ =	sdelay $0x1  }
0xa7: {  	v3 =	vperm.xlane v3, v2;
	v4 =	vadd.s32 v1, v4;
	_ =	sdelay $0x1  }
0xa8: {  	v3 =	vadd.s32 v1, v3;
	_ =	sdelay $0x2  }
0xa9: {  	[tilespmem:s25], [sflag:$0x1] =	stream.indirect_vreg.gather [hbm4b:s1+s3], $0x80, v4, vm0, $0xb8;
	[tilespmem:$0x10100] =	vst v63  }
0xaa: {  	_ = 	snop  }
0xab: {  	[tilespmem:s26], [sflag:$0x1] =	stream.indirect_vreg.gather [hbm4b:s1+s3], $0x80, v3, vm0, $0xb8;
	[tilespmem:$0x10100] =	vst v63  }
0xac: {  	v3 =	vld [tilespmem:$0xE0];
	_ =	sdelay $0x4  }
0xad: {  	v62 =	vshll.u32 v3, $0x1  }
0xae: {  	v3 =	vand.u32 $0x7, v3;
	v4 =	vand.u32 $0xFFFFFFF0, v62  }
0xaf: {  	v3 =	vor.u32 v3, v4  }
0xb0: {  	v4 =	vperm.xlane v3, v0;
	_ =	sdelay $0x1  }
0xb1: {  	v3 =	vperm.xlane v3, v2;
	v4 =	vadd.s32 v1, v4;
	_ =	sdelay $0x1  }
0xb2: {  	v3 =	vadd.s32 v1, v3;
	_ =	sdelay $0x2  }
0xb3: {  	[tilespmem:s28], [sflag:$0x1] =	stream.indirect_vreg.gather [hbm4b:s1+s3], $0x80, v4, vm0, $0xb8;
	[tilespmem:$0x10100] =	vst v63  }
0xb4: {  	_ = 	snop  }
0xb5: {  	[tilespmem:s29], [sflag:$0x1] =	stream.indirect_vreg.gather [hbm4b:s1+s3], $0x80, v3, vm0, $0xb8;
	[tilespmem:$0x10100] =	vst v63  }
0xb6: {  	v3 =	vld [tilespmem:$0xF0];
	_ =	sdelay $0x4  }
0xb7: {  	v63 =	vshll.u32 v3, $0x1  }
0xb8: {  	v3 =	vand.u32 $0x7, v3;
	v4 =	vand.u32 $0xFFFFFFF0, v63  }
0xb9: {  	v3 =	vor.u32 v3, v4  }
0xba: {  	v4 =	vperm.xlane v3, v0;
	_ =	sdelay $0x1  }
0xbb: {  	v3 =	vperm.xlane v3, v2;
	v4 =	vadd.s32 v1, v4;
	_ =	sdelay $0x1  }
0xbc: {  	v3 =	vadd.s32 v1, v3;
	_ =	sdelay $0x2  }
0xbd: {  	[tilespmem:s30], [sflag:$0x1] =	stream.indirect_vreg.gather [hbm4b:s1+s3], $0x80, v4, vm0, $0xb8;
	[tilespmem:$0x10100] =	vst v63  }
0xbe: {  	_ = 	snop  }
0xbf: {  	[tilespmem:s31], [sflag:$0x1] =	stream.indirect_vreg.gather [hbm4b:s1+s3], $0x80, v3, vm0, $0xb8;
	[tilespmem:$0x10100] =	vst v63  }
0xc0: {  	_ =	swait.ge [sflag:s2], $0x10000  }
0xc1: {  	p0 =	sne.s32 s4, $0x1;
	[sflag:s2] =	ssyncset.done $0x0  }
.Ltmp0:
0xc2: {  	s7 =	rddreg [dreg:$0x5];
	[sflag:s2] =	ssyncadd.s32 $0xFFFF0000;
	(pc) =	sbr.rel @p0 .LBB2_1-.Ltmp0, $4  }
0xc3: {  	[hbm4b:s7+s3] =	stream.linear.scatter [tilespmem:s6], [sflag:$0x2], $0x10000, $0x38;
	[tilespmem:$0x10100] =	vst v63  }
0xc4: {  	_ =	swait.ge [sflag:s5], $0x10000  }
0xc5: {  	[sflag:s5] =	ssyncset.done $0x0  }
0xc6: {  	s4 =	sadd.s32 $0xFFFFFFFF, s4;
	[sflag:s5] =	ssyncadd.s32 $0xFFFF0000  }
0xc7: {  	_ =	sfence.sel $0x180000  }
0xc8: {  	[bflag:$0x0] =	sbarrier.arrive $0xFFFF  }
0xc9: {  	_ =	strace $0x90000047  }
0xca: {  	s0 =	stileid.u32;
	[bflag:$0x2] =	sbarrier.arrive $0xFFFF  }
0xcb: {  	p0 =	sne.s32 s0, $0x0;
	s0 =	rddreg [dreg:$0x3]  }
0xcc: {  	s0 =	sadd.s32 @!p0 $0x100000, s0  }
0xcd: {  	[sflag:s0] =	ssyncadd.tile.s32 @!p0 $0x1;
	_ =	shalt  }
.Lfunc_end2:
_tile_overlayer_lowered:
.L_overlay_start_2:
0xce: {  	(tag) =	ssettag $0x2  }
0xcf: {  	s0 =	rddreg [dreg:$0x0];
	s2 =	stileid.u32  }
0xd0: {  	s1 =	rddreg [dreg:$0x1];
	p0 =	sne.s32 s2, $0x0  }
0xd1: {  	s3 =	rddreg [dreg:$0x2];
	[bflag:$0x3] =	sbarrier.arrive $0xFFFF;
	s2 =	simm.s32 @!p0 $0x1C02  }
0xd2: {  	[timem:s3], [sflag:s2] =	dma.local @!p0 [hbm:s0], s1  }
0xd3: {  	s0 =	simm.s32 @!p0 $0x2  }
0xd4: {  	_ =	swait.ge @!p0 [sflag:s0], s1  }
0xd5: {  	s1 =	ssub.s32 @!p0 $0x0, s1;
	[sflag:s0] =	ssyncset.done @!p0 $0x0  }
0xd6: {  	[sflag:s0] =	ssyncadd.s32 @!p0 s1  }
0xd7: {  	[bflag:$0x3] =	sbarrier.arrive $0xFFFF  }
0xd8: {  	_ =	shalt  }

// kernel: kernel.16.cloned.1.call-start
scs
__scs_entry_jumppad:
0x0: {  	(pc) =	sbr.rel $0x88, $3  }
0x1: {  	(tag) =	ssettag $0x0;
	lr =	simm.s32 $0x1  }
0x2: {  	[smem:$0x3F9D] =	sst lr;
	_ =	strace $0xD0000000  }
0x3: {  	_ = 	snop  }
0x4: {  	_ = 	snop  }
0x5: {  	_ = 	snop  }
0x6: {  	_ = 	snop  }
0x7: {  	_ = 	snop  }
__scs_overlays_trampoline_lowered:
0x8: {  	[smem:$0x3FAC] =	sst s0  }
0x9: {  	[smem:$0x3FAD] =	sst s1  }
0xa: {  	[smem:$0x3FAE] =	sst s2  }
0xb: {  	[smem:$0x3FAF] =	sst s3  }
0xc: {  	[smem:$0x3FB0] =	sst s4  }
0xd: {  	[smem:$0x3FB1] =	sst s5  }
0xe: {  	[smem:$0x3FB2] =	sst s6  }
0xf: {  	[smem:$0x3FB3] =	sst s7  }
0x10: {  	[smem:$0x3FB4] =	sst s8  }
0x11: {  	[smem:$0x3FB5] =	sst s9;
	s0 =	simm.s32 @!p0 $0x0  }
0x12: {  	s1 =	sld [smem:$0x3F9B];
	s0 =	simm.s32 @p0 $0x1  }
0x13: {  	[smem:$0x3FB6] =	sst s0;
	s0 =	simm.s32 @!p1 $0x0  }
0x14: {  	s2 =	sld [smem:$0x3F9A];
	s0 =	simm.s32 @p1 $0x1  }
0x15: {  	[smem:$0x3FB7] =	sst s0;
	s0 =	simm.s32 @!p2 $0x0  }
0x16: {  	s3 =	sld [smem:$0x3FDB];
	s0 =	simm.s32 @p2 $0x1  }
0x17: {  	s4 =	simm.s32 $0x1BF5;
	[smem:$0x3FB9] =	sst s0  }
0x18: {  	s0 =	sld [smem:$0x3F9C];
	_ =	swait.ge [sflag:s4], $0x0  }
0x19: {  	s7 =	sld [smem:$0x3F9D]  }
0x1a: {  	s8 =	sadd.s32 $0xFFFFE003, lr  }
0x1b: {  	s9 =	sadd.s32 $0xFFFFFEF7, lr;
	s5 =	simm.s32 $0xFFFFFFFF;
	p2 =	slt.u32 s8, $0xFFFFF086  }
0x1c: {  	p1 =	slt.u32 s9, $0xF7A;
	s5 =	simm.s32 @!p2 $0x0  }
0x1d: {  	s5 =	simm.s32 @p1 $0x1;
	p0 =	seq.s32 s7, s2  }
0x1e: {  	s7 =	smul.u32 @!p0 $0xF7A, s2;
	p2 =	seq.s32 @!p0 s5, $0x0  }
0x1f: {  	s9 =	smul.u32 $0xF7A, s1;
	s8 =	simm.s32 @!p0 $0x1BF5;
	p2 =	por !p2, p0  }
0x20: {  	[sflag:s8] =	ssyncset.s32 @!p0 $0xFFFFF086;
	s6 =	sadd.s32 @!p0 s3, s7;
	s7 =	simm.s32 @!p0 $0x108  }
0x21: {  	s3 =	sadd.s32 s3, s9;
	s6 =	sadd.s32 @!p0 $0x88, s6;
	s7 =	simm.s32 @p2 $0x1082  }
0x22: {  	[simem:s7], [sflag:s8] =	dma.local @!p0 [hbm:s6], $0xF7A  }
0x23: {  	s9 =	sor.u32 $0xD0000000, s2;
	s6 =	simm.s32 $0x108;
	_ =	swait.ge @!p0 [sflag:s8], $0x0  }
0x24: {  	s3 =	sadd.s32 $0x88, s3;
	s6 =	simm.s32 @!p1 $0x1082;
	[sflag:s4] =	ssyncset.s32 $0xFFFFF086  }
0x25: {  	[simem:s6], [sflag:s4] =	dma.local [hbm:s3], $0xF7A  }
0x26: {  	[smem:$0x3F9D] =	sst s1;
	(tag) =	ssettag s2;
	_ =	strace s9  }
0x27: {  	s1 =	sld [smem:$0x3FAD]  }
0x28: {  	s2 =	sld [smem:$0x3FAE]  }
0x29: {  	s4 =	sld [smem:$0x3FB0]  }
0x2a: {  	p0 =	seq.s32 s5, $0x0;
	s5 =	sld [smem:$0x3FB1]  }
0x2b: {  	s6 =	sld [smem:$0x3FB2]  }
0x2c: {  	s7 =	sld [smem:$0x3FB3]  }
0x2d: {  	s3 =	simm.s32 $0x108;
	s8 =	sld [smem:$0x3FB4]  }
0x2e: {  	s3 =	simm.s32 @!p0 $0x1082;
	s9 =	sld [smem:$0x3FB5]  }
0x2f: {  	lr =	sadd.s32 s0, s3;
	s0 =	sld [smem:$0x3FAC]  }
0x30: {  	s3 =	sld [smem:$0x3FAF]  }
0x31: {  	[smem:$0x3FB8] =	sst s10  }
0x32: {  	s10 =	sld [smem:$0x3FB6];
	_ =	sdelay $0x3  }
0x33: {  	p0 =	seq.s32 s10, $0x1;
	s10 =	sld [smem:$0x3FB8];
	_ =	sdelay $0x3  }
0x34: {  	[smem:$0x3FB8] =	sst s10  }
0x35: {  	s10 =	sld [smem:$0x3FB7];
	_ =	sdelay $0x3  }
0x36: {  	p1 =	seq.s32 s10, $0x1;
	s10 =	sld [smem:$0x3FB8];
	_ =	sdelay $0x3  }
0x37: {  	[smem:$0x3FB8] =	sst s10  }
0x38: {  	s10 =	sld [smem:$0x3FB9]  }
0x39: {  	_ = 	snop;
	(pc) =	sbr.ind lr, $3  }
0x3a: {  	_ = 	snop  }
0x3b: {  	_ = 	snop  }
0x3c: {  	p2 =	seq.s32 s10, $0x1;
	s10 =	sld [smem:$0x3FB8]  }
0x3d: {  	_ =	shalt  }
0x3e: {  	_ =	shalt  }
0x3f: {  	_ =	shalt  }
0x40: {  	_ =	shalt  }
0x41: {  	_ =	shalt  }
0x42: {  	_ =	shalt  }
0x43: {  	_ =	shalt  }
0x44: {  	_ =	shalt  }
0x45: {  	_ =	shalt  }
0x46: {  	_ =	shalt  }
0x47: {  	_ =	shalt  }
0x48: {  	_ =	shalt  }
0x49: {  	_ =	shalt  }
0x4a: {  	_ =	shalt  }
0x4b: {  	_ =	shalt  }
0x4c: {  	_ =	shalt  }
0x4d: {  	_ =	shalt  }
0x4e: {  	_ =	shalt  }
0x4f: {  	_ =	shalt  }
0x50: {  	_ =	shalt  }
0x51: {  	_ =	shalt  }
0x52: {  	_ =	shalt  }
0x53: {  	_ =	shalt  }
0x54: {  	_ =	shalt  }
0x55: {  	_ =	shalt  }
0x56: {  	_ =	shalt  }
0x57: {  	_ =	shalt  }
0x58: {  	_ =	shalt  }
0x59: {  	_ =	shalt  }
0x5a: {  	_ =	shalt  }
0x5b: {  	_ =	shalt  }
0x5c: {  	_ =	shalt  }
0x5d: {  	_ =	shalt  }
0x5e: {  	_ =	shalt  }
0x5f: {  	_ =	shalt  }
0x60: {  	_ =	shalt  }
0x61: {  	_ =	shalt  }
0x62: {  	_ =	shalt  }
0x63: {  	_ =	shalt  }
0x64: {  	_ =	shalt  }
0x65: {  	_ =	shalt  }
0x66: {  	_ =	shalt  }
0x67: {  	_ =	shalt  }
0x68: {  	_ =	shalt  }
0x69: {  	_ =	shalt  }
0x6a: {  	_ =	shalt  }
0x6b: {  	_ =	shalt  }
0x6c: {  	_ =	shalt  }
0x6d: {  	_ =	shalt  }
0x6e: {  	_ =	shalt  }
0x6f: {  	_ =	shalt  }
0x70: {  	_ =	shalt  }
0x71: {  	_ =	shalt  }
0x72: {  	_ =	shalt  }
0x73: {  	_ =	shalt  }
0x74: {  	_ =	shalt  }
0x75: {  	_ =	shalt  }
0x76: {  	_ =	shalt  }
0x77: {  	_ =	shalt  }
0x78: {  	_ =	shalt  }
0x79: {  	_ =	shalt  }
0x7a: {  	_ =	shalt  }
0x7b: {  	_ =	shalt  }
0x7c: {  	_ =	shalt  }
0x7d: {  	_ =	shalt  }
0x7e: {  	_ =	shalt  }
0x7f: {  	_ =	shalt  }
0x80: {  	_ =	shalt  }
0x81: {  	_ =	shalt  }
0x82: {  	_ =	shalt  }
0x83: {  	_ =	shalt  }
0x84: {  	_ =	shalt  }
0x85: {  	_ =	shalt  }
0x86: {  	_ =	shalt  }
0x87: {  	_ =	shalt  }
.Lfunc_end0:
.L_simem_size_0:
called_computation.1_lowered:
.L_overlay_start_0:
0x88: {  	s2 =	sld [smem:$0x3FD9]  }
0x89: {  	s3 =	sld [smem:$0x3FFE];
	_ =	sdelay $0x1  }
0x8a: {  	s1 =	srdreg.scid  }
0x8b: {  	s0 =	sand.u32 $0x1, s1  }
0x8c: {  	s17 =	sshll.u32 s0, $0xA;
	s2 =	sadd.s32 s3, s2  }
0x8d: {  	s2 =	sadd.s32 s2, s17  }
0x8e: {  	[smem:$0x3FC4] =	sst s2  }
0x8f: {  	_ = 	snop  }
0x90: {  	(tm) =	ssettm $0x1  }
0x91: {  	s18 =	sld [smem:$0x3FFB];
	_ =	sdelay $0x3  }
0x92: {  	_ =	strace s18  }
0x93: {  	s2 =	sld [smem:$0x3FFC];
	_ =	sdelay $0x3  }
0x94: {  	_ =	strace s2  }
0x95: {  	s2 =	sld [smem:$0x3FFD];
	_ =	sdelay $0x3  }
0x96: {  	_ =	strace s2  }
0x97: {  	_ =	strace $0x8FFFFFFF  }
0x98: {  	s19 =	sld [smem:$0x3FDB];
	_ =	sdelay $0x1  }
0x99: {  	s20 =	simm.s32 $_scs_section_size  }
0x9a: {  	s4 =	simm.s32 $_size__tile_overlayer_lowered;
	s5 =	simm.s32 $_tile_overlayer_lowered  }
0x9b: {  	s6 =	simm.s32 $0x1BFF;
	s21 =	sshll.u32 s5, $0x1;
	s3 =	sadd.s32 s20, s19  }
0x9c: {  	s22 =	simm.s32 $0x0;
	s4 =	sshll.u32 s4, $0x1;
	s5 =	sadd.s32 s21, s3  }
0x9d: {  	[timem:s22], [sflag:s6] =	dma.local [hbm:s5], s4  }
0x9e: {  	_ =	swait.ge [sflag:s6], s4  }
0x9f: {  	s4 =	ssub.s32 $0x0, s4;
	[sflag:s6] =	ssyncset.done $0x0  }
0xa0: {  	[sflag:s6] =	ssyncadd.s32 s4;
	_ =	sdelay $0x1  }
0xa1: {  	s23 =	simm.s32 $0x1B8B  }
0xa2: {  	_ =	swait.ge [sflag:s23], $0x1  }
0xa3: {  	[sflag:s23] =	ssyncset.done $0x0  }
0xa4: {  	[sflag:s23] =	ssyncadd.s32 $0xFFFFFFFF  }
0xa5: {  	s4 =	sld [smem:$0x0]  }
0xa6: {  	s5 =	sand.u32 $0xFFFFFFFE, s1  }
0xa7: {  	p0 =	sne.s32 s1, s5  }
0xa8: {  	s5 =	sshll.u32 @p0 s5, $0xE  }
0xa9: {  	s5 =	sadd.s32 @p0 $0x11B8D, s5;
	s6 =	sshll.u32 @p0 s4, $0x11  }
0xaa: {  	s5 =	sor.u32 @p0 s6, s5  }
0xab: {  	[sflag:s5] =	ssyncadd.remote.s32 @p0 $0x1;
	_ =	sdelay $0x1  }
0xac: {  	s5 =	simm.s32 @p0 $0x1B8D  }
0xad: {  	_ =	swait.eq @p0 [sflag:s5], $0x1  }
0xae: {  	[sflag:s5] =	ssyncadd.s32 @p0 $0xFFFFFFFF  }
0xaf: {  	s6 =	sshll.u32 @!p0 s1, $0xE  }
0xb0: {  	s6 =	sor.u32 @!p0 $0x4000, s6;
	s5 =	simm.s32 @!p0 $0x1B8D  }
0xb1: {  	s4 =	sshll.u32 @!p0 s4, $0x11;
	s6 =	sadd.s32 @!p0 $0x11B8D, s6;
	_ =	swait.eq @!p0 [sflag:s5], $0x1  }
0xb2: {  	s4 =	sor.u32 @!p0 s4, s6;
	[sflag:s5] =	ssyncadd.s32 @!p0 $0xFFFFFFFF  }
0xb3: {  	s25 =	simm.s32 $0x1B8E;
	s24 =	sld [smem:$0x3FFE];
	[sflag:s4] =	ssyncadd.remote.s32 @!p0 $0x1  }
0xb4: {  	s26 =	simm.s32 $execute0_lowered;
	[smem:$0x3FD2] =	sst s25  }
0xb5: {  	s5 =	sshll.u32 s26, $0x1;
	_ =	strace $0x8000004F;
	[dreg:$0x1] =	wrdreg $0xFFFFFFFF  }
0xb6: {  	s28 =	simm.s32 $_size_execute0_lowered;
	s3 =	sadd.s32 s3, s5;
	[dreg:$0x0] =	wrdreg $0x0  }
0xb7: {  	s5 =	sshll.u32 s28, $0x1;
	[dreg:$0x2] =	wrdreg s3  }
0xb8: {  	[dreg:$0x3] =	wrdreg s5  }
0xb9: {  	[dreg:$0x4] =	wrdreg $0xC0  }
0xba: {  	_ =	task [dreg:s22], $0x5FFFF  }
0xbb: {  	[dreg:$0x1] =	wrdreg $0xFFFFFFFF  }
0xbc: {  	[dreg:$0x0] =	wrdreg $0x60  }
0xbd: {  	[dreg:$0x2] =	wrdreg s24  }
0xbe: {  	[dreg:$0x3] =	wrdreg $0x22000  }
0xbf: {  	[dreg:$0x4] =	wrdreg $0x9  }
0xc0: {  	_ =	task.clear_ibuf [dreg:s22], $0x5FFFF;
	_ =	strace $0x9000004F  }
0xc1: {  	s29 =	simm.s32 $0x9;
	_ =	strace $0x80000051  }
0xc2: {  	_ =	swait.ge [sflag:s29], $0x1  }
0xc3: {  	[sflag:s29] =	ssyncadd.s32 $0xFFFFFFFF  }
0xc4: {  	_ =	strace $0x90000051  }
0xc5: {  	_ =	sfence  }
0xc6: {  	s30 =	sld [smem:$0x0];
	_ =	sdelay $0x2  }
0xc7: {  	s31 =	sshll.u32 s1, $0xD;
	s1 =	sshrl.u32 s1, $0x2  }
0xc8: {  	s4 =	sand.u32 $0x4000, s31;
	s1 =	sadd.s32 s1, s30  }
0xc9: {  	s0 =	sor.u32 s4, s0;
	s1 =	sshll.u32 s1, $0x11  }
0xca: {  	s0 =	sor.u32 s1, s0  }
0xcb: {  	s0 =	sadd.s32 $0x8F2B, s0  }
0xcc: {  	[sflag:s0] =	ssyncadd.remote.s32 $0x1  }
0xcd: {  	_ =	sfence.sel $0xFFFF  }
0xce: {  	[dreg:$0x0] =	wrdreg $0xFFFFFFFF;
	(pc) =	sbr.abs _section_cstart, $3  }
0xcf: {  	[dreg:$0x1] =	wrdreg $0xFFFFFFFF  }
0xd0: {  	_ =	task.clear_ibuf [dreg:s22], $0x2FFFF;
	_ =	strace $0x9FFFFFFF  }
0xd1: {  	(tm) =	ssettm $0x7FFFFFFF  }
tec
execute0_lowered:
.L_overlay_start_1:
0x0: {  	(tag) =	ssettag $0x1  }
0x1: {  	s3 =	rddreg [dreg:$0x0]  }
0x2: {  	s1 =	rddreg [dreg:$0x1]  }
0x3: {  	s0 =	rddreg [dreg:$0x2];
	s2 =	simm.s32 $0x0;
	s4 =	srdreg.scid  }
0x4: {  	s6 =	stileid.u32;
	[smem:$0x7FF] =	sst s2  }
0x5: {  	s4 =	sand.u32 $0x1, s4;
	s8 =	sshll.u32 s6, $0x6;
	p0 =	sne.s32 s6, $0x0  }
0x6: {  	s6 =	simm.s32 $0x1;
	_ =	strace $0x80000050;
	s5 =	sshll.u32 s4, $0x5  }
0x7: {  	s7 =	ssub.s32 $0x2, s4;
	s4 =	sshll.u32 s4, $0x4;
	s5 =	sadd.s32 s5, s3  }
0x8: {  	s31 =	sshrl.u32 s7, $0x1;
	s4 =	sadd.s32 s4, s3;
	s5 =	sadd.s32 s8, s5  }
0x9: {  	s7 =	ssub.s32 s7, s31;
	s4 =	sadd.s32 $0x3600, s4;
	s8 =	simm.s32 $0x0  }
0xa: {  	v0 =	vimm.f32 $0.0e+00;
	v1 =	vimm.f32 $1.000000000e+00;
	s3 =	sadd.s32 $0x2800, s5;
	s5 =	smax.u32 s7, $0x1;
	s7 =	sshrl.u32 @!p0 s1, $0x3  }
.LBB2_1:
0xb: {  	[tilespmem:s2], [sflag:$0x1] =	stream.linear.gather [hbm4b:s3+s2], $0x100, $0x38;
	[tilespmem:$0x2400] =	vst v63  }
0xc: {  	_ =	swait.ge [sflag:s6], $0x100  }
0xd: {  	[sflag:s6] =	ssyncset.done $0x0  }
0xe: {  	s9 =	simm.s32 $0x40;
	s10 =	simm.s32 $0x0;
	[sflag:s6] =	ssyncadd.s32 $0xFFFFFF00  }
.LBB2_2:
0xf: {  	p1 =	sne.s32 s9, $0x7FC0;
	[tilespmem:s10+$0x100] =	vst v0;
	s10 =	smov.u32 s9;
	s9 =	sadd.s32 $0x40, s9  }
.Ltmp0:
0x10: {  	(pc) =	sbr.rel @p1 .LBB2_2-.Ltmp0, $2  }
0x11: {  	_ =	sdelay $0x2  }
0x12: {  	s10 =	sshra.s32 s10, $0x2  }
0x13: {  	[tilespmem:s10+$0x100] =	vst v0  }
0x14: {  	[tilespmem:$0x2100] =	vst v1  }
0x15: {  	[tilespmem:$0x2110] =	vst v1  }
0x16: {  	[tilespmem:$0x2120] =	vst v1  }
0x17: {  	[tilespmem:$0x2130] =	vst v1  }
0x18: {  	[tilespmem:$0x2140] =	vst v1  }
0x19: {  	[tilespmem:$0x2150] =	vst v1  }
0x1a: {  	[tilespmem:$0x2160] =	vst v1  }
0x1b: {  	[tilespmem:$0x2170] =	vst v1  }
0x1c: {  	[tilespmem:$0x2180] =	vst v1  }
0x1d: {  	[tilespmem:$0x2190] =	vst v1  }
0x1e: {  	[tilespmem:$0x21A0] =	vst v1  }
0x1f: {  	[tilespmem:$0x21B0] =	vst v1  }
0x20: {  	[tilespmem:$0x21C0] =	vst v1  }
0x21: {  	[tilespmem:$0x21D0] =	vst v1  }
0x22: {  	[tilespmem:$0x21E0] =	vst v1  }
0x23: {  	s9 =	simm.s32 @p0 $0x100;
	[tilespmem:$0x21F0] =	vst v1  }
0x24: {  	s10 =	simm.s32 @p0 $0x0;
	s11 =	simm.s32 @p0 $0x2100;
	[bflag:$0x0] =	sbarrier.arrive @p0 $0xFFFF  }
0x25: {  	[spmem:s1] =	stream.indirect.scatter.add.f32 @p0 [tilespmem:s11], [sflag:$0x1], $0x1, s10, s9, $0xb8;
	[tilespmem:$0x2400] =	vst v63  }
0x26: {  	s9 =	simm.s32 @p0 $0x1  }
0x27: {  	_ =	swait.ge @p0 [sflag:s9], $0x100  }
0x28: {  	[sflag:s9] =	ssyncset.done @p0 $0x0  }
0x29: {  	[sflag:s9] =	ssyncadd.s32 @p0 $0xFFFFFF00  }
0x2a: {  	s10 =	simm.s32 @!p0 $0x1;
	s9 =	simm.s32 @!p0 $0x100;
	[bflag:$0x0] =	sbarrier.arrive @p0 $0xFFFF  }
0x2b: {  	[spmem:s1] =	stream.linear.scatter @!p0 [tilespmem:s9], [sflag:$0x1], $0x2000, $0x38;
	[tilespmem:$0x2400] =	vst v63  }
0x2c: {  	_ =	swait.ge @!p0 [sflag:s10], $0x2000  }
0x2d: {  	[sflag:s10] =	ssyncset.done @!p0 $0x0  }
0x2e: {  	[sflag:s10] =	ssyncadd.s32 @!p0 $0xFFFFE000  }
0x2f: {  	s12 =	simm.s32 @!p0 $0x2100;
	s11 =	simm.s32 @!p0 $0x0;
	[bflag:$0x0] =	sbarrier.arrive @!p0 $0xFFFF  }
0x30: {  	[spmem:s1] =	stream.indirect.scatter.add.f32 @!p0 [tilespmem:s12], [sflag:$0x1], $0x1, s11, s9, $0xb8;
	[tilespmem:$0x2400] =	vst v63  }
0x31: {  	s8 =	sadd.s32 $0x1, s8;
	_ =	swait.ge @!p0 [sflag:s10], $0x100  }
0x32: {  	p1 =	sne.s32 s8, s5;
	[sflag:s10] =	ssyncset.done @!p0 $0x0  }
0x33: {  	s9 =	simm.s32 @!p0 $0x20;
	s11 =	simm.s32 @!p0 $0x10;
	[sflag:s10] =	ssyncadd.s32 @!p0 $0xFFFFFF00  }
.Ltmp1:
0x34: {  	s12 =	simm.s32 @!p0 $0x1C01;
	[bflag:$0x0] =	sbarrier.arrive @!p0 $0xFFFF;
	(pc) =	sbr.rel @p1 .LBB2_1-.Ltmp1, $4  }
0x35: {  	[hbm:s4@s9], [sflag:s12] =	dma.strided @!p0 [spmem:s7@s11], $0x400, s10, $0x10   }
0x36: {  	_ =	swait.ge @!p0 [sflag:s10], $0x400  }
0x37: {  	[sflag:s10] =	ssyncset.done @!p0 $0x0  }
0x38: {  	[sflag:s10] =	ssyncadd.s32 @!p0 $0xFFFFFC00  }
0x39: {  	_ =	sfence.sel $0x180000  }
0x3a: {  	[bflag:$0x0] =	sbarrier.arrive $0xFFFF  }
0x3b: {  	_ =	strace $0x90000050  }
0x3c: {  	s0 =	sadd.s32 @!p0 $0x100000, s0;
	[bflag:$0x2] =	sbarrier.arrive $0xFFFF  }
0x3d: {  	[sflag:s0] =	ssyncadd.tile.s32 @!p0 $0x1;
	_ =	shalt  }
.Lfunc_end2:
_tile_overlayer_lowered:
.L_overlay_start_2:
0x3e: {  	(tag) =	ssettag $0x2  }
0x3f: {  	s0 =	rddreg [dreg:$0x0];
	s2 =	stileid.u32  }
0x40: {  	s1 =	rddreg [dreg:$0x1];
	p0 =	sne.s32 s2, $0x0  }
0x41: {  	s3 =	rddreg [dreg:$0x2];
	[bflag:$0x3] =	sbarrier.arrive $0xFFFF;
	s2 =	simm.s32 @!p0 $0x1C01  }
0x42: {  	[timem:s3], [sflag:s2] =	dma.local @!p0 [hbm:s0], s1  }
0x43: {  	s0 =	simm.s32 @!p0 $0x1  }
0x44: {  	_ =	swait.ge @!p0 [sflag:s0], s1  }
0x45: {  	s1 =	ssub.s32 @!p0 $0x0, s1;
	[sflag:s0] =	ssyncset.done @!p0 $0x0  }
0x46: {  	[sflag:s0] =	ssyncadd.s32 @!p0 s1  }
0x47: {  	[bflag:$0x3] =	sbarrier.arrive $0xFFFF  }
0x48: {  	_ =	shalt  }

// kernel: kernel.19.cloned.1.call-start
scs
__scs_entry_jumppad:
0x0: {  	(pc) =	sbr.rel $0x88, $3  }
0x1: {  	(tag) =	ssettag $0x0;
	lr =	simm.s32 $0x1  }
0x2: {  	[smem:$0x3F9D] =	sst lr;
	_ =	strace $0xD0000000  }
0x3: {  	_ = 	snop  }
0x4: {  	_ = 	snop  }
0x5: {  	_ = 	snop  }
0x6: {  	_ = 	snop  }
0x7: {  	_ = 	snop  }
__scs_overlays_trampoline_lowered:
0x8: {  	[smem:$0x3FAC] =	sst s0  }
0x9: {  	[smem:$0x3FAD] =	sst s1  }
0xa: {  	[smem:$0x3FAE] =	sst s2  }
0xb: {  	[smem:$0x3FAF] =	sst s3  }
0xc: {  	[smem:$0x3FB0] =	sst s4  }
0xd: {  	[smem:$0x3FB1] =	sst s5  }
0xe: {  	[smem:$0x3FB2] =	sst s6  }
0xf: {  	[smem:$0x3FB3] =	sst s7  }
0x10: {  	[smem:$0x3FB4] =	sst s8  }
0x11: {  	[smem:$0x3FB5] =	sst s9;
	s0 =	simm.s32 @!p0 $0x0  }
0x12: {  	s1 =	sld [smem:$0x3F9B];
	s0 =	simm.s32 @p0 $0x1  }
0x13: {  	[smem:$0x3FB6] =	sst s0;
	s0 =	simm.s32 @!p1 $0x0  }
0x14: {  	s2 =	sld [smem:$0x3F9A];
	s0 =	simm.s32 @p1 $0x1  }
0x15: {  	[smem:$0x3FB7] =	sst s0;
	s0 =	simm.s32 @!p2 $0x0  }
0x16: {  	s3 =	sld [smem:$0x3FDB];
	s0 =	simm.s32 @p2 $0x1  }
0x17: {  	s4 =	simm.s32 $0x1BF5;
	[smem:$0x3FB9] =	sst s0  }
0x18: {  	s0 =	sld [smem:$0x3F9C];
	_ =	swait.ge [sflag:s4], $0x0  }
0x19: {  	s7 =	sld [smem:$0x3F9D]  }
0x1a: {  	s8 =	sadd.s32 $0xFFFFE003, lr  }
0x1b: {  	s9 =	sadd.s32 $0xFFFFFEF7, lr;
	s5 =	simm.s32 $0xFFFFFFFF;
	p2 =	slt.u32 s8, $0xFFFFF086  }
0x1c: {  	p1 =	slt.u32 s9, $0xF7A;
	s5 =	simm.s32 @!p2 $0x0  }
0x1d: {  	s5 =	simm.s32 @p1 $0x1;
	p0 =	seq.s32 s7, s2  }
0x1e: {  	s7 =	smul.u32 @!p0 $0xF7A, s2;
	p2 =	seq.s32 @!p0 s5, $0x0  }
0x1f: {  	s9 =	smul.u32 $0xF7A, s1;
	s8 =	simm.s32 @!p0 $0x1BF5;
	p2 =	por !p2, p0  }
0x20: {  	[sflag:s8] =	ssyncset.s32 @!p0 $0xFFFFF086;
	s6 =	sadd.s32 @!p0 s3, s7;
	s7 =	simm.s32 @!p0 $0x108  }
0x21: {  	s3 =	sadd.s32 s3, s9;
	s6 =	sadd.s32 @!p0 $0x88, s6;
	s7 =	simm.s32 @p2 $0x1082  }
0x22: {  	[simem:s7], [sflag:s8] =	dma.local @!p0 [hbm:s6], $0xF7A  }
0x23: {  	s9 =	sor.u32 $0xD0000000, s2;
	s6 =	simm.s32 $0x108;
	_ =	swait.ge @!p0 [sflag:s8], $0x0  }
0x24: {  	s3 =	sadd.s32 $0x88, s3;
	s6 =	simm.s32 @!p1 $0x1082;
	[sflag:s4] =	ssyncset.s32 $0xFFFFF086  }
0x25: {  	[simem:s6], [sflag:s4] =	dma.local [hbm:s3], $0xF7A  }
0x26: {  	[smem:$0x3F9D] =	sst s1;
	(tag) =	ssettag s2;
	_ =	strace s9  }
0x27: {  	s1 =	sld [smem:$0x3FAD]  }
0x28: {  	s2 =	sld [smem:$0x3FAE]  }
0x29: {  	s4 =	sld [smem:$0x3FB0]  }
0x2a: {  	p0 =	seq.s32 s5, $0x0;
	s5 =	sld [smem:$0x3FB1]  }
0x2b: {  	s6 =	sld [smem:$0x3FB2]  }
0x2c: {  	s7 =	sld [smem:$0x3FB3]  }
0x2d: {  	s3 =	simm.s32 $0x108;
	s8 =	sld [smem:$0x3FB4]  }
0x2e: {  	s3 =	simm.s32 @!p0 $0x1082;
	s9 =	sld [smem:$0x3FB5]  }
0x2f: {  	lr =	sadd.s32 s0, s3;
	s0 =	sld [smem:$0x3FAC]  }
0x30: {  	s3 =	sld [smem:$0x3FAF]  }
0x31: {  	[smem:$0x3FB8] =	sst s10  }
0x32: {  	s10 =	sld [smem:$0x3FB6];
	_ =	sdelay $0x3  }
0x33: {  	p0 =	seq.s32 s10, $0x1;
	s10 =	sld [smem:$0x3FB8];
	_ =	sdelay $0x3  }
0x34: {  	[smem:$0x3FB8] =	sst s10  }
0x35: {  	s10 =	sld [smem:$0x3FB7];
	_ =	sdelay $0x3  }
0x36: {  	p1 =	seq.s32 s10, $0x1;
	s10 =	sld [smem:$0x3FB8];
	_ =	sdelay $0x3  }
0x37: {  	[smem:$0x3FB8] =	sst s10  }
0x38: {  	s10 =	sld [smem:$0x3FB9]  }
0x39: {  	_ = 	snop;
	(pc) =	sbr.ind lr, $3  }
0x3a: {  	_ = 	snop  }
0x3b: {  	_ = 	snop  }
0x3c: {  	p2 =	seq.s32 s10, $0x1;
	s10 =	sld [smem:$0x3FB8]  }
0x3d: {  	_ =	shalt  }
0x3e: {  	_ =	shalt  }
0x3f: {  	_ =	shalt  }
0x40: {  	_ =	shalt  }
0x41: {  	_ =	shalt  }
0x42: {  	_ =	shalt  }
0x43: {  	_ =	shalt  }
0x44: {  	_ =	shalt  }
0x45: {  	_ =	shalt  }
0x46: {  	_ =	shalt  }
0x47: {  	_ =	shalt  }
0x48: {  	_ =	shalt  }
0x49: {  	_ =	shalt  }
0x4a: {  	_ =	shalt  }
0x4b: {  	_ =	shalt  }
0x4c: {  	_ =	shalt  }
0x4d: {  	_ =	shalt  }
0x4e: {  	_ =	shalt  }
0x4f: {  	_ =	shalt  }
0x50: {  	_ =	shalt  }
0x51: {  	_ =	shalt  }
0x52: {  	_ =	shalt  }
0x53: {  	_ =	shalt  }
0x54: {  	_ =	shalt  }
0x55: {  	_ =	shalt  }
0x56: {  	_ =	shalt  }
0x57: {  	_ =	shalt  }
0x58: {  	_ =	shalt  }
0x59: {  	_ =	shalt  }
0x5a: {  	_ =	shalt  }
0x5b: {  	_ =	shalt  }
0x5c: {  	_ =	shalt  }
0x5d: {  	_ =	shalt  }
0x5e: {  	_ =	shalt  }
0x5f: {  	_ =	shalt  }
0x60: {  	_ =	shalt  }
0x61: {  	_ =	shalt  }
0x62: {  	_ =	shalt  }
0x63: {  	_ =	shalt  }
0x64: {  	_ =	shalt  }
0x65: {  	_ =	shalt  }
0x66: {  	_ =	shalt  }
0x67: {  	_ =	shalt  }
0x68: {  	_ =	shalt  }
0x69: {  	_ =	shalt  }
0x6a: {  	_ =	shalt  }
0x6b: {  	_ =	shalt  }
0x6c: {  	_ =	shalt  }
0x6d: {  	_ =	shalt  }
0x6e: {  	_ =	shalt  }
0x6f: {  	_ =	shalt  }
0x70: {  	_ =	shalt  }
0x71: {  	_ =	shalt  }
0x72: {  	_ =	shalt  }
0x73: {  	_ =	shalt  }
0x74: {  	_ =	shalt  }
0x75: {  	_ =	shalt  }
0x76: {  	_ =	shalt  }
0x77: {  	_ =	shalt  }
0x78: {  	_ =	shalt  }
0x79: {  	_ =	shalt  }
0x7a: {  	_ =	shalt  }
0x7b: {  	_ =	shalt  }
0x7c: {  	_ =	shalt  }
0x7d: {  	_ =	shalt  }
0x7e: {  	_ =	shalt  }
0x7f: {  	_ =	shalt  }
0x80: {  	_ =	shalt  }
0x81: {  	_ =	shalt  }
0x82: {  	_ =	shalt  }
0x83: {  	_ =	shalt  }
0x84: {  	_ =	shalt  }
0x85: {  	_ =	shalt  }
0x86: {  	_ =	shalt  }
0x87: {  	_ =	shalt  }
.Lfunc_end0:
.L_simem_size_0:
called_computation.2_lowered:
.L_overlay_start_0:
0x88: {  	s2 =	sld [smem:$0x3FD9]  }
0x89: {  	s3 =	sld [smem:$0x3FFE];
	_ =	sdelay $0x1  }
0x8a: {  	s1 =	srdreg.scid  }
0x8b: {  	s0 =	sand.u32 $0x1, s1  }
0x8c: {  	s17 =	sshll.u32 s0, $0xA;
	s2 =	sadd.s32 s3, s2  }
0x8d: {  	s2 =	sadd.s32 s2, s17  }
0x8e: {  	[smem:$0x3FC4] =	sst s2  }
0x8f: {  	_ = 	snop  }
0x90: {  	s2 =	sld [smem:$0x3FC7];
	(tm) =	ssettm $0x1  }
0x91: {  	s18 =	sld [smem:$0x3FFB];
	_ =	sdelay $0x3  }
0x92: {  	_ =	strace s18  }
0x93: {  	s3 =	sld [smem:$0x3FFC];
	_ =	sdelay $0x3  }
0x94: {  	_ =	strace s3  }
0x95: {  	s3 =	sld [smem:$0x3FFD];
	_ =	sdelay $0x3  }
0x96: {  	_ =	strace s3  }
0x97: {  	_ =	strace $0x8FFFFFFF  }
0x98: {  	s19 =	sld [smem:$0x3FDB];
	_ =	sdelay $0x1  }
0x99: {  	s4 =	simm.s32 $_scs_section_size  }
0x9a: {  	s5 =	simm.s32 $_size__tile_overlayer_lowered;
	s6 =	simm.s32 $_tile_overlayer_lowered  }
0x9b: {  	s22 =	simm.s32 $0x1BFF;
	s21 =	sshll.u32 s6, $0x1;
	s3 =	sadd.s32 s4, s19  }
0x9c: {  	s7 =	simm.s32 $0x0;
	s20 =	sshll.u32 s5, $0x1;
	s5 =	sadd.s32 s21, s3  }
0x9d: {  	[timem:s7], [sflag:s22] =	dma.local [hbm:s5], s20  }
0x9e: {  	_ =	swait.ge [sflag:s22], s20  }
0x9f: {  	s4 =	ssub.s32 $0x0, s20;
	[sflag:s22] =	ssyncset.done $0x0  }
0xa0: {  	[sflag:s22] =	ssyncadd.s32 s4;
	_ =	sdelay $0x1  }
0xa1: {  	s23 =	simm.s32 $0x1B8B  }
0xa2: {  	_ =	swait.ge [sflag:s23], $0x1  }
0xa3: {  	[sflag:s23] =	ssyncset.done $0x0  }
0xa4: {  	s25 =	simm.s32 $0x1B8E;
	s24 =	sld [smem:$0x3FFE];
	[sflag:s23] =	ssyncadd.s32 $0xFFFFFFFF  }
0xa5: {  	s26 =	simm.s32 $execute0_lowered;
	[smem:$0x3FD2] =	sst s25  }
0xa6: {  	s5 =	sshll.u32 s26, $0x1;
	_ =	strace $0x80000049;
	[dreg:$0x1] =	wrdreg $0xFFFFFFFF  }
0xa7: {  	s28 =	simm.s32 $_size_execute0_lowered;
	s3 =	sadd.s32 s3, s5;
	[dreg:$0x0] =	wrdreg $0x0  }
0xa8: {  	s5 =	sshll.u32 s28, $0x1;
	[dreg:$0x2] =	wrdreg s3  }
0xa9: {  	[dreg:$0x3] =	wrdreg s5  }
0xaa: {  	[dreg:$0x4] =	wrdreg $0xC0  }
0xab: {  	_ =	task [dreg:s7], $0x5FFFF  }
0xac: {  	[dreg:$0x1] =	wrdreg $0xFFFFFFFF  }
0xad: {  	[dreg:$0x0] =	wrdreg $0x60  }
0xae: {  	[dreg:$0x2] =	wrdreg s2  }
0xaf: {  	[dreg:$0x3] =	wrdreg s24  }
0xb0: {  	[dreg:$0x4] =	wrdreg $0x9  }
0xb1: {  	_ =	task.clear_ibuf [dreg:s7], $0x5FFFF;
	_ =	strace $0x90000049  }
0xb2: {  	s29 =	simm.s32 $0x9;
	_ =	strace $0x8000004B  }
0xb3: {  	_ =	swait.ge [sflag:s29], $0x1  }
0xb4: {  	[sflag:s29] =	ssyncadd.s32 $0xFFFFFFFF  }
0xb5: {  	_ =	strace $0x9000004B  }
0xb6: {  	_ =	sfence  }
0xb7: {  	s30 =	sld [smem:$0x0];
	_ =	sdelay $0x2  }
0xb8: {  	s31 =	sshll.u32 s1, $0xD;
	s1 =	sshrl.u32 s1, $0x2  }
0xb9: {  	s3 =	sand.u32 $0x4000, s31;
	s1 =	sadd.s32 s1, s30  }
0xba: {  	s0 =	sor.u32 s3, s0;
	s1 =	sshll.u32 s1, $0x11  }
0xbb: {  	s0 =	sor.u32 s1, s0  }
0xbc: {  	s0 =	sadd.s32 $0x8F2B, s0  }
0xbd: {  	[sflag:s0] =	ssyncadd.remote.s32 $0x1  }
0xbe: {  	_ =	sfence.sel $0xFFFF  }
0xbf: {  	[dreg:$0x0] =	wrdreg $0xFFFFFFFF;
	(pc) =	sbr.abs _section_cstart, $3  }
0xc0: {  	[dreg:$0x1] =	wrdreg $0xFFFFFFFF  }
0xc1: {  	_ =	task.clear_ibuf [dreg:s7], $0x2FFFF;
	_ =	strace $0x9FFFFFFF  }
0xc2: {  	(tm) =	ssettm $0x7FFFFFFF  }
0xc3: {  	_ =	shalt  }
tec
execute0_lowered:
.L_overlay_start_1:
0x0: {  	(tag) =	ssettag $0x1  }
0x1: {  	s1 =	srdreg.scid  }
0x2: {  	s0 =	stileid.u32;
	s2 =	rddreg [dreg:$0x0]  }
0x3: {  	s5 =	rddreg [dreg:$0x1];
	s19 =	simm.s32 $0x900;
	s20 =	simm.s32 $0x1100  }
0x4: {  	s21 =	simm.s32 $0x1900;
	s23 =	simm.s32 $0x2100;
	s24 =	simm.s32 $0x2900  }
0x5: {  	s25 =	simm.s32 $0x3100;
	s26 =	simm.s32 $0x3900;
	s8 =	simm.s32 $0x4900  }
0x6: {  	s9 =	simm.s32 $0x5100;
	s10 =	simm.s32 $0x5900;
	s11 =	simm.s32 $0x6100  }
0x7: {  	s12 =	simm.s32 $0x6900;
	s13 =	simm.s32 $0x7100;
	s1 =	sand.u32 $0x1, s1  }
0x8: {  	s14 =	simm.s32 $0x7900;
	s3 =	sshll.u32 s0, $0x9;
	s4 =	sshll.u32 s1, $0x8  }
0x9: {  	s15 =	simm.s32 $0x8100;
	s4 =	sor.u32 s4, s3;
	s3 =	simm.s32 $0x0  }
0xa: {  	s16 =	simm.s32 $0x8900;
	s17 =	simm.s32 $0x9100;
	[smem:$0x7FF] =	sst s3  }
0xb: {  	s28 =	simm.s32 $0xE100;
	_ =	strace $0x8000004A;
	[dreg:$0x5] =	wrdreg s19  }
0xc: {  	s29 =	simm.s32 $0xE900;
	s30 =	simm.s32 $0xF100;
	[dreg:$0x6] =	wrdreg s20  }
0xd: {  	s31 =	simm.s32 $0xF900;
	s1 =	ssub.s32 $0x2, s1;
	[dreg:$0x7] =	wrdreg s21  }
0xe: {  	s22 =	sshrl.u32 s1, $0x1;
	s6 =	sshrl.u32 s4, $0x3;
	[dreg:$0x8] =	wrdreg s23  }
0xf: {  	s4 =	sshll.u32 s4, $0x5;
	s1 =	ssub.s32 s1, s22;
	[dreg:$0x9] =	wrdreg s24  }
0x10: {  	s22 =	simm.s32 $0xB900;
	s6 =	sadd.s32 s6, s5;
	[dreg:$0xa] =	wrdreg s25  }
0x11: {  	s4 =	sadd.s32 s4, s5;
	s5 =	simm.s32 $0x2;
	[dreg:$0xb] =	wrdreg s26  }
0x12: {  	s19 =	simm.s32 $0xA100;
	s20 =	simm.s32 $0xA900;
	s21 =	simm.s32 $0xB100  }
0x13: {  	s23 =	simm.s32 $0xC100;
	s24 =	simm.s32 $0xC900;
	s18 =	sadd.s32 $0x2E00, s6  }
0x14: {  	v2 =	vlaneseq.u32;
	s25 =	simm.s32 $0xD100;
	s4 =	sadd.s32 $0x3200, s4;
	[dreg:$0x3] =	wrdreg s18  }
0x15: {  	vm0 =	vmmov $0xffff;
	v1 =	vshrl.u32 v2, $0x3;
	s26 =	simm.s32 $0xD900;
	s6 =	simm.s32 $0x100;
	[dreg:$0x4] =	wrdreg s4  }
0x16: {  	v0 =	vand.u32 $0x7, v2;
	v2 =	vor.u32 $0x8, v2;
	v1 =	vmul.u32 $0x8, v1;
	s4 =	smax.u32 s1, $0x1;
	s18 =	simm.s32 $0x9900;
	s1 =	simm.s32 $0x1  }
.LBB2_1:
0x17: {  	s0 =	rddreg [dreg:$0x3]  }
0x18: {  	[tilespmem:s3], [sflag:$0x2] =	stream.linear.gather [hbm4b:s0+s3], $0x100, $0x38;
	[tilespmem:$0x10100] =	vst v63  }
0x19: {  	_ =	swait.ge [sflag:s5], $0x100  }
0x1a: {  	[sflag:s5] =	ssyncset.done $0x0  }
0x1b: {  	[sflag:s5] =	ssyncadd.s32 $0xFFFFFF00  }
0x1c: {  	v3 =	vld [tilespmem:$0x0];
	_ =	sdelay $0x4  }
0x1d: {  	v4 =	vshll.u32 v3, $0x1  }
0x1e: {  	v3 =	vand.u32 $0x7, v3;
	v4 =	vand.u32 $0xFFFFFFF0, v4  }
0x1f: {  	v3 =	vor.u32 v3, v4  }
0x20: {  	v4 =	vperm.xlane v3, v0;
	_ =	sdelay $0x1  }
0x21: {  	v3 =	vperm.xlane v3, v2;
	v4 =	vadd.s32 v1, v4;
	_ =	sdelay $0x1  }
0x22: {  	v3 =	vadd.s32 v1, v3;
	_ =	sdelay $0x2  }
0x23: {  	[tilespmem:s6], [sflag:$0x1] =	stream.indirect_vreg.gather [hbm4b:s2+s3], $0x80, v4, vm0, $0xb8;
	[tilespmem:$0x10100] =	vst v63  }
0x24: {  	s7 =	rddreg [dreg:$0x5]  }
0x25: {  	[tilespmem:s7], [sflag:$0x1] =	stream.indirect_vreg.gather [hbm4b:s2+s3], $0x80, v3, vm0, $0xb8;
	[tilespmem:$0x10100] =	vst v63  }
0x26: {  	v3 =	vld [tilespmem:$0x10];
	_ =	sdelay $0x4  }
0x27: {  	v49 =	vshll.u32 v3, $0x1  }
0x28: {  	v3 =	vand.u32 $0x7, v3;
	v4 =	vand.u32 $0xFFFFFFF0, v49  }
0x29: {  	v3 =	vor.u32 v3, v4  }
0x2a: {  	v4 =	vperm.xlane v3, v0;
	_ =	sdelay $0x1  }
0x2b: {  	v3 =	vperm.xlane v3, v2;
	v4 =	vadd.s32 v1, v4;
	_ =	sdelay $0x1  }
0x2c: {  	v3 =	vadd.s32 v1, v3;
	_ =	sdelay $0x1  }
0x2d: {  	s0 =	rddreg [dreg:$0x6]  }
0x2e: {  	[tilespmem:s0], [sflag:$0x1] =	stream.indirect_vreg.gather [hbm4b:s2+s3], $0x80, v4, vm0, $0xb8;
	[tilespmem:$0x10100] =	vst v63  }
0x2f: {  	s7 =	rddreg [dreg:$0x7]  }
0x30: {  	[tilespmem:s7], [sflag:$0x1] =	stream.indirect_vreg.gather [hbm4b:s2+s3], $0x80, v3, vm0, $0xb8;
	[tilespmem:$0x10100] =	vst v63  }
0x31: {  	v3 =	vld [tilespmem:$0x20];
	_ =	sdelay $0x4  }
0x32: {  	v50 =	vshll.u32 v3, $0x1  }
0x33: {  	v3 =	vand.u32 $0x7, v3;
	v4 =	vand.u32 $0xFFFFFFF0, v50  }
0x34: {  	v3 =	vor.u32 v3, v4  }
0x35: {  	v4 =	vperm.xlane v3, v0;
	_ =	sdelay $0x1  }
0x36: {  	v3 =	vperm.xlane v3, v2;
	v4 =	vadd.s32 v1, v4;
	_ =	sdelay $0x1  }
0x37: {  	v3 =	vadd.s32 v1, v3;
	_ =	sdelay $0x1  }
0x38: {  	s0 =	rddreg [dreg:$0x8]  }
0x39: {  	[tilespmem:s0], [sflag:$0x1] =	stream.indirect_vreg.gather [hbm4b:s2+s3], $0x80, v4, vm0, $0xb8;
	[tilespmem:$0x10100] =	vst v63  }
0x3a: {  	s7 =	rddreg [dreg:$0x9]  }
0x3b: {  	[tilespmem:s7], [sflag:$0x1] =	stream.indirect_vreg.gather [hbm4b:s2+s3], $0x80, v3, vm0, $0xb8;
	[tilespmem:$0x10100] =	vst v63  }
0x3c: {  	v3 =	vld [tilespmem:$0x30];
	_ =	sdelay $0x4  }
0x3d: {  	v51 =	vshll.u32 v3, $0x1  }
0x3e: {  	v3 =	vand.u32 $0x7, v3;
	v4 =	vand.u32 $0xFFFFFFF0, v51  }
0x3f: {  	v3 =	vor.u32 v3, v4  }
0x40: {  	v4 =	vperm.xlane v3, v0;
	_ =	sdelay $0x1  }
0x41: {  	v3 =	vperm.xlane v3, v2;
	v4 =	vadd.s32 v1, v4;
	_ =	sdelay $0x1  }
0x42: {  	v3 =	vadd.s32 v1, v3;
	_ =	sdelay $0x1  }
0x43: {  	s0 =	rddreg [dreg:$0xa]  }
0x44: {  	[tilespmem:s0], [sflag:$0x1] =	stream.indirect_vreg.gather [hbm4b:s2+s3], $0x80, v4, vm0, $0xb8;
	[tilespmem:$0x10100] =	vst v63  }
0x45: {  	s7 =	rddreg [dreg:$0xb]  }
0x46: {  	[tilespmem:s7], [sflag:$0x1] =	stream.indirect_vreg.gather [hbm4b:s2+s3], $0x80, v3, vm0, $0xb8;
	[tilespmem:$0x10100] =	vst v63  }
0x47: {  	v3 =	vld [tilespmem:$0x40];
	_ =	sdelay $0x4  }
0x48: {  	v52 =	vshll.u32 v3, $0x1  }
0x49: {  	v3 =	vand.u32 $0x7, v3;
	v4 =	vand.u32 $0xFFFFFFF0, v52  }
0x4a: {  	v3 =	vor.u32 v3, v4  }
0x4b: {  	v4 =	vperm.xlane v3, v0;
	_ =	sdelay $0x1  }
0x4c: {  	v3 =	vperm.xlane v3, v2;
	v4 =	vadd.s32 v1, v4;
	_ =	sdelay $0x1  }
0x4d: {  	v3 =	vadd.s32 v1, v3;
	_ =	sdelay $0x1  }
0x4e: {  	s7 =	simm.s32 $0x4100  }
0x4f: {  	[tilespmem:s7], [sflag:$0x1] =	stream.indirect_vreg.gather [hbm4b:s2+s3], $0x80, v4, vm0, $0xb8;
	[tilespmem:$0x10100] =	vst v63  }
0x50: {  	_ = 	snop  }
0x51: {  	[tilespmem:s8], [sflag:$0x1] =	stream.indirect_vreg.gather [hbm4b:s2+s3], $0x80, v3, vm0, $0xb8;
	[tilespmem:$0x10100] =	vst v63  }
0x52: {  	v3 =	vld [tilespmem:$0x50];
	_ =	sdelay $0x4  }
0x53: {  	v53 =	vshll.u32 v3, $0x1  }
0x54: {  	v3 =	vand.u32 $0x7, v3;
	v4 =	vand.u32 $0xFFFFFFF0, v53  }
0x55: {  	v3 =	vor.u32 v3, v4  }
0x56: {  	v4 =	vperm.xlane v3, v0;
	_ =	sdelay $0x1  }
0x57: {  	v3 =	vperm.xlane v3, v2;
	v4 =	vadd.s32 v1, v4;
	_ =	sdelay $0x1  }
0x58: {  	v3 =	vadd.s32 v1, v3;
	_ =	sdelay $0x2  }
0x59: {  	[tilespmem:s9], [sflag:$0x1] =	stream.indirect_vreg.gather [hbm4b:s2+s3], $0x80, v4, vm0, $0xb8;
	[tilespmem:$0x10100] =	vst v63  }
0x5a: {  	_ = 	snop  }
0x5b: {  	[tilespmem:s10], [sflag:$0x1] =	stream.indirect_vreg.gather [hbm4b:s2+s3], $0x80, v3, vm0, $0xb8;
	[tilespmem:$0x10100] =	vst v63  }
0x5c: {  	v3 =	vld [tilespmem:$0x60];
	_ =	sdelay $0x4  }
0x5d: {  	v54 =	vshll.u32 v3, $0x1  }
0x5e: {  	v3 =	vand.u32 $0x7, v3;
	v4 =	vand.u32 $0xFFFFFFF0, v54  }
0x5f: {  	v3 =	vor.u32 v3, v4  }
0x60: {  	v4 =	vperm.xlane v3, v0;
	_ =	sdelay $0x1  }
0x61: {  	v3 =	vperm.xlane v3, v2;
	v4 =	vadd.s32 v1, v4;
	_ =	sdelay $0x1  }
0x62: {  	v3 =	vadd.s32 v1, v3;
	_ =	sdelay $0x2  }
0x63: {  	[tilespmem:s11], [sflag:$0x1] =	stream.indirect_vreg.gather [hbm4b:s2+s3], $0x80, v4, vm0, $0xb8;
	[tilespmem:$0x10100] =	vst v63  }
0x64: {  	_ = 	snop  }
0x65: {  	[tilespmem:s12], [sflag:$0x1] =	stream.indirect_vreg.gather [hbm4b:s2+s3], $0x80, v3, vm0, $0xb8;
	[tilespmem:$0x10100] =	vst v63  }
0x66: {  	v3 =	vld [tilespmem:$0x70];
	_ =	sdelay $0x4  }
0x67: {  	v55 =	vshll.u32 v3, $0x1  }
0x68: {  	v3 =	vand.u32 $0x7, v3;
	v4 =	vand.u32 $0xFFFFFFF0, v55  }
0x69: {  	v3 =	vor.u32 v3, v4  }
0x6a: {  	v4 =	vperm.xlane v3, v0;
	_ =	sdelay $0x1  }
0x6b: {  	v3 =	vperm.xlane v3, v2;
	v4 =	vadd.s32 v1, v4;
	_ =	sdelay $0x1  }
0x6c: {  	v3 =	vadd.s32 v1, v3;
	_ =	sdelay $0x2  }
0x6d: {  	[tilespmem:s13], [sflag:$0x1] =	stream.indirect_vreg.gather [hbm4b:s2+s3], $0x80, v4, vm0, $0xb8;
	[tilespmem:$0x10100] =	vst v63  }
0x6e: {  	_ = 	snop  }
0x6f: {  	[tilespmem:s14], [sflag:$0x1] =	stream.indirect_vreg.gather [hbm4b:s2+s3], $0x80, v3, vm0, $0xb8;
	[tilespmem:$0x10100] =	vst v63  }
0x70: {  	v3 =	vld [tilespmem:$0x80];
	_ =	sdelay $0x4  }
0x71: {  	v56 =	vshll.u32 v3, $0x1  }
0x72: {  	v3 =	vand.u32 $0x7, v3;
	v4 =	vand.u32 $0xFFFFFFF0, v56  }
0x73: {  	v3 =	vor.u32 v3, v4  }
0x74: {  	v4 =	vperm.xlane v3, v0;
	_ =	sdelay $0x1  }
0x75: {  	v3 =	vperm.xlane v3, v2;
	v4 =	vadd.s32 v1, v4;
	_ =	sdelay $0x1  }
0x76: {  	v3 =	vadd.s32 v1, v3;
	_ =	sdelay $0x2  }
0x77: {  	[tilespmem:s15], [sflag:$0x1] =	stream.indirect_vreg.gather [hbm4b:s2+s3], $0x80, v4, vm0, $0xb8;
	[tilespmem:$0x10100] =	vst v63  }
0x78: {  	_ = 	snop  }
0x79: {  	[tilespmem:s16], [sflag:$0x1] =	stream.indirect_vreg.gather [hbm4b:s2+s3], $0x80, v3, vm0, $0xb8;
	[tilespmem:$0x10100] =	vst v63  }
0x7a: {  	v3 =	vld [tilespmem:$0x90];
	_ =	sdelay $0x4  }
0x7b: {  	v57 =	vshll.u32 v3, $0x1  }
0x7c: {  	v3 =	vand.u32 $0x7, v3;
	v4 =	vand.u32 $0xFFFFFFF0, v57  }
0x7d: {  	v3 =	vor.u32 v3, v4  }
0x7e: {  	v4 =	vperm.xlane v3, v0;
	_ =	sdelay $0x1  }
0x7f: {  	v3 =	vperm.xlane v3, v2;
	v4 =	vadd.s32 v1, v4;
	_ =	sdelay $0x1  }
0x80: {  	v3 =	vadd.s32 v1, v3;
	_ =	sdelay $0x2  }
0x81: {  	[tilespmem:s17], [sflag:$0x1] =	stream.indirect_vreg.gather [hbm4b:s2+s3], $0x80, v4, vm0, $0xb8;
	[tilespmem:$0x10100] =	vst v63  }
0x82: {  	_ = 	snop  }
0x83: {  	[tilespmem:s18], [sflag:$0x1] =	stream.indirect_vreg.gather [hbm4b:s2+s3], $0x80, v3, vm0, $0xb8;
	[tilespmem:$0x10100] =	vst v63  }
0x84: {  	v3 =	vld [tilespmem:$0xA0];
	_ =	sdelay $0x4  }
0x85: {  	v58 =	vshll.u32 v3, $0x1  }
0x86: {  	v3 =	vand.u32 $0x7, v3;
	v4 =	vand.u32 $0xFFFFFFF0, v58  }
0x87: {  	v3 =	vor.u32 v3, v4  }
0x88: {  	v4 =	vperm.xlane v3, v0;
	_ =	sdelay $0x1  }
0x89: {  	v3 =	vperm.xlane v3, v2;
	v4 =	vadd.s32 v1, v4;
	_ =	sdelay $0x1  }
0x8a: {  	v3 =	vadd.s32 v1, v3;
	_ =	sdelay $0x2  }
0x8b: {  	[tilespmem:s19], [sflag:$0x1] =	stream.indirect_vreg.gather [hbm4b:s2+s3], $0x80, v4, vm0, $0xb8;
	[tilespmem:$0x10100] =	vst v63  }
0x8c: {  	_ = 	snop  }
0x8d: {  	[tilespmem:s20], [sflag:$0x1] =	stream.indirect_vreg.gather [hbm4b:s2+s3], $0x80, v3, vm0, $0xb8;
	[tilespmem:$0x10100] =	vst v63  }
0x8e: {  	v3 =	vld [tilespmem:$0xB0];
	_ =	sdelay $0x4  }
0x8f: {  	v59 =	vshll.u32 v3, $0x1  }
0x90: {  	v3 =	vand.u32 $0x7, v3;
	v4 =	vand.u32 $0xFFFFFFF0, v59  }
0x91: {  	v3 =	vor.u32 v3, v4  }
0x92: {  	v4 =	vperm.xlane v3, v0;
	_ =	sdelay $0x1  }
0x93: {  	v3 =	vperm.xlane v3, v2;
	v4 =	vadd.s32 v1, v4;
	_ =	sdelay $0x1  }
0x94: {  	v3 =	vadd.s32 v1, v3;
	_ =	sdelay $0x2  }
0x95: {  	[tilespmem:s21], [sflag:$0x1] =	stream.indirect_vreg.gather [hbm4b:s2+s3], $0x80, v4, vm0, $0xb8;
	[tilespmem:$0x10100] =	vst v63  }
0x96: {  	_ = 	snop  }
0x97: {  	[tilespmem:s22], [sflag:$0x1] =	stream.indirect_vreg.gather [hbm4b:s2+s3], $0x80, v3, vm0, $0xb8;
	[tilespmem:$0x10100] =	vst v63  }
0x98: {  	v3 =	vld [tilespmem:$0xC0];
	_ =	sdelay $0x4  }
0x99: {  	v60 =	vshll.u32 v3, $0x1  }
0x9a: {  	v3 =	vand.u32 $0x7, v3;
	v4 =	vand.u32 $0xFFFFFFF0, v60  }
0x9b: {  	v3 =	vor.u32 v3, v4  }
0x9c: {  	v4 =	vperm.xlane v3, v0;
	_ =	sdelay $0x1  }
0x9d: {  	v3 =	vperm.xlane v3, v2;
	v4 =	vadd.s32 v1, v4;
	_ =	sdelay $0x1  }
0x9e: {  	v3 =	vadd.s32 v1, v3;
	_ =	sdelay $0x2  }
0x9f: {  	[tilespmem:s23], [sflag:$0x1] =	stream.indirect_vreg.gather [hbm4b:s2+s3], $0x80, v4, vm0, $0xb8;
	[tilespmem:$0x10100] =	vst v63  }
0xa0: {  	_ = 	snop  }
0xa1: {  	[tilespmem:s24], [sflag:$0x1] =	stream.indirect_vreg.gather [hbm4b:s2+s3], $0x80, v3, vm0, $0xb8;
	[tilespmem:$0x10100] =	vst v63  }
0xa2: {  	v3 =	vld [tilespmem:$0xD0];
	_ =	sdelay $0x4  }
0xa3: {  	v61 =	vshll.u32 v3, $0x1  }
0xa4: {  	v3 =	vand.u32 $0x7, v3;
	v4 =	vand.u32 $0xFFFFFFF0, v61  }
0xa5: {  	v3 =	vor.u32 v3, v4  }
0xa6: {  	v4 =	vperm.xlane v3, v0;
	_ =	sdelay $0x1  }
0xa7: {  	v3 =	vperm.xlane v3, v2;
	v4 =	vadd.s32 v1, v4;
	_ =	sdelay $0x1  }
0xa8: {  	v3 =	vadd.s32 v1, v3;
	_ =	sdelay $0x2  }
0xa9: {  	[tilespmem:s25], [sflag:$0x1] =	stream.indirect_vreg.gather [hbm4b:s2+s3], $0x80, v4, vm0, $0xb8;
	[tilespmem:$0x10100] =	vst v63  }
0xaa: {  	_ = 	snop  }
0xab: {  	[tilespmem:s26], [sflag:$0x1] =	stream.indirect_vreg.gather [hbm4b:s2+s3], $0x80, v3, vm0, $0xb8;
	[tilespmem:$0x10100] =	vst v63  }
0xac: {  	v3 =	vld [tilespmem:$0xE0];
	_ =	sdelay $0x4  }
0xad: {  	v62 =	vshll.u32 v3, $0x1  }
0xae: {  	v3 =	vand.u32 $0x7, v3;
	v4 =	vand.u32 $0xFFFFFFF0, v62  }
0xaf: {  	v3 =	vor.u32 v3, v4  }
0xb0: {  	v4 =	vperm.xlane v3, v0;
	_ =	sdelay $0x1  }
0xb1: {  	v3 =	vperm.xlane v3, v2;
	v4 =	vadd.s32 v1, v4;
	_ =	sdelay $0x1  }
0xb2: {  	v3 =	vadd.s32 v1, v3;
	_ =	sdelay $0x2  }
0xb3: {  	[tilespmem:s28], [sflag:$0x1] =	stream.indirect_vreg.gather [hbm4b:s2+s3], $0x80, v4, vm0, $0xb8;
	[tilespmem:$0x10100] =	vst v63  }
0xb4: {  	_ = 	snop  }
0xb5: {  	[tilespmem:s29], [sflag:$0x1] =	stream.indirect_vreg.gather [hbm4b:s2+s3], $0x80, v3, vm0, $0xb8;
	[tilespmem:$0x10100] =	vst v63  }
0xb6: {  	v3 =	vld [tilespmem:$0xF0];
	_ =	sdelay $0x4  }
0xb7: {  	v63 =	vshll.u32 v3, $0x1  }
0xb8: {  	v3 =	vand.u32 $0x7, v3;
	v4 =	vand.u32 $0xFFFFFFF0, v63  }
0xb9: {  	v3 =	vor.u32 v3, v4  }
0xba: {  	v4 =	vperm.xlane v3, v0;
	_ =	sdelay $0x1  }
0xbb: {  	v3 =	vperm.xlane v3, v2;
	v4 =	vadd.s32 v1, v4;
	_ =	sdelay $0x1  }
0xbc: {  	v3 =	vadd.s32 v1, v3;
	_ =	sdelay $0x2  }
0xbd: {  	[tilespmem:s30], [sflag:$0x1] =	stream.indirect_vreg.gather [hbm4b:s2+s3], $0x80, v4, vm0, $0xb8;
	[tilespmem:$0x10100] =	vst v63  }
0xbe: {  	_ = 	snop  }
0xbf: {  	[tilespmem:s31], [sflag:$0x1] =	stream.indirect_vreg.gather [hbm4b:s2+s3], $0x80, v3, vm0, $0xb8;
	[tilespmem:$0x10100] =	vst v63  }
0xc0: {  	_ =	swait.ge [sflag:s1], $0x10000  }
0xc1: {  	p0 =	sne.s32 s4, $0x1;
	[sflag:s1] =	ssyncset.done $0x0  }
.Ltmp0:
0xc2: {  	s7 =	rddreg [dreg:$0x4];
	[sflag:s1] =	ssyncadd.s32 $0xFFFF0000;
	(pc) =	sbr.rel @p0 .LBB2_1-.Ltmp0, $4  }
0xc3: {  	[hbm4b:s7+s3] =	stream.linear.scatter [tilespmem:s6], [sflag:$0x2], $0x10000, $0x38;
	[tilespmem:$0x10100] =	vst v63  }
0xc4: {  	_ =	swait.ge [sflag:s5], $0x10000  }
0xc5: {  	[sflag:s5] =	ssyncset.done $0x0  }
0xc6: {  	s4 =	sadd.s32 $0xFFFFFFFF, s4;
	[sflag:s5] =	ssyncadd.s32 $0xFFFF0000  }
0xc7: {  	_ =	sfence.sel $0x180000  }
0xc8: {  	[bflag:$0x0] =	sbarrier.arrive $0xFFFF  }
0xc9: {  	_ =	strace $0x9000004A  }
0xca: {  	s0 =	stileid.u32;
	[bflag:$0x2] =	sbarrier.arrive $0xFFFF  }
0xcb: {  	p0 =	sne.s32 s0, $0x0;
	s0 =	rddreg [dreg:$0x2]  }
0xcc: {  	s0 =	sadd.s32 @!p0 $0x100000, s0  }
0xcd: {  	[sflag:s0] =	ssyncadd.tile.s32 @!p0 $0x1;
	_ =	shalt  }
.Lfunc_end2:
_tile_overlayer_lowered:
.L_overlay_start_2:
0xce: {  	(tag) =	ssettag $0x2  }
0xcf: {  	s0 =	rddreg [dreg:$0x0];
	s2 =	stileid.u32  }
0xd0: {  	s1 =	rddreg [dreg:$0x1];
	p0 =	sne.s32 s2, $0x0  }
0xd1: {  	s3 =	rddreg [dreg:$0x2];
	[bflag:$0x3] =	sbarrier.arrive $0xFFFF;
	s2 =	simm.s32 @!p0 $0x1C02  }
0xd2: {  	[timem:s3], [sflag:s2] =	dma.local @!p0 [hbm:s0], s1  }
0xd3: {  	s0 =	simm.s32 @!p0 $0x2  }
0xd4: {  	_ =	swait.ge @!p0 [sflag:s0], s1  }
0xd5: {  	s1 =	ssub.s32 @!p0 $0x0, s1;
	[sflag:s0] =	ssyncset.done @!p0 $0x0  }
0xd6: {  	[sflag:s0] =	ssyncadd.s32 @!p0 s1  }
0xd7: {  	[bflag:$0x3] =	sbarrier.arrive $0xFFFF  }
0xd8: {  	_ =	shalt  }

// kernel: kernel.22.cloned.1.call-start
scs
__scs_entry_jumppad:
0x0: {  	(pc) =	sbr.rel $0x88, $3  }
0x1: {  	(tag) =	ssettag $0x0;
	lr =	simm.s32 $0x1  }
0x2: {  	[smem:$0x3F9D] =	sst lr;
	_ =	strace $0xD0000000  }
0x3: {  	_ = 	snop  }
0x4: {  	_ = 	snop  }
0x5: {  	_ = 	snop  }
0x6: {  	_ = 	snop  }
0x7: {  	_ = 	snop  }
__scs_overlays_trampoline_lowered:
0x8: {  	[smem:$0x3FAC] =	sst s0  }
0x9: {  	[smem:$0x3FAD] =	sst s1  }
0xa: {  	[smem:$0x3FAE] =	sst s2  }
0xb: {  	[smem:$0x3FAF] =	sst s3  }
0xc: {  	[smem:$0x3FB0] =	sst s4  }
0xd: {  	[smem:$0x3FB1] =	sst s5  }
0xe: {  	[smem:$0x3FB2] =	sst s6  }
0xf: {  	[smem:$0x3FB3] =	sst s7  }
0x10: {  	[smem:$0x3FB4] =	sst s8  }
0x11: {  	[smem:$0x3FB5] =	sst s9;
	s0 =	simm.s32 @!p0 $0x0  }
0x12: {  	s1 =	sld [smem:$0x3F9B];
	s0 =	simm.s32 @p0 $0x1  }
0x13: {  	[smem:$0x3FB6] =	sst s0;
	s0 =	simm.s32 @!p1 $0x0  }
0x14: {  	s2 =	sld [smem:$0x3F9A];
	s0 =	simm.s32 @p1 $0x1  }
0x15: {  	[smem:$0x3FB7] =	sst s0;
	s0 =	simm.s32 @!p2 $0x0  }
0x16: {  	s3 =	sld [smem:$0x3FDB];
	s0 =	simm.s32 @p2 $0x1  }
0x17: {  	s4 =	simm.s32 $0x1BF5;
	[smem:$0x3FB9] =	sst s0  }
0x18: {  	s0 =	sld [smem:$0x3F9C];
	_ =	swait.ge [sflag:s4], $0x0  }
0x19: {  	s7 =	sld [smem:$0x3F9D]  }
0x1a: {  	s8 =	sadd.s32 $0xFFFFE003, lr  }
0x1b: {  	s9 =	sadd.s32 $0xFFFFFEF7, lr;
	s5 =	simm.s32 $0xFFFFFFFF;
	p2 =	slt.u32 s8, $0xFFFFF086  }
0x1c: {  	p1 =	slt.u32 s9, $0xF7A;
	s5 =	simm.s32 @!p2 $0x0  }
0x1d: {  	s5 =	simm.s32 @p1 $0x1;
	p0 =	seq.s32 s7, s2  }
0x1e: {  	s7 =	smul.u32 @!p0 $0xF7A, s2;
	p2 =	seq.s32 @!p0 s5, $0x0  }
0x1f: {  	s9 =	smul.u32 $0xF7A, s1;
	s8 =	simm.s32 @!p0 $0x1BF5;
	p2 =	por !p2, p0  }
0x20: {  	[sflag:s8] =	ssyncset.s32 @!p0 $0xFFFFF086;
	s6 =	sadd.s32 @!p0 s3, s7;
	s7 =	simm.s32 @!p0 $0x108  }
0x21: {  	s3 =	sadd.s32 s3, s9;
	s6 =	sadd.s32 @!p0 $0x88, s6;
	s7 =	simm.s32 @p2 $0x1082  }
0x22: {  	[simem:s7], [sflag:s8] =	dma.local @!p0 [hbm:s6], $0xF7A  }
0x23: {  	s9 =	sor.u32 $0xD0000000, s2;
	s6 =	simm.s32 $0x108;
	_ =	swait.ge @!p0 [sflag:s8], $0x0  }
0x24: {  	s3 =	sadd.s32 $0x88, s3;
	s6 =	simm.s32 @!p1 $0x1082;
	[sflag:s4] =	ssyncset.s32 $0xFFFFF086  }
0x25: {  	[simem:s6], [sflag:s4] =	dma.local [hbm:s3], $0xF7A  }
0x26: {  	[smem:$0x3F9D] =	sst s1;
	(tag) =	ssettag s2;
	_ =	strace s9  }
0x27: {  	s1 =	sld [smem:$0x3FAD]  }
0x28: {  	s2 =	sld [smem:$0x3FAE]  }
0x29: {  	s4 =	sld [smem:$0x3FB0]  }
0x2a: {  	p0 =	seq.s32 s5, $0x0;
	s5 =	sld [smem:$0x3FB1]  }
0x2b: {  	s6 =	sld [smem:$0x3FB2]  }
0x2c: {  	s7 =	sld [smem:$0x3FB3]  }
0x2d: {  	s3 =	simm.s32 $0x108;
	s8 =	sld [smem:$0x3FB4]  }
0x2e: {  	s3 =	simm.s32 @!p0 $0x1082;
	s9 =	sld [smem:$0x3FB5]  }
0x2f: {  	lr =	sadd.s32 s0, s3;
	s0 =	sld [smem:$0x3FAC]  }
0x30: {  	s3 =	sld [smem:$0x3FAF]  }
0x31: {  	[smem:$0x3FB8] =	sst s10  }
0x32: {  	s10 =	sld [smem:$0x3FB6];
	_ =	sdelay $0x3  }
0x33: {  	p0 =	seq.s32 s10, $0x1;
	s10 =	sld [smem:$0x3FB8];
	_ =	sdelay $0x3  }
0x34: {  	[smem:$0x3FB8] =	sst s10  }
0x35: {  	s10 =	sld [smem:$0x3FB7];
	_ =	sdelay $0x3  }
0x36: {  	p1 =	seq.s32 s10, $0x1;
	s10 =	sld [smem:$0x3FB8];
	_ =	sdelay $0x3  }
0x37: {  	[smem:$0x3FB8] =	sst s10  }
0x38: {  	s10 =	sld [smem:$0x3FB9]  }
0x39: {  	_ = 	snop;
	(pc) =	sbr.ind lr, $3  }
0x3a: {  	_ = 	snop  }
0x3b: {  	_ = 	snop  }
0x3c: {  	p2 =	seq.s32 s10, $0x1;
	s10 =	sld [smem:$0x3FB8]  }
0x3d: {  	_ =	shalt  }
0x3e: {  	_ =	shalt  }
0x3f: {  	_ =	shalt  }
0x40: {  	_ =	shalt  }
0x41: {  	_ =	shalt  }
0x42: {  	_ =	shalt  }
0x43: {  	_ =	shalt  }
0x44: {  	_ =	shalt  }
0x45: {  	_ =	shalt  }
0x46: {  	_ =	shalt  }
0x47: {  	_ =	shalt  }
0x48: {  	_ =	shalt  }
0x49: {  	_ =	shalt  }
0x4a: {  	_ =	shalt  }
0x4b: {  	_ =	shalt  }
0x4c: {  	_ =	shalt  }
0x4d: {  	_ =	shalt  }
0x4e: {  	_ =	shalt  }
0x4f: {  	_ =	shalt  }
0x50: {  	_ =	shalt  }
0x51: {  	_ =	shalt  }
0x52: {  	_ =	shalt  }
0x53: {  	_ =	shalt  }
0x54: {  	_ =	shalt  }
0x55: {  	_ =	shalt  }
0x56: {  	_ =	shalt  }
0x57: {  	_ =	shalt  }
0x58: {  	_ =	shalt  }
0x59: {  	_ =	shalt  }
0x5a: {  	_ =	shalt  }
0x5b: {  	_ =	shalt  }
0x5c: {  	_ =	shalt  }
0x5d: {  	_ =	shalt  }
0x5e: {  	_ =	shalt  }
0x5f: {  	_ =	shalt  }
0x60: {  	_ =	shalt  }
0x61: {  	_ =	shalt  }
0x62: {  	_ =	shalt  }
0x63: {  	_ =	shalt  }
0x64: {  	_ =	shalt  }
0x65: {  	_ =	shalt  }
0x66: {  	_ =	shalt  }
0x67: {  	_ =	shalt  }
0x68: {  	_ =	shalt  }
0x69: {  	_ =	shalt  }
0x6a: {  	_ =	shalt  }
0x6b: {  	_ =	shalt  }
0x6c: {  	_ =	shalt  }
0x6d: {  	_ =	shalt  }
0x6e: {  	_ =	shalt  }
0x6f: {  	_ =	shalt  }
0x70: {  	_ =	shalt  }
0x71: {  	_ =	shalt  }
0x72: {  	_ =	shalt  }
0x73: {  	_ =	shalt  }
0x74: {  	_ =	shalt  }
0x75: {  	_ =	shalt  }
0x76: {  	_ =	shalt  }
0x77: {  	_ =	shalt  }
0x78: {  	_ =	shalt  }
0x79: {  	_ =	shalt  }
0x7a: {  	_ =	shalt  }
0x7b: {  	_ =	shalt  }
0x7c: {  	_ =	shalt  }
0x7d: {  	_ =	shalt  }
0x7e: {  	_ =	shalt  }
0x7f: {  	_ =	shalt  }
0x80: {  	_ =	shalt  }
0x81: {  	_ =	shalt  }
0x82: {  	_ =	shalt  }
0x83: {  	_ =	shalt  }
0x84: {  	_ =	shalt  }
0x85: {  	_ =	shalt  }
0x86: {  	_ =	shalt  }
0x87: {  	_ =	shalt  }
.Lfunc_end0:
.L_simem_size_0:
called_computation.3_lowered:
.L_overlay_start_0:
0x88: {  	s2 =	sld [smem:$0x3FD9]  }
0x89: {  	s3 =	sld [smem:$0x3FFE];
	_ =	sdelay $0x1  }
0x8a: {  	s1 =	srdreg.scid  }
0x8b: {  	s0 =	sand.u32 $0x1, s1  }
0x8c: {  	s17 =	sshll.u32 s0, $0xA;
	s2 =	sadd.s32 s3, s2  }
0x8d: {  	s2 =	sadd.s32 s2, s17  }
0x8e: {  	[smem:$0x3FC4] =	sst s2  }
0x8f: {  	_ = 	snop  }
0x90: {  	(tm) =	ssettm $0x1  }
0x91: {  	s18 =	sld [smem:$0x3FFB];
	_ =	sdelay $0x3  }
0x92: {  	_ =	strace s18  }
0x93: {  	s2 =	sld [smem:$0x3FFC];
	_ =	sdelay $0x3  }
0x94: {  	_ =	strace s2  }
0x95: {  	s2 =	sld [smem:$0x3FFD];
	_ =	sdelay $0x3  }
0x96: {  	_ =	strace s2  }
0x97: {  	_ =	strace $0x8FFFFFFF  }
0x98: {  	s19 =	sld [smem:$0x3FDB];
	_ =	sdelay $0x1  }
0x99: {  	s20 =	simm.s32 $_scs_section_size  }
0x9a: {  	s4 =	simm.s32 $_size__tile_overlayer_lowered;
	s5 =	simm.s32 $_tile_overlayer_lowered  }
0x9b: {  	s6 =	simm.s32 $0x1BFF;
	s21 =	sshll.u32 s5, $0x1;
	s3 =	sadd.s32 s20, s19  }
0x9c: {  	s22 =	simm.s32 $0x0;
	s4 =	sshll.u32 s4, $0x1;
	s5 =	sadd.s32 s21, s3  }
0x9d: {  	[timem:s22], [sflag:s6] =	dma.local [hbm:s5], s4  }
0x9e: {  	_ =	swait.ge [sflag:s6], s4  }
0x9f: {  	s4 =	ssub.s32 $0x0, s4;
	[sflag:s6] =	ssyncset.done $0x0  }
0xa0: {  	[sflag:s6] =	ssyncadd.s32 s4;
	_ =	sdelay $0x1  }
0xa1: {  	s23 =	simm.s32 $0x1B8B  }
0xa2: {  	_ =	swait.ge [sflag:s23], $0x1  }
0xa3: {  	[sflag:s23] =	ssyncset.done $0x0  }
0xa4: {  	[sflag:s23] =	ssyncadd.s32 $0xFFFFFFFF  }
0xa5: {  	s4 =	sld [smem:$0x0]  }
0xa6: {  	s5 =	sand.u32 $0xFFFFFFFE, s1  }
0xa7: {  	p0 =	sne.s32 s1, s5  }
0xa8: {  	s5 =	sshll.u32 @p0 s5, $0xE  }
0xa9: {  	s5 =	sadd.s32 @p0 $0x11B8D, s5;
	s6 =	sshll.u32 @p0 s4, $0x11  }
0xaa: {  	s5 =	sor.u32 @p0 s6, s5  }
0xab: {  	[sflag:s5] =	ssyncadd.remote.s32 @p0 $0x1;
	_ =	sdelay $0x1  }
0xac: {  	s5 =	simm.s32 @p0 $0x1B8D  }
0xad: {  	_ =	swait.eq @p0 [sflag:s5], $0x1  }
0xae: {  	[sflag:s5] =	ssyncadd.s32 @p0 $0xFFFFFFFF  }
0xaf: {  	s6 =	sshll.u32 @!p0 s1, $0xE  }
0xb0: {  	s6 =	sor.u32 @!p0 $0x4000, s6;
	s5 =	simm.s32 @!p0 $0x1B8D  }
0xb1: {  	s4 =	sshll.u32 @!p0 s4, $0x11;
	s6 =	sadd.s32 @!p0 $0x11B8D, s6;
	_ =	swait.eq @!p0 [sflag:s5], $0x1  }
0xb2: {  	s4 =	sor.u32 @!p0 s4, s6;
	[sflag:s5] =	ssyncadd.s32 @!p0 $0xFFFFFFFF  }
0xb3: {  	s25 =	simm.s32 $0x1B8E;
	s24 =	sld [smem:$0x3FFE];
	[sflag:s4] =	ssyncadd.remote.s32 @!p0 $0x1  }
0xb4: {  	s26 =	simm.s32 $execute0_lowered;
	[smem:$0x3FD2] =	sst s25  }
0xb5: {  	s5 =	sshll.u32 s26, $0x1;
	_ =	strace $0x80000052;
	[dreg:$0x1] =	wrdreg $0xFFFFFFFF  }
0xb6: {  	s28 =	simm.s32 $_size_execute0_lowered;
	s3 =	sadd.s32 s3, s5;
	[dreg:$0x0] =	wrdreg $0x0  }
0xb7: {  	s5 =	sshll.u32 s28, $0x1;
	[dreg:$0x2] =	wrdreg s3  }
0xb8: {  	[dreg:$0x3] =	wrdreg s5  }
0xb9: {  	[dreg:$0x4] =	wrdreg $0xC0  }
0xba: {  	_ =	task [dreg:s22], $0x5FFFF  }
0xbb: {  	[dreg:$0x1] =	wrdreg $0xFFFFFFFF  }
0xbc: {  	[dreg:$0x0] =	wrdreg $0x60  }
0xbd: {  	[dreg:$0x2] =	wrdreg s24  }
0xbe: {  	[dreg:$0x3] =	wrdreg $0x6000  }
0xbf: {  	[dreg:$0x4] =	wrdreg $0xA  }
0xc0: {  	_ =	task.clear_ibuf [dreg:s22], $0x5FFFF;
	_ =	strace $0x90000052  }
0xc1: {  	s29 =	simm.s32 $0xA;
	_ =	strace $0x80000054  }
0xc2: {  	_ =	swait.ge [sflag:s29], $0x1  }
0xc3: {  	[sflag:s29] =	ssyncadd.s32 $0xFFFFFFFF  }
0xc4: {  	_ =	strace $0x90000054  }
0xc5: {  	_ =	sfence  }
0xc6: {  	s30 =	sld [smem:$0x0];
	_ =	sdelay $0x2  }
0xc7: {  	s31 =	sshll.u32 s1, $0xD;
	s1 =	sshrl.u32 s1, $0x2  }
0xc8: {  	s4 =	sand.u32 $0x4000, s31;
	s1 =	sadd.s32 s1, s30  }
0xc9: {  	s0 =	sor.u32 s4, s0;
	s1 =	sshll.u32 s1, $0x11  }
0xca: {  	s0 =	sor.u32 s1, s0  }
0xcb: {  	s0 =	sadd.s32 $0x8F2B, s0  }
0xcc: {  	[sflag:s0] =	ssyncadd.remote.s32 $0x1  }
0xcd: {  	_ =	sfence.sel $0xFFFF  }
0xce: {  	[dreg:$0x0] =	wrdreg $0xFFFFFFFF;
	(pc) =	sbr.abs _section_cstart, $3  }
0xcf: {  	[dreg:$0x1] =	wrdreg $0xFFFFFFFF  }
0xd0: {  	_ =	task.clear_ibuf [dreg:s22], $0x2FFFF;
	_ =	strace $0x9FFFFFFF  }
0xd1: {  	(tm) =	ssettm $0x7FFFFFFF  }
tec
execute0_lowered:
.L_overlay_start_1:
0x0: {  	(tag) =	ssettag $0x1  }
0x1: {  	s3 =	rddreg [dreg:$0x0]  }
0x2: {  	s1 =	rddreg [dreg:$0x1]  }
0x3: {  	s0 =	rddreg [dreg:$0x2];
	s2 =	simm.s32 $0x0;
	s4 =	srdreg.scid  }
0x4: {  	s6 =	stileid.u32;
	[smem:$0x7FF] =	sst s2  }
0x5: {  	s4 =	sand.u32 $0x1, s4;
	s8 =	sshll.u32 s6, $0x6;
	p0 =	sne.s32 s6, $0x0  }
0x6: {  	s6 =	simm.s32 $0x1;
	_ =	strace $0x80000053;
	s5 =	sshll.u32 s4, $0x5  }
0x7: {  	s7 =	ssub.s32 $0x2, s4;
	s4 =	sshll.u32 s4, $0x4;
	s5 =	sadd.s32 s5, s3  }
0x8: {  	s31 =	sshrl.u32 s7, $0x1;
	s4 =	sadd.s32 s4, s3;
	s5 =	sadd.s32 s8, s5  }
0x9: {  	s7 =	ssub.s32 s7, s31;
	s4 =	sadd.s32 $0x3E00, s4;
	s8 =	simm.s32 $0x0  }
0xa: {  	v0 =	vimm.f32 $0.0e+00;
	v1 =	vimm.f32 $1.000000000e+00;
	s3 =	sadd.s32 $0x2E00, s5;
	s5 =	smax.u32 s7, $0x1;
	s7 =	sshrl.u32 @!p0 s1, $0x3  }
.LBB2_1:
0xb: {  	[tilespmem:s2], [sflag:$0x1] =	stream.linear.gather [hbm4b:s3+s2], $0x100, $0x38;
	[tilespmem:$0x640] =	vst v63  }
0xc: {  	_ =	swait.ge [sflag:s6], $0x100  }
0xd: {  	[sflag:s6] =	ssyncset.done $0x0  }
0xe: {  	s9 =	simm.s32 $0x40;
	s10 =	simm.s32 $0x0;
	[sflag:s6] =	ssyncadd.s32 $0xFFFFFF00  }
.LBB2_2:
0xf: {  	p1 =	sne.s32 s9, $0xFC0;
	[tilespmem:s10+$0x100] =	vst v0;
	s10 =	smov.u32 s9;
	s9 =	sadd.s32 $0x40, s9  }
.Ltmp0:
0x10: {  	(pc) =	sbr.rel @p1 .LBB2_2-.Ltmp0, $2  }
0x11: {  	_ =	sdelay $0x2  }
0x12: {  	s10 =	sshra.s32 s10, $0x2  }
0x13: {  	[tilespmem:s10+$0x100] =	vst v0  }
0x14: {  	[tilespmem:$0x500] =	vst v1  }
0x15: {  	[tilespmem:$0x510] =	vst v1  }
0x16: {  	[tilespmem:$0x520] =	vst v1  }
0x17: {  	[tilespmem:$0x530] =	vst v1  }
0x18: {  	[tilespmem:$0x540] =	vst v1  }
0x19: {  	[tilespmem:$0x550] =	vst v1  }
0x1a: {  	[tilespmem:$0x560] =	vst v1  }
0x1b: {  	[tilespmem:$0x570] =	vst v1  }
0x1c: {  	[tilespmem:$0x580] =	vst v1  }
0x1d: {  	[tilespmem:$0x590] =	vst v1  }
0x1e: {  	[tilespmem:$0x5A0] =	vst v1  }
0x1f: {  	[tilespmem:$0x5B0] =	vst v1  }
0x20: {  	[tilespmem:$0x5C0] =	vst v1  }
0x21: {  	[tilespmem:$0x5D0] =	vst v1  }
0x22: {  	[tilespmem:$0x5E0] =	vst v1  }
0x23: {  	s9 =	simm.s32 @p0 $0x100;
	[tilespmem:$0x5F0] =	vst v1  }
0x24: {  	s10 =	simm.s32 @p0 $0x0;
	s11 =	simm.s32 @p0 $0x500;
	[bflag:$0x0] =	sbarrier.arrive @p0 $0xFFFF  }
0x25: {  	[spmem:s1] =	stream.indirect.scatter.add.f32 @p0 [tilespmem:s11], [sflag:$0x1], $0x1, s10, s9, $0xb8;
	[tilespmem:$0x640] =	vst v63  }
0x26: {  	s9 =	simm.s32 @p0 $0x1  }
0x27: {  	_ =	swait.ge @p0 [sflag:s9], $0x100  }
0x28: {  	[sflag:s9] =	ssyncset.done @p0 $0x0  }
0x29: {  	[sflag:s9] =	ssyncadd.s32 @p0 $0xFFFFFF00  }
0x2a: {  	s10 =	simm.s32 @!p0 $0x1;
	s9 =	simm.s32 @!p0 $0x100;
	[bflag:$0x0] =	sbarrier.arrive @p0 $0xFFFF  }
0x2b: {  	[spmem:s1] =	stream.linear.scatter @!p0 [tilespmem:s9], [sflag:$0x1], $0x400, $0x38;
	[tilespmem:$0x640] =	vst v63  }
0x2c: {  	_ =	swait.ge @!p0 [sflag:s10], $0x400  }
0x2d: {  	[sflag:s10] =	ssyncset.done @!p0 $0x0  }
0x2e: {  	[sflag:s10] =	ssyncadd.s32 @!p0 $0xFFFFFC00  }
0x2f: {  	s12 =	simm.s32 @!p0 $0x500;
	s11 =	simm.s32 @!p0 $0x0;
	[bflag:$0x0] =	sbarrier.arrive @!p0 $0xFFFF  }
0x30: {  	[spmem:s1] =	stream.indirect.scatter.add.f32 @!p0 [tilespmem:s12], [sflag:$0x1], $0x1, s11, s9, $0xb8;
	[tilespmem:$0x640] =	vst v63  }
0x31: {  	s8 =	sadd.s32 $0x1, s8;
	_ =	swait.ge @!p0 [sflag:s10], $0x100  }
0x32: {  	p1 =	sne.s32 s8, s5;
	[sflag:s10] =	ssyncset.done @!p0 $0x0  }
0x33: {  	s9 =	simm.s32 @!p0 $0x20;
	s11 =	simm.s32 @!p0 $0x10;
	[sflag:s10] =	ssyncadd.s32 @!p0 $0xFFFFFF00  }
.Ltmp1:
0x34: {  	s12 =	simm.s32 @!p0 $0x1C01;
	[bflag:$0x0] =	sbarrier.arrive @!p0 $0xFFFF;
	(pc) =	sbr.rel @p1 .LBB2_1-.Ltmp1, $4  }
0x35: {  	[hbm:s4@s9], [sflag:s12] =	dma.strided @!p0 [spmem:s7@s11], $0x80, s10, $0x10   }
0x36: {  	_ =	swait.ge @!p0 [sflag:s10], $0x80  }
0x37: {  	[sflag:s10] =	ssyncset.done @!p0 $0x0  }
0x38: {  	[sflag:s10] =	ssyncadd.s32 @!p0 $0xFFFFFF80  }
0x39: {  	_ =	sfence.sel $0x180000  }
0x3a: {  	[bflag:$0x0] =	sbarrier.arrive $0xFFFF  }
0x3b: {  	_ =	strace $0x90000053  }
0x3c: {  	s0 =	sadd.s32 @!p0 $0x100000, s0;
	[bflag:$0x2] =	sbarrier.arrive $0xFFFF  }
0x3d: {  	[sflag:s0] =	ssyncadd.tile.s32 @!p0 $0x1;
	_ =	shalt  }
.Lfunc_end2:
_tile_overlayer_lowered:
.L_overlay_start_2:
0x3e: {  	(tag) =	ssettag $0x2  }
0x3f: {  	s0 =	rddreg [dreg:$0x0];
	s2 =	stileid.u32  }
0x40: {  	s1 =	rddreg [dreg:$0x1];
	p0 =	sne.s32 s2, $0x0  }
0x41: {  	s3 =	rddreg [dreg:$0x2];
	[bflag:$0x3] =	sbarrier.arrive $0xFFFF;
	s2 =	simm.s32 @!p0 $0x1C01  }
0x42: {  	[timem:s3], [sflag:s2] =	dma.local @!p0 [hbm:s0], s1  }
0x43: {  	s0 =	simm.s32 @!p0 $0x1  }
0x44: {  	_ =	swait.ge @!p0 [sflag:s0], s1  }
0x45: {  	s1 =	ssub.s32 @!p0 $0x0, s1;
	[sflag:s0] =	ssyncset.done @!p0 $0x0  }
0x46: {  	[sflag:s0] =	ssyncadd.s32 @!p0 s1  }
0x47: {  	[bflag:$0x3] =	sbarrier.arrive $0xFFFF  }
0x48: {  	_ =	shalt  }

// kernel: kernel.25.cloned.1.call-start
scs
__scs_entry_jumppad:
0x0: {  	(pc) =	sbr.rel $0x88, $3  }
0x1: {  	(tag) =	ssettag $0x0;
	lr =	simm.s32 $0x1  }
0x2: {  	[smem:$0x3F9D] =	sst lr;
	_ =	strace $0xD0000000  }
0x3: {  	_ = 	snop  }
0x4: {  	_ = 	snop  }
0x5: {  	_ = 	snop  }
0x6: {  	_ = 	snop  }
0x7: {  	_ = 	snop  }
__scs_overlays_trampoline_lowered:
0x8: {  	[smem:$0x3FAC] =	sst s0  }
0x9: {  	[smem:$0x3FAD] =	sst s1  }
0xa: {  	[smem:$0x3FAE] =	sst s2  }
0xb: {  	[smem:$0x3FAF] =	sst s3  }
0xc: {  	[smem:$0x3FB0] =	sst s4  }
0xd: {  	[smem:$0x3FB1] =	sst s5  }
0xe: {  	[smem:$0x3FB2] =	sst s6  }
0xf: {  	[smem:$0x3FB3] =	sst s7  }
0x10: {  	[smem:$0x3FB4] =	sst s8  }
0x11: {  	[smem:$0x3FB5] =	sst s9;
	s0 =	simm.s32 @!p0 $0x0  }
0x12: {  	s1 =	sld [smem:$0x3F9B];
	s0 =	simm.s32 @p0 $0x1  }
0x13: {  	[smem:$0x3FB6] =	sst s0;
	s0 =	simm.s32 @!p1 $0x0  }
0x14: {  	s2 =	sld [smem:$0x3F9A];
	s0 =	simm.s32 @p1 $0x1  }
0x15: {  	[smem:$0x3FB7] =	sst s0;
	s0 =	simm.s32 @!p2 $0x0  }
0x16: {  	s3 =	sld [smem:$0x3FDB];
	s0 =	simm.s32 @p2 $0x1  }
0x17: {  	s4 =	simm.s32 $0x1BF5;
	[smem:$0x3FB9] =	sst s0  }
0x18: {  	s0 =	sld [smem:$0x3F9C];
	_ =	swait.ge [sflag:s4], $0x0  }
0x19: {  	s7 =	sld [smem:$0x3F9D]  }
0x1a: {  	s8 =	sadd.s32 $0xFFFFE003, lr  }
0x1b: {  	s9 =	sadd.s32 $0xFFFFFEF7, lr;
	s5 =	simm.s32 $0xFFFFFFFF;
	p2 =	slt.u32 s8, $0xFFFFF086  }
0x1c: {  	p1 =	slt.u32 s9, $0xF7A;
	s5 =	simm.s32 @!p2 $0x0  }
0x1d: {  	s5 =	simm.s32 @p1 $0x1;
	p0 =	seq.s32 s7, s2  }
0x1e: {  	s7 =	smul.u32 @!p0 $0xF7A, s2;
	p2 =	seq.s32 @!p0 s5, $0x0  }
0x1f: {  	s9 =	smul.u32 $0xF7A, s1;
	s8 =	simm.s32 @!p0 $0x1BF5;
	p2 =	por !p2, p0  }
0x20: {  	[sflag:s8] =	ssyncset.s32 @!p0 $0xFFFFF086;
	s6 =	sadd.s32 @!p0 s3, s7;
	s7 =	simm.s32 @!p0 $0x108  }
0x21: {  	s3 =	sadd.s32 s3, s9;
	s6 =	sadd.s32 @!p0 $0x88, s6;
	s7 =	simm.s32 @p2 $0x1082  }
0x22: {  	[simem:s7], [sflag:s8] =	dma.local @!p0 [hbm:s6], $0xF7A  }
0x23: {  	s9 =	sor.u32 $0xD0000000, s2;
	s6 =	simm.s32 $0x108;
	_ =	swait.ge @!p0 [sflag:s8], $0x0  }
0x24: {  	s3 =	sadd.s32 $0x88, s3;
	s6 =	simm.s32 @!p1 $0x1082;
	[sflag:s4] =	ssyncset.s32 $0xFFFFF086  }
0x25: {  	[simem:s6], [sflag:s4] =	dma.local [hbm:s3], $0xF7A  }
0x26: {  	[smem:$0x3F9D] =	sst s1;
	(tag) =	ssettag s2;
	_ =	strace s9  }
0x27: {  	s1 =	sld [smem:$0x3FAD]  }
0x28: {  	s2 =	sld [smem:$0x3FAE]  }
0x29: {  	s4 =	sld [smem:$0x3FB0]  }
0x2a: {  	p0 =	seq.s32 s5, $0x0;
	s5 =	sld [smem:$0x3FB1]  }
0x2b: {  	s6 =	sld [smem:$0x3FB2]  }
0x2c: {  	s7 =	sld [smem:$0x3FB3]  }
0x2d: {  	s3 =	simm.s32 $0x108;
	s8 =	sld [smem:$0x3FB4]  }
0x2e: {  	s3 =	simm.s32 @!p0 $0x1082;
	s9 =	sld [smem:$0x3FB5]  }
0x2f: {  	lr =	sadd.s32 s0, s3;
	s0 =	sld [smem:$0x3FAC]  }
0x30: {  	s3 =	sld [smem:$0x3FAF]  }
0x31: {  	[smem:$0x3FB8] =	sst s10  }
0x32: {  	s10 =	sld [smem:$0x3FB6];
	_ =	sdelay $0x3  }
0x33: {  	p0 =	seq.s32 s10, $0x1;
	s10 =	sld [smem:$0x3FB8];
	_ =	sdelay $0x3  }
0x34: {  	[smem:$0x3FB8] =	sst s10  }
0x35: {  	s10 =	sld [smem:$0x3FB7];
	_ =	sdelay $0x3  }
0x36: {  	p1 =	seq.s32 s10, $0x1;
	s10 =	sld [smem:$0x3FB8];
	_ =	sdelay $0x3  }
0x37: {  	[smem:$0x3FB8] =	sst s10  }
0x38: {  	s10 =	sld [smem:$0x3FB9]  }
0x39: {  	_ = 	snop;
	(pc) =	sbr.ind lr, $3  }
0x3a: {  	_ = 	snop  }
0x3b: {  	_ = 	snop  }
0x3c: {  	p2 =	seq.s32 s10, $0x1;
	s10 =	sld [smem:$0x3FB8]  }
0x3d: {  	_ =	shalt  }
0x3e: {  	_ =	shalt  }
0x3f: {  	_ =	shalt  }
0x40: {  	_ =	shalt  }
0x41: {  	_ =	shalt  }
0x42: {  	_ =	shalt  }
0x43: {  	_ =	shalt  }
0x44: {  	_ =	shalt  }
0x45: {  	_ =	shalt  }
0x46: {  	_ =	shalt  }
0x47: {  	_ =	shalt  }
0x48: {  	_ =	shalt  }
0x49: {  	_ =	shalt  }
0x4a: {  	_ =	shalt  }
0x4b: {  	_ =	shalt  }
0x4c: {  	_ =	shalt  }
0x4d: {  	_ =	shalt  }
0x4e: {  	_ =	shalt  }
0x4f: {  	_ =	shalt  }
0x50: {  	_ =	shalt  }
0x51: {  	_ =	shalt  }
0x52: {  	_ =	shalt  }
0x53: {  	_ =	shalt  }
0x54: {  	_ =	shalt  }
0x55: {  	_ =	shalt  }
0x56: {  	_ =	shalt  }
0x57: {  	_ =	shalt  }
0x58: {  	_ =	shalt  }
0x59: {  	_ =	shalt  }
0x5a: {  	_ =	shalt  }
0x5b: {  	_ =	shalt  }
0x5c: {  	_ =	shalt  }
0x5d: {  	_ =	shalt  }
0x5e: {  	_ =	shalt  }
0x5f: {  	_ =	shalt  }
0x60: {  	_ =	shalt  }
0x61: {  	_ =	shalt  }
0x62: {  	_ =	shalt  }
0x63: {  	_ =	shalt  }
0x64: {  	_ =	shalt  }
0x65: {  	_ =	shalt  }
0x66: {  	_ =	shalt  }
0x67: {  	_ =	shalt  }
0x68: {  	_ =	shalt  }
0x69: {  	_ =	shalt  }
0x6a: {  	_ =	shalt  }
0x6b: {  	_ =	shalt  }
0x6c: {  	_ =	shalt  }
0x6d: {  	_ =	shalt  }
0x6e: {  	_ =	shalt  }
0x6f: {  	_ =	shalt  }
0x70: {  	_ =	shalt  }
0x71: {  	_ =	shalt  }
0x72: {  	_ =	shalt  }
0x73: {  	_ =	shalt  }
0x74: {  	_ =	shalt  }
0x75: {  	_ =	shalt  }
0x76: {  	_ =	shalt  }
0x77: {  	_ =	shalt  }
0x78: {  	_ =	shalt  }
0x79: {  	_ =	shalt  }
0x7a: {  	_ =	shalt  }
0x7b: {  	_ =	shalt  }
0x7c: {  	_ =	shalt  }
0x7d: {  	_ =	shalt  }
0x7e: {  	_ =	shalt  }
0x7f: {  	_ =	shalt  }
0x80: {  	_ =	shalt  }
0x81: {  	_ =	shalt  }
0x82: {  	_ =	shalt  }
0x83: {  	_ =	shalt  }
0x84: {  	_ =	shalt  }
0x85: {  	_ =	shalt  }
0x86: {  	_ =	shalt  }
0x87: {  	_ =	shalt  }
.Lfunc_end0:
.L_simem_size_0:
called_computation.4_lowered:
.L_overlay_start_0:
0x88: {  	s2 =	sld [smem:$0x3FD9]  }
0x89: {  	s3 =	sld [smem:$0x3FFE];
	_ =	sdelay $0x1  }
0x8a: {  	s1 =	srdreg.scid  }
0x8b: {  	s0 =	sand.u32 $0x1, s1  }
0x8c: {  	s14 =	sshll.u32 s0, $0xA;
	s2 =	sadd.s32 s3, s2  }
0x8d: {  	s2 =	sadd.s32 s2, s14  }
0x8e: {  	[smem:$0x3FC4] =	sst s2  }
0x8f: {  	_ = 	snop  }
0x90: {  	s2 =	sld [smem:$0x3FD0];
	_ =	sdelay $0x2  }
0x91: {  	s4 =	simm.s32 $0xD;
	s5 =	simm.s32 $0x10;
	s15 =	sld [smem:$0x3FC6]  }
0x92: {  	[smem:s5], [sflag:s4] =	dma.local [hbm:s2], $0x1  }
0x93: {  	_ =	swait.eq [sflag:s4], $0x1  }
0x94: {  	[sflag:s4] =	ssyncset.done $0x0  }
0x95: {  	[sflag:s4] =	ssyncadd.s32 $0xFFFFFFFF  }
0x96: {  	s16 =	sld [smem:$0x10];
	(tm) =	ssettm $0x1  }
0x97: {  	s17 =	sld [smem:$0x3FFB];
	_ =	sdelay $0x3  }
0x98: {  	_ =	strace s17  }
0x99: {  	s4 =	sld [smem:$0x3FFC];
	_ =	sdelay $0x3  }
0x9a: {  	_ =	strace s4  }
0x9b: {  	s4 =	sld [smem:$0x3FFD];
	_ =	sdelay $0x3  }
0x9c: {  	_ =	strace s4  }
0x9d: {  	_ =	strace $0x8FFFFFFF  }
0x9e: {  	s18 =	sld [smem:$0x3FDB];
	_ =	sdelay $0x1  }
0x9f: {  	s19 =	simm.s32 $_scs_section_size  }
0xa0: {  	s6 =	simm.s32 $_size__tile_overlayer_lowered;
	s7 =	simm.s32 $_tile_overlayer_lowered  }
0xa1: {  	s22 =	simm.s32 $0x1BFF;
	s21 =	sshll.u32 s7, $0x1;
	s4 =	sadd.s32 s19, s18  }
0xa2: {  	s8 =	simm.s32 $0x0;
	s20 =	sshll.u32 s6, $0x1;
	s6 =	sadd.s32 s21, s4  }
0xa3: {  	[timem:s8], [sflag:s22] =	dma.local [hbm:s6], s20  }
0xa4: {  	_ =	swait.ge [sflag:s22], s20  }
0xa5: {  	s5 =	ssub.s32 $0x0, s20;
	[sflag:s22] =	ssyncset.done $0x0  }
0xa6: {  	[sflag:s22] =	ssyncadd.s32 s5;
	_ =	sdelay $0x1  }
0xa7: {  	s23 =	simm.s32 $0x1B8B  }
0xa8: {  	_ =	swait.ge [sflag:s23], $0x1  }
0xa9: {  	[sflag:s23] =	ssyncset.done $0x0  }
0xaa: {  	s25 =	simm.s32 $0x1B8E;
	s24 =	sld [smem:$0x3FFE];
	[sflag:s23] =	ssyncadd.s32 $0xFFFFFFFF  }
0xab: {  	s26 =	simm.s32 $execute0_lowered;
	[smem:$0x3FD2] =	sst s25  }
0xac: {  	s6 =	sshll.u32 s26, $0x1;
	_ =	strace $0x8000004C;
	[dreg:$0x1] =	wrdreg $0xFFFFFFFF  }
0xad: {  	s28 =	simm.s32 $_size_execute0_lowered;
	s4 =	sadd.s32 s4, s6;
	[dreg:$0x0] =	wrdreg $0x0  }
0xae: {  	s6 =	sshll.u32 s28, $0x1;
	[dreg:$0x2] =	wrdreg s4  }
0xaf: {  	[dreg:$0x3] =	wrdreg s6  }
0xb0: {  	[dreg:$0x4] =	wrdreg $0xC0  }
0xb1: {  	_ =	task [dreg:s8], $0x5FFFF  }
0xb2: {  	[dreg:$0x1] =	wrdreg $0xFFFFFFFF  }
0xb3: {  	[dreg:$0x0] =	wrdreg $0x60  }
0xb4: {  	[dreg:$0x2] =	wrdreg s15  }
0xb5: {  	[dreg:$0x3] =	wrdreg s24  }
0xb6: {  	[dreg:$0x4] =	wrdreg s16  }
0xb7: {  	[dreg:$0x5] =	wrdreg $0xB  }
0xb8: {  	_ =	task.clear_ibuf [dreg:s8], $0x6FFFF;
	_ =	strace $0x9000004C  }
0xb9: {  	s29 =	simm.s32 $0xB;
	_ =	strace $0x8000004E  }
0xba: {  	_ =	swait.ge [sflag:s29], $0x1  }
0xbb: {  	[sflag:s29] =	ssyncadd.s32 $0xFFFFFFFF  }
0xbc: {  	_ =	strace $0x9000004E  }
0xbd: {  	_ =	sfence  }
0xbe: {  	s30 =	sld [smem:$0x0];
	_ =	sdelay $0x2  }
0xbf: {  	s31 =	sshll.u32 s1, $0xD;
	s1 =	sshrl.u32 s1, $0x2  }
0xc0: {  	s3 =	sand.u32 $0x4000, s31;
	s1 =	sadd.s32 s1, s30  }
0xc1: {  	s0 =	sor.u32 s3, s0;
	s1 =	sshll.u32 s1, $0x11  }
0xc2: {  	s0 =	sor.u32 s1, s0  }
0xc3: {  	s0 =	sadd.s32 $0x8F2B, s0  }
0xc4: {  	[sflag:s0] =	ssyncadd.remote.s32 $0x1  }
0xc5: {  	_ =	sfence.sel $0xFFFF  }
0xc6: {  	[dreg:$0x0] =	wrdreg $0xFFFFFFFF;
	(pc) =	sbr.abs _section_cstart, $3  }
0xc7: {  	[dreg:$0x1] =	wrdreg $0xFFFFFFFF  }
0xc8: {  	_ =	task.clear_ibuf [dreg:s8], $0x2FFFF;
	_ =	strace $0x9FFFFFFF  }
0xc9: {  	(tm) =	ssettm $0x7FFFFFFF  }
tec
execute0_lowered:
.L_overlay_start_1:
0x0: {  	(tag) =	ssettag $0x1  }
0x1: {  	s1 =	rddreg [dreg:$0x0]  }
0x2: {  	s2 =	srdreg.scid;
	s4 =	rddreg [dreg:$0x1]  }
0x3: {  	s0 =	stileid.u32;
	s6 =	rddreg [dreg:$0x2];
	s19 =	simm.s32 $0x900  }
0x4: {  	s20 =	simm.s32 $0x1100;
	s21 =	simm.s32 $0x1900;
	s23 =	simm.s32 $0x2100  }
0x5: {  	s24 =	simm.s32 $0x2900;
	s25 =	simm.s32 $0x3100;
	s26 =	simm.s32 $0x3900  }
0x6: {  	s8 =	simm.s32 $0x4900;
	s9 =	simm.s32 $0x5100;
	s10 =	simm.s32 $0x5900  }
0x7: {  	s11 =	simm.s32 $0x6100;
	s12 =	simm.s32 $0x6900;
	s13 =	simm.s32 $0x7100  }
0x8: {  	s14 =	simm.s32 $0x7900;
	s15 =	simm.s32 $0x8100;
	s2 =	sand.u32 $0x1, s2  }
0x9: {  	s16 =	simm.s32 $0x8900;
	s3 =	sshll.u32 s0, $0x9;
	s5 =	sshll.u32 s2, $0x8  }
0xa: {  	s17 =	simm.s32 $0x9100;
	s5 =	sor.u32 s5, s3;
	s3 =	simm.s32 $0x0  }
0xb: {  	s28 =	simm.s32 $0xE100;
	s29 =	simm.s32 $0xE900;
	[smem:$0x7FF] =	sst s3  }
0xc: {  	s30 =	simm.s32 $0xF100;
	_ =	strace $0x8000004D;
	[dreg:$0x6] =	wrdreg s19  }
0xd: {  	s31 =	simm.s32 $0xF900;
	s2 =	ssub.s32 $0x2, s2;
	[dreg:$0x7] =	wrdreg s20  }
0xe: {  	s22 =	sshrl.u32 s2, $0x1;
	s7 =	sshrl.u32 s5, $0x3;
	[dreg:$0x8] =	wrdreg s21  }
0xf: {  	s5 =	sshll.u32 s5, $0x5;
	s2 =	ssub.s32 s2, s22;
	[dreg:$0x9] =	wrdreg s23  }
0x10: {  	s22 =	simm.s32 $0xB900;
	s4 =	sadd.s32 s7, s4;
	[dreg:$0xa] =	wrdreg s24  }
0x11: {  	s18 =	sadd.s32 s6, s5;
	s5 =	simm.s32 $0x2;
	[dreg:$0xb] =	wrdreg s25  }
0x12: {  	s6 =	simm.s32 $0x100;
	[dreg:$0xc] =	wrdreg s26;
	s19 =	simm.s32 $0xA100  }
0x13: {  	s20 =	simm.s32 $0xA900;
	s21 =	simm.s32 $0xB100;
	s23 =	simm.s32 $0xC100  }
0x14: {  	v2 =	vlaneseq.u32;
	s24 =	simm.s32 $0xC900;
	s25 =	simm.s32 $0xD100;
	s26 =	simm.s32 $0xD900  }
0x15: {  	vm0 =	vmmov $0xffff;
	v1 =	vshrl.u32 v2, $0x3;
	s4 =	sadd.s32 $0x3200, s4;
	[dreg:$0x5] =	wrdreg s18;
	s18 =	simm.s32 $0x9900  }
0x16: {  	v0 =	vand.u32 $0x7, v2;
	v2 =	vor.u32 $0x8, v2;
	v1 =	vmul.u32 $0x8, v1;
	[dreg:$0x4] =	wrdreg s4;
	s4 =	smax.u32 s2, $0x1;
	s2 =	simm.s32 $0x1  }
.LBB2_1:
0x17: {  	s0 =	rddreg [dreg:$0x4]  }
0x18: {  	[tilespmem:s3], [sflag:$0x2] =	stream.linear.gather [hbm4b:s0+s3], $0x100, $0x38;
	[tilespmem:$0x10100] =	vst v63  }
0x19: {  	_ =	swait.ge [sflag:s5], $0x100  }
0x1a: {  	[sflag:s5] =	ssyncset.done $0x0  }
0x1b: {  	[sflag:s5] =	ssyncadd.s32 $0xFFFFFF00  }
0x1c: {  	v3 =	vld [tilespmem:$0x0];
	_ =	sdelay $0x4  }
0x1d: {  	v4 =	vshll.u32 v3, $0x1  }
0x1e: {  	v3 =	vand.u32 $0x7, v3;
	v4 =	vand.u32 $0xFFFFFFF0, v4  }
0x1f: {  	v3 =	vor.u32 v3, v4  }
0x20: {  	v4 =	vperm.xlane v3, v0;
	_ =	sdelay $0x1  }
0x21: {  	v3 =	vperm.xlane v3, v2;
	v4 =	vadd.s32 v1, v4;
	_ =	sdelay $0x1  }
0x22: {  	v3 =	vadd.s32 v1, v3;
	_ =	sdelay $0x2  }
0x23: {  	[tilespmem:s6], [sflag:$0x1] =	stream.indirect_vreg.gather [hbm4b:s1+s3], $0x80, v4, vm0, $0xb8;
	[tilespmem:$0x10100] =	vst v63  }
0x24: {  	s7 =	rddreg [dreg:$0x6]  }
0x25: {  	[tilespmem:s7], [sflag:$0x1] =	stream.indirect_vreg.gather [hbm4b:s1+s3], $0x80, v3, vm0, $0xb8;
	[tilespmem:$0x10100] =	vst v63  }
0x26: {  	v3 =	vld [tilespmem:$0x10];
	_ =	sdelay $0x4  }
0x27: {  	v49 =	vshll.u32 v3, $0x1  }
0x28: {  	v3 =	vand.u32 $0x7, v3;
	v4 =	vand.u32 $0xFFFFFFF0, v49  }
0x29: {  	v3 =	vor.u32 v3, v4  }
0x2a: {  	v4 =	vperm.xlane v3, v0;
	_ =	sdelay $0x1  }
0x2b: {  	v3 =	vperm.xlane v3, v2;
	v4 =	vadd.s32 v1, v4;
	_ =	sdelay $0x1  }
0x2c: {  	v3 =	vadd.s32 v1, v3;
	_ =	sdelay $0x1  }
0x2d: {  	s0 =	rddreg [dreg:$0x7]  }
0x2e: {  	[tilespmem:s0], [sflag:$0x1] =	stream.indirect_vreg.gather [hbm4b:s1+s3], $0x80, v4, vm0, $0xb8;
	[tilespmem:$0x10100] =	vst v63  }
0x2f: {  	s7 =	rddreg [dreg:$0x8]  }
0x30: {  	[tilespmem:s7], [sflag:$0x1] =	stream.indirect_vreg.gather [hbm4b:s1+s3], $0x80, v3, vm0, $0xb8;
	[tilespmem:$0x10100] =	vst v63  }
0x31: {  	v3 =	vld [tilespmem:$0x20];
	_ =	sdelay $0x4  }
0x32: {  	v50 =	vshll.u32 v3, $0x1  }
0x33: {  	v3 =	vand.u32 $0x7, v3;
	v4 =	vand.u32 $0xFFFFFFF0, v50  }
0x34: {  	v3 =	vor.u32 v3, v4  }
0x35: {  	v4 =	vperm.xlane v3, v0;
	_ =	sdelay $0x1  }
0x36: {  	v3 =	vperm.xlane v3, v2;
	v4 =	vadd.s32 v1, v4;
	_ =	sdelay $0x1  }
0x37: {  	v3 =	vadd.s32 v1, v3;
	_ =	sdelay $0x1  }
0x38: {  	s0 =	rddreg [dreg:$0x9]  }
0x39: {  	[tilespmem:s0], [sflag:$0x1] =	stream.indirect_vreg.gather [hbm4b:s1+s3], $0x80, v4, vm0, $0xb8;
	[tilespmem:$0x10100] =	vst v63  }
0x3a: {  	s7 =	rddreg [dreg:$0xa]  }
0x3b: {  	[tilespmem:s7], [sflag:$0x1] =	stream.indirect_vreg.gather [hbm4b:s1+s3], $0x80, v3, vm0, $0xb8;
	[tilespmem:$0x10100] =	vst v63  }
0x3c: {  	v3 =	vld [tilespmem:$0x30];
	_ =	sdelay $0x4  }
0x3d: {  	v51 =	vshll.u32 v3, $0x1  }
0x3e: {  	v3 =	vand.u32 $0x7, v3;
	v4 =	vand.u32 $0xFFFFFFF0, v51  }
0x3f: {  	v3 =	vor.u32 v3, v4  }
0x40: {  	v4 =	vperm.xlane v3, v0;
	_ =	sdelay $0x1  }
0x41: {  	v3 =	vperm.xlane v3, v2;
	v4 =	vadd.s32 v1, v4;
	_ =	sdelay $0x1  }
0x42: {  	v3 =	vadd.s32 v1, v3;
	_ =	sdelay $0x1  }
0x43: {  	s0 =	rddreg [dreg:$0xb]  }
0x44: {  	[tilespmem:s0], [sflag:$0x1] =	stream.indirect_vreg.gather [hbm4b:s1+s3], $0x80, v4, vm0, $0xb8;
	[tilespmem:$0x10100] =	vst v63  }
0x45: {  	s7 =	rddreg [dreg:$0xc]  }
0x46: {  	[tilespmem:s7], [sflag:$0x1] =	stream.indirect_vreg.gather [hbm4b:s1+s3], $0x80, v3, vm0, $0xb8;
	[tilespmem:$0x10100] =	vst v63  }
0x47: {  	v3 =	vld [tilespmem:$0x40];
	_ =	sdelay $0x4  }
0x48: {  	v52 =	vshll.u32 v3, $0x1  }
0x49: {  	v3 =	vand.u32 $0x7, v3;
	v4 =	vand.u32 $0xFFFFFFF0, v52  }
0x4a: {  	v3 =	vor.u32 v3, v4  }
0x4b: {  	v4 =	vperm.xlane v3, v0;
	_ =	sdelay $0x1  }
0x4c: {  	v3 =	vperm.xlane v3, v2;
	v4 =	vadd.s32 v1, v4;
	_ =	sdelay $0x1  }
0x4d: {  	v3 =	vadd.s32 v1, v3;
	_ =	sdelay $0x1  }
0x4e: {  	s7 =	simm.s32 $0x4100  }
0x4f: {  	[tilespmem:s7], [sflag:$0x1] =	stream.indirect_vreg.gather [hbm4b:s1+s3], $0x80, v4, vm0, $0xb8;
	[tilespmem:$0x10100] =	vst v63  }
0x50: {  	_ = 	snop  }
0x51: {  	[tilespmem:s8], [sflag:$0x1] =	stream.indirect_vreg.gather [hbm4b:s1+s3], $0x80, v3, vm0, $0xb8;
	[tilespmem:$0x10100] =	vst v63  }
0x52: {  	v3 =	vld [tilespmem:$0x50];
	_ =	sdelay $0x4  }
0x53: {  	v53 =	vshll.u32 v3, $0x1  }
0x54: {  	v3 =	vand.u32 $0x7, v3;
	v4 =	vand.u32 $0xFFFFFFF0, v53  }
0x55: {  	v3 =	vor.u32 v3, v4  }
0x56: {  	v4 =	vperm.xlane v3, v0;
	_ =	sdelay $0x1  }
0x57: {  	v3 =	vperm.xlane v3, v2;
	v4 =	vadd.s32 v1, v4;
	_ =	sdelay $0x1  }
0x58: {  	v3 =	vadd.s32 v1, v3;
	_ =	sdelay $0x2  }
0x59: {  	[tilespmem:s9], [sflag:$0x1] =	stream.indirect_vreg.gather [hbm4b:s1+s3], $0x80, v4, vm0, $0xb8;
	[tilespmem:$0x10100] =	vst v63  }
0x5a: {  	_ = 	snop  }
0x5b: {  	[tilespmem:s10], [sflag:$0x1] =	stream.indirect_vreg.gather [hbm4b:s1+s3], $0x80, v3, vm0, $0xb8;
	[tilespmem:$0x10100] =	vst v63  }
0x5c: {  	v3 =	vld [tilespmem:$0x60];
	_ =	sdelay $0x4  }
0x5d: {  	v54 =	vshll.u32 v3, $0x1  }
0x5e: {  	v3 =	vand.u32 $0x7, v3;
	v4 =	vand.u32 $0xFFFFFFF0, v54  }
0x5f: {  	v3 =	vor.u32 v3, v4  }
0x60: {  	v4 =	vperm.xlane v3, v0;
	_ =	sdelay $0x1  }
0x61: {  	v3 =	vperm.xlane v3, v2;
	v4 =	vadd.s32 v1, v4;
	_ =	sdelay $0x1  }
0x62: {  	v3 =	vadd.s32 v1, v3;
	_ =	sdelay $0x2  }
0x63: {  	[tilespmem:s11], [sflag:$0x1] =	stream.indirect_vreg.gather [hbm4b:s1+s3], $0x80, v4, vm0, $0xb8;
	[tilespmem:$0x10100] =	vst v63  }
0x64: {  	_ = 	snop  }
0x65: {  	[tilespmem:s12], [sflag:$0x1] =	stream.indirect_vreg.gather [hbm4b:s1+s3], $0x80, v3, vm0, $0xb8;
	[tilespmem:$0x10100] =	vst v63  }
0x66: {  	v3 =	vld [tilespmem:$0x70];
	_ =	sdelay $0x4  }
0x67: {  	v55 =	vshll.u32 v3, $0x1  }
0x68: {  	v3 =	vand.u32 $0x7, v3;
	v4 =	vand.u32 $0xFFFFFFF0, v55  }
0x69: {  	v3 =	vor.u32 v3, v4  }
0x6a: {  	v4 =	vperm.xlane v3, v0;
	_ =	sdelay $0x1  }
0x6b: {  	v3 =	vperm.xlane v3, v2;
	v4 =	vadd.s32 v1, v4;
	_ =	sdelay $0x1  }
0x6c: {  	v3 =	vadd.s32 v1, v3;
	_ =	sdelay $0x2  }
0x6d: {  	[tilespmem:s13], [sflag:$0x1] =	stream.indirect_vreg.gather [hbm4b:s1+s3], $0x80, v4, vm0, $0xb8;
	[tilespmem:$0x10100] =	vst v63  }
0x6e: {  	_ = 	snop  }
0x6f: {  	[tilespmem:s14], [sflag:$0x1] =	stream.indirect_vreg.gather [hbm4b:s1+s3], $0x80, v3, vm0, $0xb8;
	[tilespmem:$0x10100] =	vst v63  }
0x70: {  	v3 =	vld [tilespmem:$0x80];
	_ =	sdelay $0x4  }
0x71: {  	v56 =	vshll.u32 v3, $0x1  }
0x72: {  	v3 =	vand.u32 $0x7, v3;
	v4 =	vand.u32 $0xFFFFFFF0, v56  }
0x73: {  	v3 =	vor.u32 v3, v4  }
0x74: {  	v4 =	vperm.xlane v3, v0;
	_ =	sdelay $0x1  }
0x75: {  	v3 =	vperm.xlane v3, v2;
	v4 =	vadd.s32 v1, v4;
	_ =	sdelay $0x1  }
0x76: {  	v3 =	vadd.s32 v1, v3;
	_ =	sdelay $0x2  }
0x77: {  	[tilespmem:s15], [sflag:$0x1] =	stream.indirect_vreg.gather [hbm4b:s1+s3], $0x80, v4, vm0, $0xb8;
	[tilespmem:$0x10100] =	vst v63  }
0x78: {  	_ = 	snop  }
0x79: {  	[tilespmem:s16], [sflag:$0x1] =	stream.indirect_vreg.gather [hbm4b:s1+s3], $0x80, v3, vm0, $0xb8;
	[tilespmem:$0x10100] =	vst v63  }
0x7a: {  	v3 =	vld [tilespmem:$0x90];
	_ =	sdelay $0x4  }
0x7b: {  	v57 =	vshll.u32 v3, $0x1  }
0x7c: {  	v3 =	vand.u32 $0x7, v3;
	v4 =	vand.u32 $0xFFFFFFF0, v57  }
0x7d: {  	v3 =	vor.u32 v3, v4  }
0x7e: {  	v4 =	vperm.xlane v3, v0;
	_ =	sdelay $0x1  }
0x7f: {  	v3 =	vperm.xlane v3, v2;
	v4 =	vadd.s32 v1, v4;
	_ =	sdelay $0x1  }
0x80: {  	v3 =	vadd.s32 v1, v3;
	_ =	sdelay $0x2  }
0x81: {  	[tilespmem:s17], [sflag:$0x1] =	stream.indirect_vreg.gather [hbm4b:s1+s3], $0x80, v4, vm0, $0xb8;
	[tilespmem:$0x10100] =	vst v63  }
0x82: {  	_ = 	snop  }
0x83: {  	[tilespmem:s18], [sflag:$0x1] =	stream.indirect_vreg.gather [hbm4b:s1+s3], $0x80, v3, vm0, $0xb8;
	[tilespmem:$0x10100] =	vst v63  }
0x84: {  	v3 =	vld [tilespmem:$0xA0];
	_ =	sdelay $0x4  }
0x85: {  	v58 =	vshll.u32 v3, $0x1  }
0x86: {  	v3 =	vand.u32 $0x7, v3;
	v4 =	vand.u32 $0xFFFFFFF0, v58  }
0x87: {  	v3 =	vor.u32 v3, v4  }
0x88: {  	v4 =	vperm.xlane v3, v0;
	_ =	sdelay $0x1  }
0x89: {  	v3 =	vperm.xlane v3, v2;
	v4 =	vadd.s32 v1, v4;
	_ =	sdelay $0x1  }
0x8a: {  	v3 =	vadd.s32 v1, v3;
	_ =	sdelay $0x2  }
0x8b: {  	[tilespmem:s19], [sflag:$0x1] =	stream.indirect_vreg.gather [hbm4b:s1+s3], $0x80, v4, vm0, $0xb8;
	[tilespmem:$0x10100] =	vst v63  }
0x8c: {  	_ = 	snop  }
0x8d: {  	[tilespmem:s20], [sflag:$0x1] =	stream.indirect_vreg.gather [hbm4b:s1+s3], $0x80, v3, vm0, $0xb8;
	[tilespmem:$0x10100] =	vst v63  }
0x8e: {  	v3 =	vld [tilespmem:$0xB0];
	_ =	sdelay $0x4  }
0x8f: {  	v59 =	vshll.u32 v3, $0x1  }
0x90: {  	v3 =	vand.u32 $0x7, v3;
	v4 =	vand.u32 $0xFFFFFFF0, v59  }
0x91: {  	v3 =	vor.u32 v3, v4  }
0x92: {  	v4 =	vperm.xlane v3, v0;
	_ =	sdelay $0x1  }
0x93: {  	v3 =	vperm.xlane v3, v2;
	v4 =	vadd.s32 v1, v4;
	_ =	sdelay $0x1  }
0x94: {  	v3 =	vadd.s32 v1, v3;
	_ =	sdelay $0x2  }
0x95: {  	[tilespmem:s21], [sflag:$0x1] =	stream.indirect_vreg.gather [hbm4b:s1+s3], $0x80, v4, vm0, $0xb8;
	[tilespmem:$0x10100] =	vst v63  }
0x96: {  	_ = 	snop  }
0x97: {  	[tilespmem:s22], [sflag:$0x1] =	stream.indirect_vreg.gather [hbm4b:s1+s3], $0x80, v3, vm0, $0xb8;
	[tilespmem:$0x10100] =	vst v63  }
0x98: {  	v3 =	vld [tilespmem:$0xC0];
	_ =	sdelay $0x4  }
0x99: {  	v60 =	vshll.u32 v3, $0x1  }
0x9a: {  	v3 =	vand.u32 $0x7, v3;
	v4 =	vand.u32 $0xFFFFFFF0, v60  }
0x9b: {  	v3 =	vor.u32 v3, v4  }
0x9c: {  	v4 =	vperm.xlane v3, v0;
	_ =	sdelay $0x1  }
0x9d: {  	v3 =	vperm.xlane v3, v2;
	v4 =	vadd.s32 v1, v4;
	_ =	sdelay $0x1  }
0x9e: {  	v3 =	vadd.s32 v1, v3;
	_ =	sdelay $0x2  }
0x9f: {  	[tilespmem:s23], [sflag:$0x1] =	stream.indirect_vreg.gather [hbm4b:s1+s3], $0x80, v4, vm0, $0xb8;
	[tilespmem:$0x10100] =	vst v63  }
0xa0: {  	_ = 	snop  }
0xa1: {  	[tilespmem:s24], [sflag:$0x1] =	stream.indirect_vreg.gather [hbm4b:s1+s3], $0x80, v3, vm0, $0xb8;
	[tilespmem:$0x10100] =	vst v63  }
0xa2: {  	v3 =	vld [tilespmem:$0xD0];
	_ =	sdelay $0x4  }
0xa3: {  	v61 =	vshll.u32 v3, $0x1  }
0xa4: {  	v3 =	vand.u32 $0x7, v3;
	v4 =	vand.u32 $0xFFFFFFF0, v61  }
0xa5: {  	v3 =	vor.u32 v3, v4  }
0xa6: {  	v4 =	vperm.xlane v3, v0;
	_ =	sdelay $0x1  }
0xa7: {  	v3 =	vperm.xlane v3, v2;
	v4 =	vadd.s32 v1, v4;
	_ =	sdelay $0x1  }
0xa8: {  	v3 =	vadd.s32 v1, v3;
	_ =	sdelay $0x2  }
0xa9: {  	[tilespmem:s25], [sflag:$0x1] =	stream.indirect_vreg.gather [hbm4b:s1+s3], $0x80, v4, vm0, $0xb8;
	[tilespmem:$0x10100] =	vst v63  }
0xaa: {  	_ = 	snop  }
0xab: {  	[tilespmem:s26], [sflag:$0x1] =	stream.indirect_vreg.gather [hbm4b:s1+s3], $0x80, v3, vm0, $0xb8;
	[tilespmem:$0x10100] =	vst v63  }
0xac: {  	v3 =	vld [tilespmem:$0xE0];
	_ =	sdelay $0x4  }
0xad: {  	v62 =	vshll.u32 v3, $0x1  }
0xae: {  	v3 =	vand.u32 $0x7, v3;
	v4 =	vand.u32 $0xFFFFFFF0, v62  }
0xaf: {  	v3 =	vor.u32 v3, v4  }
0xb0: {  	v4 =	vperm.xlane v3, v0;
	_ =	sdelay $0x1  }
0xb1: {  	v3 =	vperm.xlane v3, v2;
	v4 =	vadd.s32 v1, v4;
	_ =	sdelay $0x1  }
0xb2: {  	v3 =	vadd.s32 v1, v3;
	_ =	sdelay $0x2  }
0xb3: {  	[tilespmem:s28], [sflag:$0x1] =	stream.indirect_vreg.gather [hbm4b:s1+s3], $0x80, v4, vm0, $0xb8;
	[tilespmem:$0x10100] =	vst v63  }
0xb4: {  	_ = 	snop  }
0xb5: {  	[tilespmem:s29], [sflag:$0x1] =	stream.indirect_vreg.gather [hbm4b:s1+s3], $0x80, v3, vm0, $0xb8;
	[tilespmem:$0x10100] =	vst v63  }
0xb6: {  	v3 =	vld [tilespmem:$0xF0];
	_ =	sdelay $0x4  }
0xb7: {  	v63 =	vshll.u32 v3, $0x1  }
0xb8: {  	v3 =	vand.u32 $0x7, v3;
	v4 =	vand.u32 $0xFFFFFFF0, v63  }
0xb9: {  	v3 =	vor.u32 v3, v4  }
0xba: {  	v4 =	vperm.xlane v3, v0;
	_ =	sdelay $0x1  }
0xbb: {  	v3 =	vperm.xlane v3, v2;
	v4 =	vadd.s32 v1, v4;
	_ =	sdelay $0x1  }
0xbc: {  	v3 =	vadd.s32 v1, v3;
	_ =	sdelay $0x2  }
0xbd: {  	[tilespmem:s30], [sflag:$0x1] =	stream.indirect_vreg.gather [hbm4b:s1+s3], $0x80, v4, vm0, $0xb8;
	[tilespmem:$0x10100] =	vst v63  }
0xbe: {  	_ = 	snop  }
0xbf: {  	[tilespmem:s31], [sflag:$0x1] =	stream.indirect_vreg.gather [hbm4b:s1+s3], $0x80, v3, vm0, $0xb8;
	[tilespmem:$0x10100] =	vst v63  }
0xc0: {  	_ =	swait.ge [sflag:s2], $0x10000  }
0xc1: {  	p0 =	sne.s32 s4, $0x1;
	[sflag:s2] =	ssyncset.done $0x0  }
.Ltmp0:
0xc2: {  	s7 =	rddreg [dreg:$0x5];
	[sflag:s2] =	ssyncadd.s32 $0xFFFF0000;
	(pc) =	sbr.rel @p0 .LBB2_1-.Ltmp0, $4  }
0xc3: {  	[hbm4b:s7+s3] =	stream.linear.scatter [tilespmem:s6], [sflag:$0x2], $0x10000, $0x38;
	[tilespmem:$0x10100] =	vst v63  }
0xc4: {  	_ =	swait.ge [sflag:s5], $0x10000  }
0xc5: {  	[sflag:s5] =	ssyncset.done $0x0  }
0xc6: {  	s4 =	sadd.s32 $0xFFFFFFFF, s4;
	[sflag:s5] =	ssyncadd.s32 $0xFFFF0000  }
0xc7: {  	_ =	sfence.sel $0x180000  }
0xc8: {  	[bflag:$0x0] =	sbarrier.arrive $0xFFFF  }
0xc9: {  	_ =	strace $0x9000004D  }
0xca: {  	s0 =	stileid.u32;
	[bflag:$0x2] =	sbarrier.arrive $0xFFFF  }
0xcb: {  	p0 =	sne.s32 s0, $0x0;
	s0 =	rddreg [dreg:$0x3]  }
0xcc: {  	s0 =	sadd.s32 @!p0 $0x100000, s0  }
0xcd: {  	[sflag:s0] =	ssyncadd.tile.s32 @!p0 $0x1;
	_ =	shalt  }
.Lfunc_end2:
_tile_overlayer_lowered:
.L_overlay_start_2:
0xce: {  	(tag) =	ssettag $0x2  }
0xcf: {  	s0 =	rddreg [dreg:$0x0];
	s2 =	stileid.u32  }
0xd0: {  	s1 =	rddreg [dreg:$0x1];
	p0 =	sne.s32 s2, $0x0  }
0xd1: {  	s3 =	rddreg [dreg:$0x2];
	[bflag:$0x3] =	sbarrier.arrive $0xFFFF;
	s2 =	simm.s32 @!p0 $0x1C02  }
0xd2: {  	[timem:s3], [sflag:s2] =	dma.local @!p0 [hbm:s0], s1  }
0xd3: {  	s0 =	simm.s32 @!p0 $0x2  }
0xd4: {  	_ =	swait.ge @!p0 [sflag:s0], s1  }
0xd5: {  	s1 =	ssub.s32 @!p0 $0x0, s1;
	[sflag:s0] =	ssyncset.done @!p0 $0x0  }
0xd6: {  	[sflag:s0] =	ssyncadd.s32 @!p0 s1  }
0xd7: {  	[bflag:$0x3] =	sbarrier.arrive $0xFFFF  }
0xd8: {  	_ =	shalt  }

// kernel: kernel.28.cloned.1.call-start
scs
__scs_entry_jumppad:
0x0: {  	(pc) =	sbr.rel $0x88, $3  }
0x1: {  	(tag) =	ssettag $0x0;
	lr =	simm.s32 $0x1  }
0x2: {  	[smem:$0x3F9D] =	sst lr;
	_ =	strace $0xD0000000  }
0x3: {  	_ = 	snop  }
0x4: {  	_ = 	snop  }
0x5: {  	_ = 	snop  }
0x6: {  	_ = 	snop  }
0x7: {  	_ = 	snop  }
__scs_overlays_trampoline_lowered:
0x8: {  	[smem:$0x3FAC] =	sst s0  }
0x9: {  	[smem:$0x3FAD] =	sst s1  }
0xa: {  	[smem:$0x3FAE] =	sst s2  }
0xb: {  	[smem:$0x3FAF] =	sst s3  }
0xc: {  	[smem:$0x3FB0] =	sst s4  }
0xd: {  	[smem:$0x3FB1] =	sst s5  }
0xe: {  	[smem:$0x3FB2] =	sst s6  }
0xf: {  	[smem:$0x3FB3] =	sst s7  }
0x10: {  	[smem:$0x3FB4] =	sst s8  }
0x11: {  	[smem:$0x3FB5] =	sst s9;
	s0 =	simm.s32 @!p0 $0x0  }
0x12: {  	s1 =	sld [smem:$0x3F9B];
	s0 =	simm.s32 @p0 $0x1  }
0x13: {  	[smem:$0x3FB6] =	sst s0;
	s0 =	simm.s32 @!p1 $0x0  }
0x14: {  	s2 =	sld [smem:$0x3F9A];
	s0 =	simm.s32 @p1 $0x1  }
0x15: {  	[smem:$0x3FB7] =	sst s0;
	s0 =	simm.s32 @!p2 $0x0  }
0x16: {  	s3 =	sld [smem:$0x3FDB];
	s0 =	simm.s32 @p2 $0x1  }
0x17: {  	s4 =	simm.s32 $0x1BF5;
	[smem:$0x3FB9] =	sst s0  }
0x18: {  	s0 =	sld [smem:$0x3F9C];
	_ =	swait.ge [sflag:s4], $0x0  }
0x19: {  	s7 =	sld [smem:$0x3F9D]  }
0x1a: {  	s8 =	sadd.s32 $0xFFFFE003, lr  }
0x1b: {  	s9 =	sadd.s32 $0xFFFFFEF7, lr;
	s5 =	simm.s32 $0xFFFFFFFF;
	p2 =	slt.u32 s8, $0xFFFFF086  }
0x1c: {  	p1 =	slt.u32 s9, $0xF7A;
	s5 =	simm.s32 @!p2 $0x0  }
0x1d: {  	s5 =	simm.s32 @p1 $0x1;
	p0 =	seq.s32 s7, s2  }
0x1e: {  	s7 =	smul.u32 @!p0 $0xF7A, s2;
	p2 =	seq.s32 @!p0 s5, $0x0  }
0x1f: {  	s9 =	smul.u32 $0xF7A, s1;
	s8 =	simm.s32 @!p0 $0x1BF5;
	p2 =	por !p2, p0  }
0x20: {  	[sflag:s8] =	ssyncset.s32 @!p0 $0xFFFFF086;
	s6 =	sadd.s32 @!p0 s3, s7;
	s7 =	simm.s32 @!p0 $0x108  }
0x21: {  	s3 =	sadd.s32 s3, s9;
	s6 =	sadd.s32 @!p0 $0x88, s6;
	s7 =	simm.s32 @p2 $0x1082  }
0x22: {  	[simem:s7], [sflag:s8] =	dma.local @!p0 [hbm:s6], $0xF7A  }
0x23: {  	s9 =	sor.u32 $0xD0000000, s2;
	s6 =	simm.s32 $0x108;
	_ =	swait.ge @!p0 [sflag:s8], $0x0  }
0x24: {  	s3 =	sadd.s32 $0x88, s3;
	s6 =	simm.s32 @!p1 $0x1082;
	[sflag:s4] =	ssyncset.s32 $0xFFFFF086  }
0x25: {  	[simem:s6], [sflag:s4] =	dma.local [hbm:s3], $0xF7A  }
0x26: {  	[smem:$0x3F9D] =	sst s1;
	(tag) =	ssettag s2;
	_ =	strace s9  }
0x27: {  	s1 =	sld [smem:$0x3FAD]  }
0x28: {  	s2 =	sld [smem:$0x3FAE]  }
0x29: {  	s4 =	sld [smem:$0x3FB0]  }
0x2a: {  	p0 =	seq.s32 s5, $0x0;
	s5 =	sld [smem:$0x3FB1]  }
0x2b: {  	s6 =	sld [smem:$0x3FB2]  }
0x2c: {  	s7 =	sld [smem:$0x3FB3]  }
0x2d: {  	s3 =	simm.s32 $0x108;
	s8 =	sld [smem:$0x3FB4]  }
0x2e: {  	s3 =	simm.s32 @!p0 $0x1082;
	s9 =	sld [smem:$0x3FB5]  }
0x2f: {  	lr =	sadd.s32 s0, s3;
	s0 =	sld [smem:$0x3FAC]  }
0x30: {  	s3 =	sld [smem:$0x3FAF]  }
0x31: {  	[smem:$0x3FB8] =	sst s10  }
0x32: {  	s10 =	sld [smem:$0x3FB6];
	_ =	sdelay $0x3  }
0x33: {  	p0 =	seq.s32 s10, $0x1;
	s10 =	sld [smem:$0x3FB8];
	_ =	sdelay $0x3  }
0x34: {  	[smem:$0x3FB8] =	sst s10  }
0x35: {  	s10 =	sld [smem:$0x3FB7];
	_ =	sdelay $0x3  }
0x36: {  	p1 =	seq.s32 s10, $0x1;
	s10 =	sld [smem:$0x3FB8];
	_ =	sdelay $0x3  }
0x37: {  	[smem:$0x3FB8] =	sst s10  }
0x38: {  	s10 =	sld [smem:$0x3FB9]  }
0x39: {  	_ = 	snop;
	(pc) =	sbr.ind lr, $3  }
0x3a: {  	_ = 	snop  }
0x3b: {  	_ = 	snop  }
0x3c: {  	p2 =	seq.s32 s10, $0x1;
	s10 =	sld [smem:$0x3FB8]  }
0x3d: {  	_ =	shalt  }
0x3e: {  	_ =	shalt  }
0x3f: {  	_ =	shalt  }
0x40: {  	_ =	shalt  }
0x41: {  	_ =	shalt  }
0x42: {  	_ =	shalt  }
0x43: {  	_ =	shalt  }
0x44: {  	_ =	shalt  }
0x45: {  	_ =	shalt  }
0x46: {  	_ =	shalt  }
0x47: {  	_ =	shalt  }
0x48: {  	_ =	shalt  }
0x49: {  	_ =	shalt  }
0x4a: {  	_ =	shalt  }
0x4b: {  	_ =	shalt  }
0x4c: {  	_ =	shalt  }
0x4d: {  	_ =	shalt  }
0x4e: {  	_ =	shalt  }
0x4f: {  	_ =	shalt  }
0x50: {  	_ =	shalt  }
0x51: {  	_ =	shalt  }
0x52: {  	_ =	shalt  }
0x53: {  	_ =	shalt  }
0x54: {  	_ =	shalt  }
0x55: {  	_ =	shalt  }
0x56: {  	_ =	shalt  }
0x57: {  	_ =	shalt  }
0x58: {  	_ =	shalt  }
0x59: {  	_ =	shalt  }
0x5a: {  	_ =	shalt  }
0x5b: {  	_ =	shalt  }
0x5c: {  	_ =	shalt  }
0x5d: {  	_ =	shalt  }
0x5e: {  	_ =	shalt  }
0x5f: {  	_ =	shalt  }
0x60: {  	_ =	shalt  }
0x61: {  	_ =	shalt  }
0x62: {  	_ =	shalt  }
0x63: {  	_ =	shalt  }
0x64: {  	_ =	shalt  }
0x65: {  	_ =	shalt  }
0x66: {  	_ =	shalt  }
0x67: {  	_ =	shalt  }
0x68: {  	_ =	shalt  }
0x69: {  	_ =	shalt  }
0x6a: {  	_ =	shalt  }
0x6b: {  	_ =	shalt  }
0x6c: {  	_ =	shalt  }
0x6d: {  	_ =	shalt  }
0x6e: {  	_ =	shalt  }
0x6f: {  	_ =	shalt  }
0x70: {  	_ =	shalt  }
0x71: {  	_ =	shalt  }
0x72: {  	_ =	shalt  }
0x73: {  	_ =	shalt  }
0x74: {  	_ =	shalt  }
0x75: {  	_ =	shalt  }
0x76: {  	_ =	shalt  }
0x77: {  	_ =	shalt  }
0x78: {  	_ =	shalt  }
0x79: {  	_ =	shalt  }
0x7a: {  	_ =	shalt  }
0x7b: {  	_ =	shalt  }
0x7c: {  	_ =	shalt  }
0x7d: {  	_ =	shalt  }
0x7e: {  	_ =	shalt  }
0x7f: {  	_ =	shalt  }
0x80: {  	_ =	shalt  }
0x81: {  	_ =	shalt  }
0x82: {  	_ =	shalt  }
0x83: {  	_ =	shalt  }
0x84: {  	_ =	shalt  }
0x85: {  	_ =	shalt  }
0x86: {  	_ =	shalt  }
0x87: {  	_ =	shalt  }
.Lfunc_end0:
.L_simem_size_0:
called_computation.5_lowered:
.L_overlay_start_0:
0x88: {  	s2 =	sld [smem:$0x3FD9]  }
0x89: {  	s3 =	sld [smem:$0x3FFE];
	_ =	sdelay $0x1  }
0x8a: {  	s1 =	srdreg.scid  }
0x8b: {  	s0 =	sand.u32 $0x1, s1  }
0x8c: {  	s17 =	sshll.u32 s0, $0xA;
	s2 =	sadd.s32 s3, s2  }
0x8d: {  	s2 =	sadd.s32 s2, s17  }
0x8e: {  	[smem:$0x3FC4] =	sst s2  }
0x8f: {  	_ = 	snop  }
0x90: {  	(tm) =	ssettm $0x1  }
0x91: {  	s18 =	sld [smem:$0x3FFB];
	_ =	sdelay $0x3  }
0x92: {  	_ =	strace s18  }
0x93: {  	s2 =	sld [smem:$0x3FFC];
	_ =	sdelay $0x3  }
0x94: {  	_ =	strace s2  }
0x95: {  	s2 =	sld [smem:$0x3FFD];
	_ =	sdelay $0x3  }
0x96: {  	_ =	strace s2  }
0x97: {  	_ =	strace $0x8FFFFFFF  }
0x98: {  	s19 =	sld [smem:$0x3FDB];
	_ =	sdelay $0x1  }
0x99: {  	s20 =	simm.s32 $_scs_section_size  }
0x9a: {  	s4 =	simm.s32 $_size__tile_overlayer_lowered;
	s5 =	simm.s32 $_tile_overlayer_lowered  }
0x9b: {  	s6 =	simm.s32 $0x1BFF;
	s21 =	sshll.u32 s5, $0x1;
	s3 =	sadd.s32 s20, s19  }
0x9c: {  	s22 =	simm.s32 $0x0;
	s4 =	sshll.u32 s4, $0x1;
	s5 =	sadd.s32 s21, s3  }
0x9d: {  	[timem:s22], [sflag:s6] =	dma.local [hbm:s5], s4  }
0x9e: {  	_ =	swait.ge [sflag:s6], s4  }
0x9f: {  	s4 =	ssub.s32 $0x0, s4;
	[sflag:s6] =	ssyncset.done $0x0  }
0xa0: {  	[sflag:s6] =	ssyncadd.s32 s4;
	_ =	sdelay $0x1  }
0xa1: {  	s23 =	simm.s32 $0x1B8B  }
0xa2: {  	_ =	swait.ge [sflag:s23], $0x1  }
0xa3: {  	[sflag:s23] =	ssyncset.done $0x0  }
0xa4: {  	[sflag:s23] =	ssyncadd.s32 $0xFFFFFFFF  }
0xa5: {  	s4 =	sld [smem:$0x0]  }
0xa6: {  	s5 =	sand.u32 $0xFFFFFFFE, s1  }
0xa7: {  	p0 =	sne.s32 s1, s5  }
0xa8: {  	s5 =	sshll.u32 @p0 s5, $0xE  }
0xa9: {  	s5 =	sadd.s32 @p0 $0x11B8D, s5;
	s6 =	sshll.u32 @p0 s4, $0x11  }
0xaa: {  	s5 =	sor.u32 @p0 s6, s5  }
0xab: {  	[sflag:s5] =	ssyncadd.remote.s32 @p0 $0x1;
	_ =	sdelay $0x1  }
0xac: {  	s5 =	simm.s32 @p0 $0x1B8D  }
0xad: {  	_ =	swait.eq @p0 [sflag:s5], $0x1  }
0xae: {  	[sflag:s5] =	ssyncadd.s32 @p0 $0xFFFFFFFF  }
0xaf: {  	s6 =	sshll.u32 @!p0 s1, $0xE  }
0xb0: {  	s6 =	sor.u32 @!p0 $0x4000, s6;
	s5 =	simm.s32 @!p0 $0x1B8D  }
0xb1: {  	s4 =	sshll.u32 @!p0 s4, $0x11;
	s6 =	sadd.s32 @!p0 $0x11B8D, s6;
	_ =	swait.eq @!p0 [sflag:s5], $0x1  }
0xb2: {  	s4 =	sor.u32 @!p0 s4, s6;
	[sflag:s5] =	ssyncadd.s32 @!p0 $0xFFFFFFFF  }
0xb3: {  	s25 =	simm.s32 $0x1B8E;
	s24 =	sld [smem:$0x3FFE];
	[sflag:s4] =	ssyncadd.remote.s32 @!p0 $0x1  }
0xb4: {  	s26 =	simm.s32 $execute0_lowered;
	[smem:$0x3FD2] =	sst s25  }
0xb5: {  	s5 =	sshll.u32 s26, $0x1;
	_ =	strace $0x80000055;
	[dreg:$0x1] =	wrdreg $0xFFFFFFFF  }
0xb6: {  	s28 =	simm.s32 $_size_execute0_lowered;
	s3 =	sadd.s32 s3, s5;
	[dreg:$0x0] =	wrdreg $0x0  }
0xb7: {  	s5 =	sshll.u32 s28, $0x1;
	[dreg:$0x2] =	wrdreg s3  }
0xb8: {  	[dreg:$0x3] =	wrdreg s5  }
0xb9: {  	[dreg:$0x4] =	wrdreg $0xC0  }
0xba: {  	_ =	task [dreg:s22], $0x5FFFF  }
0xbb: {  	[dreg:$0x1] =	wrdreg $0xFFFFFFFF  }
0xbc: {  	[dreg:$0x0] =	wrdreg $0x60  }
0xbd: {  	[dreg:$0x2] =	wrdreg s24  }
0xbe: {  	[dreg:$0x3] =	wrdreg $0x4000  }
0xbf: {  	[dreg:$0x4] =	wrdreg $0xC  }
0xc0: {  	_ =	task.clear_ibuf [dreg:s22], $0x5FFFF;
	_ =	strace $0x90000055  }
0xc1: {  	s29 =	simm.s32 $0xC;
	_ =	strace $0x80000057  }
0xc2: {  	_ =	swait.ge [sflag:s29], $0x1  }
0xc3: {  	[sflag:s29] =	ssyncadd.s32 $0xFFFFFFFF  }
0xc4: {  	_ =	strace $0x90000057  }
0xc5: {  	_ =	sfence  }
0xc6: {  	s30 =	sld [smem:$0x0];
	_ =	sdelay $0x2  }
0xc7: {  	s31 =	sshll.u32 s1, $0xD;
	s1 =	sshrl.u32 s1, $0x2  }
0xc8: {  	s4 =	sand.u32 $0x4000, s31;
	s1 =	sadd.s32 s1, s30  }
0xc9: {  	s0 =	sor.u32 s4, s0;
	s1 =	sshll.u32 s1, $0x11  }
0xca: {  	s0 =	sor.u32 s1, s0  }
0xcb: {  	s0 =	sadd.s32 $0x8F2B, s0  }
0xcc: {  	[sflag:s0] =	ssyncadd.remote.s32 $0x1  }
0xcd: {  	_ =	sfence.sel $0xFFFF  }
0xce: {  	[dreg:$0x0] =	wrdreg $0xFFFFFFFF;
	(pc) =	sbr.abs _section_cstart, $3  }
0xcf: {  	[dreg:$0x1] =	wrdreg $0xFFFFFFFF  }
0xd0: {  	_ =	task.clear_ibuf [dreg:s22], $0x2FFFF;
	_ =	strace $0x9FFFFFFF  }
0xd1: {  	(tm) =	ssettm $0x7FFFFFFF  }
tec
execute0_lowered:
.L_overlay_start_1:
0x0: {  	(tag) =	ssettag $0x1  }
0x1: {  	s3 =	rddreg [dreg:$0x0]  }
0x2: {  	s0 =	srdreg.scid;
	s1 =	rddreg [dreg:$0x1];
	s2 =	simm.s32 $0x0  }
0x3: {  	s7 =	stileid.u32;
	s4 =	sand.u32 $0x1, s0;
	s0 =	rddreg [dreg:$0x2]  }
0x4: {  	[smem:$0x7FF] =	sst s2;
	s8 =	sshll.u32 s7, $0x6  }
0x5: {  	p0 =	sne.s32 s7, $0x0;
	s5 =	sshll.u32 s4, $0x5;
	s6 =	sshll.u32 s4, $0x4  }
0x6: {  	s4 =	ssub.s32 $0x2, s4;
	_ =	strace $0x80000056;
	s7 =	sshrl.u32 @!p0 s1, $0x3  }
0x7: {  	s5 =	sadd.s32 s5, s3;
	s6 =	sadd.s32 s6, s3;
	s30 =	sshrl.u32 s4, $0x1  }
0x8: {  	s9 =	ssub.s32 s4, s30;
	s31 =	sadd.s32 s8, s5;
	s4 =	sadd.s32 $0x4000, s6  }
0x9: {  	v0 =	vimm.f32 $0.0e+00;
	v1 =	vimm.f32 $1.000000000e+00;
	s6 =	simm.s32 $0x1;
	s3 =	sadd.s32 $0x3200, s31;
	s5 =	smax.u32 s9, $0x1  }
.LBB2_1:
0xa: {  	[tilespmem:s2], [sflag:$0x1] =	stream.linear.gather [hbm4b:s3+s2], $0x100, $0x38;
	[tilespmem:$0x420] =	vst v63  }
0xb: {  	_ =	swait.ge [sflag:s6], $0x100  }
0xc: {  	[sflag:s6] =	ssyncset.done $0x0  }
0xd: {  	[sflag:s6] =	ssyncadd.s32 $0xFFFFFF00  }
0xe: {  	[tilespmem:$0x100] =	vst v0  }
0xf: {  	[tilespmem:$0x110] =	vst v0  }
0x10: {  	[tilespmem:$0x120] =	vst v0  }
0x11: {  	[tilespmem:$0x130] =	vst v0  }
0x12: {  	[tilespmem:$0x140] =	vst v0  }
0x13: {  	[tilespmem:$0x150] =	vst v0  }
0x14: {  	[tilespmem:$0x160] =	vst v0  }
0x15: {  	[tilespmem:$0x170] =	vst v0  }
0x16: {  	[tilespmem:$0x180] =	vst v0  }
0x17: {  	[tilespmem:$0x190] =	vst v0  }
0x18: {  	[tilespmem:$0x1A0] =	vst v0  }
0x19: {  	[tilespmem:$0x1B0] =	vst v0  }
0x1a: {  	[tilespmem:$0x1C0] =	vst v0  }
0x1b: {  	[tilespmem:$0x1D0] =	vst v0  }
0x1c: {  	[tilespmem:$0x1E0] =	vst v0  }
0x1d: {  	[tilespmem:$0x1F0] =	vst v0  }
0x1e: {  	[tilespmem:$0x200] =	vst v0  }
0x1f: {  	[tilespmem:$0x210] =	vst v0  }
0x20: {  	[tilespmem:$0x220] =	vst v0  }
0x21: {  	[tilespmem:$0x230] =	vst v0  }
0x22: {  	[tilespmem:$0x240] =	vst v0  }
0x23: {  	[tilespmem:$0x250] =	vst v0  }
0x24: {  	[tilespmem:$0x260] =	vst v0  }
0x25: {  	[tilespmem:$0x270] =	vst v0  }
0x26: {  	[tilespmem:$0x280] =	vst v0  }
0x27: {  	[tilespmem:$0x290] =	vst v0  }
0x28: {  	[tilespmem:$0x2A0] =	vst v0  }
0x29: {  	[tilespmem:$0x2B0] =	vst v0  }
0x2a: {  	[tilespmem:$0x2C0] =	vst v0  }
0x2b: {  	[tilespmem:$0x2D0] =	vst v0  }
0x2c: {  	[tilespmem:$0x2E0] =	vst v0  }
0x2d: {  	[tilespmem:$0x2F0] =	vst v0  }
0x2e: {  	[tilespmem:$0x300] =	vst v1  }
0x2f: {  	[tilespmem:$0x310] =	vst v1  }
0x30: {  	[tilespmem:$0x320] =	vst v1  }
0x31: {  	[tilespmem:$0x330] =	vst v1  }
0x32: {  	[tilespmem:$0x340] =	vst v1  }
0x33: {  	[tilespmem:$0x350] =	vst v1  }
0x34: {  	[tilespmem:$0x360] =	vst v1  }
0x35: {  	[tilespmem:$0x370] =	vst v1  }
0x36: {  	[tilespmem:$0x380] =	vst v1  }
0x37: {  	[tilespmem:$0x390] =	vst v1  }
0x38: {  	[tilespmem:$0x3A0] =	vst v1  }
0x39: {  	[tilespmem:$0x3B0] =	vst v1  }
0x3a: {  	[tilespmem:$0x3C0] =	vst v1  }
0x3b: {  	[tilespmem:$0x3D0] =	vst v1  }
0x3c: {  	[tilespmem:$0x3E0] =	vst v1  }
0x3d: {  	s8 =	simm.s32 @p0 $0x100;
	[tilespmem:$0x3F0] =	vst v1  }
0x3e: {  	s9 =	simm.s32 @p0 $0x0;
	s10 =	simm.s32 @p0 $0x300;
	[bflag:$0x0] =	sbarrier.arrive @p0 $0xFFFF  }
0x3f: {  	[spmem:s1] =	stream.indirect.scatter.add.f32 @p0 [tilespmem:s10], [sflag:$0x1], $0x1, s9, s8, $0xb8;
	[tilespmem:$0x420] =	vst v63  }
0x40: {  	s8 =	simm.s32 @p0 $0x1  }
0x41: {  	_ =	swait.ge @p0 [sflag:s8], $0x100  }
0x42: {  	[sflag:s8] =	ssyncset.done @p0 $0x0  }
0x43: {  	[sflag:s8] =	ssyncadd.s32 @p0 $0xFFFFFF00  }
0x44: {  	s9 =	simm.s32 @!p0 $0x1;
	s8 =	simm.s32 @!p0 $0x100;
	[bflag:$0x0] =	sbarrier.arrive @p0 $0xFFFF  }
0x45: {  	[spmem:s1] =	stream.linear.scatter @!p0 [tilespmem:s8], [sflag:$0x1], $0x200, $0x38;
	[tilespmem:$0x420] =	vst v63  }
0x46: {  	_ =	swait.ge @!p0 [sflag:s9], $0x200  }
0x47: {  	[sflag:s9] =	ssyncset.done @!p0 $0x0  }
0x48: {  	[sflag:s9] =	ssyncadd.s32 @!p0 $0xFFFFFE00  }
0x49: {  	s11 =	simm.s32 @!p0 $0x300;
	s10 =	simm.s32 @!p0 $0x0;
	[bflag:$0x0] =	sbarrier.arrive @!p0 $0xFFFF  }
0x4a: {  	[spmem:s1] =	stream.indirect.scatter.add.f32 @!p0 [tilespmem:s11], [sflag:$0x1], $0x1, s10, s8, $0xb8;
	[tilespmem:$0x420] =	vst v63  }
0x4b: {  	s5 =	sadd.s32 $0xFFFFFFFF, s5;
	_ =	swait.ge @!p0 [sflag:s9], $0x100  }
0x4c: {  	p1 =	sne.s32 s5, $0x0;
	[sflag:s9] =	ssyncset.done @!p0 $0x0  }
0x4d: {  	s8 =	simm.s32 @!p0 $0x20;
	s10 =	simm.s32 @!p0 $0x10;
	[sflag:s9] =	ssyncadd.s32 @!p0 $0xFFFFFF00  }
.Ltmp0:
0x4e: {  	s11 =	simm.s32 @!p0 $0x1C01;
	[bflag:$0x0] =	sbarrier.arrive @!p0 $0xFFFF;
	(pc) =	sbr.rel @p1 .LBB2_1-.Ltmp0, $4  }
0x4f: {  	[hbm:s4@s8], [sflag:s11] =	dma.strided @!p0 [spmem:s7@s10], $0x40, s9, $0x10   }
0x50: {  	_ =	swait.ge @!p0 [sflag:s9], $0x40  }
0x51: {  	[sflag:s9] =	ssyncset.done @!p0 $0x0  }
0x52: {  	[sflag:s9] =	ssyncadd.s32 @!p0 $0xFFFFFFC0  }
0x53: {  	_ =	sfence.sel $0x180000  }
0x54: {  	[bflag:$0x0] =	sbarrier.arrive $0xFFFF  }
0x55: {  	_ =	strace $0x90000056  }
0x56: {  	s0 =	sadd.s32 @!p0 $0x100000, s0;
	[bflag:$0x2] =	sbarrier.arrive $0xFFFF  }
0x57: {  	[sflag:s0] =	ssyncadd.tile.s32 @!p0 $0x1;
	_ =	shalt  }
.Lfunc_end2:
_tile_overlayer_lowered:
.L_overlay_start_2:
0x58: {  	(tag) =	ssettag $0x2  }
0x59: {  	s0 =	rddreg [dreg:$0x0];
	s2 =	stileid.u32  }
0x5a: {  	s1 =	rddreg [dreg:$0x1];
	p0 =	sne.s32 s2, $0x0  }
0x5b: {  	s3 =	rddreg [dreg:$0x2];
	[bflag:$0x3] =	sbarrier.arrive $0xFFFF;
	s2 =	simm.s32 @!p0 $0x1C01  }
0x5c: {  	[timem:s3], [sflag:s2] =	dma.local @!p0 [hbm:s0], s1  }
0x5d: {  	s0 =	simm.s32 @!p0 $0x1  }
0x5e: {  	_ =	swait.ge @!p0 [sflag:s0], s1  }
0x5f: {  	s1 =	ssub.s32 @!p0 $0x0, s1;
	[sflag:s0] =	ssyncset.done @!p0 $0x0  }
0x60: {  	[sflag:s0] =	ssyncadd.s32 @!p0 s1  }
0x61: {  	[bflag:$0x3] =	sbarrier.arrive $0xFFFF  }
0x62: {  	_ =	shalt  }

</sc_bundles>
